<compile_context>
chip_gen: v7x
topology: tpu7x:2x2x1
jax: 0.10.2.dev20260603
libtpu: 0.0.44.dev20260713+nightly
codegen_flags: <defaults>
</compile_context>

<pallas_src>
import jax
import jax.numpy as jnp
from jax import lax
from jax.experimental import pallas as pl
from jax.experimental.pallas import tpu as pltpu
from jax.experimental.pallas import tpu_sc as plsc

N = 10000
D_IN = 128
D_HID = 256
D_OUT = 128

NC = 2
NS = 16
L = 16

CH = 128
NCHUNK_TILE = 160
E_PAD = NS * NCHUNK_TILE * CH
NCHUNK_ALL = E_PAD // CH
DEG_CHUNKS = NCHUNK_ALL // (NC * NS)

IB1 = 32
IB2 = 16

NT = 10240
RPT = NT // NS

ROW_BLK = 1280
N_BLK = NT // ROW_BLK

_mesh = plsc.VectorSubcoreMesh(core_axis_name="c", subcore_axis_name="s")


def _deg_body(dst_hbm, out_hbm, dst_v, deg_v):
    c = lax.axis_index("c")
    s = lax.axis_index("s")
    w = c * NS + s
    pltpu.sync_copy(dst_hbm.at[pl.ds(w * DEG_CHUNKS, DEG_CHUNKS)], dst_v)

    zero16 = jnp.zeros((L,), jnp.float32)

    def zbody(i, carry):
        deg_v[pl.ds(i * L, L)] = zero16
        return carry

    lax.fori_loop(0, NT // L, zbody, 0)

    ones16 = jnp.ones((L,), jnp.float32)
    vec_per_chunk = CH // L

    def sbody(k, carry):
        i = k // vec_per_chunk
        j = k % vec_per_chunk
        idx = dst_v[i, pl.ds(j * L, L)]
        plsc.addupdate_scatter(deg_v, [idx], ones16)
        return carry

    lax.fori_loop(0, DEG_CHUNKS * vec_per_chunk, sbody, 0)
    pltpu.sync_copy(deg_v, out_hbm.at[w])


_deg_kernel = pl.kernel(
    _deg_body,
    out_type=jax.ShapeDtypeStruct((NC * NS, NT), jnp.float32),
    mesh=_mesh,
    compiler_params=pltpu.CompilerParams(needs_layout_passes=False),
    scratch_types=[
        pltpu.VMEM((DEG_CHUNKS, CH), jnp.int32),
        pltpu.VMEM((NT,), jnp.float32),
    ],
)


BSH = 5
NBKT = NT >> BSH
EPT2 = E_PAD // (NC * NS)
NGRP = L * NBKT


def _sort_body(src_hbm, dst_hbm, osrc_hbm, odst_hbm, sv, dv, osv, odv, offs):
    c = lax.axis_index("c")
    s = lax.axis_index("s")
    w = c * NS + s
    ebase = w * EPT2
    pltpu.sync_copy(src_hbm.at[pl.ds(ebase, EPT2)], sv)
    pltpu.sync_copy(dst_hbm.at[pl.ds(ebase, EPT2)], dv)

    zero16 = jnp.zeros((L,), jnp.int32)
    ones16 = jnp.ones((L,), jnp.int32)
    lane320 = lax.iota(jnp.int32, L) * NBKT

    def zb(i, carry):
        offs[pl.ds(i * L, L)] = zero16
        return carry

    lax.fori_loop(0, NGRP // L, zb, 0)

    def cb(k, carry):
        g = lane320 + lax.shift_right_logical(sv[pl.ds(k * L, L)], BSH)
        plsc.addupdate_scatter(offs, [g], ones16)
        return carry

    lax.fori_loop(0, EPT2 // L, cb, 0)

    def pb(v, carry):
        x = offs[pl.ds(v * L, L)]
        inc = plsc.cumsum(x)
        offs[pl.ds(v * L, L)] = inc - x + carry
        return carry + jnp.sum(x)

    lax.fori_loop(0, NGRP // L, pb, jnp.int32(0))

    def mb(k, carry):
        s16 = sv[pl.ds(k * L, L)]
        d16 = dv[pl.ds(k * L, L)]
        g = lane320 + lax.shift_right_logical(s16, BSH)
        pos = plsc.load_gather(offs, [g])
        plsc.store_scatter(osv, [pos], s16)
        plsc.store_scatter(odv, [pos], d16)
        plsc.store_scatter(offs, [g], pos + 1)
        return carry

    lax.fori_loop(0, EPT2 // L, mb, 0)
    pltpu.sync_copy(osv, osrc_hbm.at[pl.ds(ebase, EPT2)])
    pltpu.sync_copy(odv, odst_hbm.at[pl.ds(ebase, EPT2)])


_sort_kernel = pl.kernel(
    _sort_body,
    out_type=(jax.ShapeDtypeStruct((E_PAD,), jnp.int32),
              jax.ShapeDtypeStruct((E_PAD,), jnp.int32)),
    mesh=_mesh,
    compiler_params=pltpu.CompilerParams(needs_layout_passes=False),
    scratch_types=[
        pltpu.VMEM((EPT2,), jnp.int32),
        pltpu.VMEM((EPT2,), jnp.int32),
        pltpu.VMEM((EPT2,), jnp.int32),
        pltpu.VMEM((EPT2,), jnp.int32),
        pltpu.VMEM((NGRP,), jnp.int32),
    ],
)


def _make_agg_kernel(dh):

    def body(src_hbm, dst_hbm, hs_a, hs_b, out_a, out_b,
             src_v, dst_v, buf0, buf1, acc, sem0, sem1, sems0, sems1):
        c = lax.axis_index("c")
        s = lax.axis_index("s")
        base = s * NCHUNK_TILE

        zero16 = jnp.zeros((L,), jnp.float32)

        def zbody(i, carry):
            for j in range(dh // L):
                buf0[i, pl.ds(j * L, L)] = zero16
            return carry

        lax.fori_loop(0, CH, zbody, 0)
        row0 = s * RPT
        for t in range(RPT // CH):
            pltpu.sync_copy(buf0, acc.at[pl.ds(row0 + t * CH, CH)])
        rem = RPT % CH
        if rem:
            pltpu.sync_copy(buf0.at[pl.ds(0, rem)],
                            acc.at[pl.ds(row0 + (RPT // CH) * CH, rem)])
        plsc.subcore_barrier()

        def mainloop(tbl):
            def ob_body(ob, carry):
                cb = base + ob * IB1
                pltpu.sync_copy(src_hbm.at[pl.ds(cb, IB1)], src_v)
                pltpu.sync_copy(dst_hbm.at[pl.ds(cb, IB1)], dst_v)

                HC = CH // 2

                def gpair(j, buf, sem):
                    pltpu.async_copy(tbl.at[src_v.at[j, pl.ds(0, HC)]],
                                     buf.at[pl.ds(0, HC)], sem)
                    pltpu.async_copy(tbl.at[src_v.at[j, pl.ds(HC, HC)]],
                                     buf.at[pl.ds(HC, HC)], sem)

                gpair(0, buf0, sem0)
                gpair(1, buf1, sem1)

                def step(j, buf, sem):
                    pltpu.make_async_copy(tbl, buf, sem).wait()
                    pltpu.sync_copy(buf, acc.at[dst_v.at[j]], add=True)

                    @pl.when(j + 2 < IB1)
                    def _():
                        gpair(j + 2, buf, sem)

                def lbody(i, carry2):
                    j = i * 2
                    step(j, buf0, sem0)
                    step(j + 1, buf1, sem1)
                    return carry2

                lax.fori_loop(0, IB1 // 2, lbody, 0)
                return carry

            lax.fori_loop(0, NCHUNK_TILE // IB1, ob_body, 0)

        @pl.when(c == 0)
        def _():
            mainloop(hs_a)

        @pl.when(c == 1)
        def _():
            mainloop(hs_b)

        plsc.subcore_barrier()

        @pl.when(c == 0)
        def _():
            pltpu.sync_copy(acc.at[pl.ds(row0, RPT)],
                            out_a.at[pl.ds(row0, RPT)])

        @pl.when(c == 1)
        def _():
            pltpu.sync_copy(acc.at[pl.ds(row0, RPT)],
                            out_b.at[pl.ds(row0, RPT)])

    return pl.kernel(
        body,
        out_type=(jax.ShapeDtypeStruct((NT, dh), jnp.float32),
                  jax.ShapeDtypeStruct((NT, dh), jnp.float32)),
        mesh=_mesh,
        compiler_params=pltpu.CompilerParams(needs_layout_passes=False),
        scratch_types=[
            pltpu.VMEM((IB1, CH), jnp.int32),
            pltpu.VMEM((IB1, CH), jnp.int32),
            pltpu.VMEM((CH, dh), jnp.float32),
            pltpu.VMEM((CH, dh), jnp.float32),
            pltpu.VMEM_SHARED((NT, dh), jnp.float32),
            pltpu.SemaphoreType.DMA,
            pltpu.SemaphoreType.DMA,
            pltpu.SemaphoreType.DMA,
            pltpu.SemaphoreType.DMA,
        ],
    )


_agg128 = _make_agg_kernel(D_HID // 2)

EDGE_CHUNK_TILE = NCHUNK_ALL // (NC * NS)


def _agg_edge_body(src_hbm, dst_hbm, hs, out_a, out_b,
                   src_v, dst_v, buf0, buf1, acc, sem0, sem1, sems0, sems1):
    c = lax.axis_index("c")
    s = lax.axis_index("s")
    base = (c * NS + s) * EDGE_CHUNK_TILE

    zero16 = jnp.zeros((L,), jnp.float32)

    def zbody(i, carry):
        for j in range(D_OUT // L):
            buf0[i, pl.ds(j * L, L)] = zero16
        return carry

    lax.fori_loop(0, CH, zbody, 0)
    row0 = s * RPT
    for t in range(RPT // CH):
        pltpu.sync_copy(buf0, acc.at[pl.ds(row0 + t * CH, CH)])
    plsc.subcore_barrier()

    def ob_body(ob, carry):
        cb = base + ob * IB2
        pltpu.sync_copy(src_hbm.at[pl.ds(cb, IB2)], src_v)
        pltpu.sync_copy(dst_hbm.at[pl.ds(cb, IB2)], dst_v)
        pltpu.async_copy(hs.at[src_v.at[0]], buf0, sem0)
        pltpu.async_copy(hs.at[src_v.at[1]], buf1, sem1)

        def step(j, buf, sem):
            pltpu.make_async_copy(hs.at[src_v.at[j]], buf, sem).wait()
            pltpu.sync_copy(buf, acc.at[dst_v.at[j]], add=True)

            @pl.when(j + 2 < IB2)
            def _():
                pltpu.async_copy(hs.at[src_v.at[j + 2]], buf, sem)

        def lbody(i, carry2):
            j = i * 2
            step(j, buf0, sem0)
            step(j + 1, buf1, sem1)
            return carry2

        lax.fori_loop(0, IB2 // 2, lbody, 0)
        return carry

    lax.fori_loop(0, EDGE_CHUNK_TILE // IB2, ob_body, 0)
    plsc.subcore_barrier()

    @pl.when(c == 0)
    def _():
        pltpu.sync_copy(acc.at[pl.ds(row0, RPT)], out_a.at[pl.ds(row0, RPT)])

    @pl.when(c == 1)
    def _():
        pltpu.sync_copy(acc.at[pl.ds(row0, RPT)], out_b.at[pl.ds(row0, RPT)])


_agg_edge = pl.kernel(
    _agg_edge_body,
    out_type=(jax.ShapeDtypeStruct((NT, D_OUT), jnp.float32),
              jax.ShapeDtypeStruct((NT, D_OUT), jnp.float32)),
    mesh=_mesh,
    compiler_params=pltpu.CompilerParams(needs_layout_passes=False),
    scratch_types=[
        pltpu.VMEM((IB2, CH), jnp.int32),
        pltpu.VMEM((IB2, CH), jnp.int32),
        pltpu.VMEM((CH, D_OUT), jnp.float32),
        pltpu.VMEM((CH, D_OUT), jnp.float32),
        pltpu.VMEM_SHARED((NT, D_OUT), jnp.float32),
        pltpu.SemaphoreType.DMA,
        pltpu.SemaphoreType.DMA,
        pltpu.SemaphoreType.DMA,
        pltpu.SemaphoreType.DMA,
    ],
)


def _tc1_body(deg_ref, x_ref, w1_ref, dinv_ref, hs_a_ref, hs_b_ref):
    deg = jnp.sum(deg_ref[...], axis=0) + 1.0
    dinv = lax.rsqrt(deg)
    dinv_ref[...] = dinv
    pid = pl.program_id(0)
    dinv_blk = dinv_ref[pl.ds(pid * ROW_BLK, ROW_BLK)]
    h = jnp.dot(x_ref[...], w1_ref[...],
                preferred_element_type=jnp.float32,
                precision=lax.Precision.HIGHEST)
    hs = h * dinv_blk[:, None]
    hs_a_ref[...] = hs[:, : D_HID // 2]
    hs_b_ref[...] = hs[:, D_HID // 2:]


def _tc1(deg_parts, x_pad, w1):
    return pl.pallas_call(
        _tc1_body,
        grid=(N_BLK,),
        in_specs=[
            pl.BlockSpec((NC * NS, NT), lambda i: (0, 0)),
            pl.BlockSpec((ROW_BLK, D_IN), lambda i: (i, 0)),
            pl.BlockSpec((D_IN, D_HID), lambda i: (0, 0)),
        ],
        out_specs=[
            pl.BlockSpec((NT,), lambda i: (0,)),
            pl.BlockSpec((ROW_BLK, D_HID // 2), lambda i: (i, 0)),
            pl.BlockSpec((ROW_BLK, D_HID // 2), lambda i: (i, 0)),
        ],
        out_shape=[
            jax.ShapeDtypeStruct((NT,), jnp.float32),
            jax.ShapeDtypeStruct((NT, D_HID // 2), jnp.float32),
            jax.ShapeDtypeStruct((NT, D_HID // 2), jnp.float32),
        ],
    )(deg_parts, x_pad, w1)


def _tc2_body(acc_a, acc_b, hs_a, hs_b, dinv_ref, b1_ref, w2_ref, o_ref):
    pid = pl.program_id(0)
    dinv = dinv_ref[pl.ds(pid * ROW_BLK, ROW_BLK)][:, None]
    b1 = b1_ref[...]
    ha = (acc_a[...] + hs_a[...]) * dinv + b1[0:1, : D_HID // 2]
    hb = (acc_b[...] + hs_b[...]) * dinv + b1[0:1, D_HID // 2:]
    h = jax.nn.relu(jnp.concatenate([ha, hb], axis=1))
    h2 = jnp.dot(h, w2_ref[...],
                 preferred_element_type=jnp.float32,
                 precision=lax.Precision.HIGHEST)
    o_ref[...] = h2 * dinv


def _tc2(acc_a, acc_b, hs_a, hs_b, dinv, b1, w2):
    dh = D_HID // 2
    return pl.pallas_call(
        _tc2_body,
        grid=(N_BLK,),
        in_specs=[
            pl.BlockSpec((ROW_BLK, dh), lambda i: (i, 0)),
            pl.BlockSpec((ROW_BLK, dh), lambda i: (i, 0)),
            pl.BlockSpec((ROW_BLK, dh), lambda i: (i, 0)),
            pl.BlockSpec((ROW_BLK, dh), lambda i: (i, 0)),
            pl.BlockSpec((NT,), lambda i: (0,)),
            pl.BlockSpec((1, D_HID), lambda i: (0, 0)),
            pl.BlockSpec((D_HID, D_OUT), lambda i: (0, 0)),
        ],
        out_specs=pl.BlockSpec((ROW_BLK, D_OUT), lambda i: (i, 0)),
        out_shape=jax.ShapeDtypeStruct((NT, D_OUT), jnp.float32),
    )(acc_a, acc_b, hs_a, hs_b, dinv, b1.reshape(1, D_HID), w2)


def _tc3_body(acc_a, acc_b, hs2_ref, dinv_ref, b2_ref, out_ref):
    pid = pl.program_id(0)
    dinv = dinv_ref[pl.ds(pid * ROW_BLK, ROW_BLK)][:, None]
    b2 = b2_ref[...]
    acc = acc_a[...] + acc_b[...] + hs2_ref[...]
    out_ref[...] = acc * dinv + b2


def _tc3(acc_a, acc_b, hs2, dinv, b2):
    return pl.pallas_call(
        _tc3_body,
        grid=(N_BLK,),
        in_specs=[
            pl.BlockSpec((ROW_BLK, D_OUT), lambda i: (i, 0)),
            pl.BlockSpec((ROW_BLK, D_OUT), lambda i: (i, 0)),
            pl.BlockSpec((ROW_BLK, D_OUT), lambda i: (i, 0)),
            pl.BlockSpec((NT,), lambda i: (0,)),
            pl.BlockSpec((1, D_OUT), lambda i: (0, 0)),
        ],
        out_specs=pl.BlockSpec((ROW_BLK, D_OUT), lambda i: (i, 0)),
        out_shape=jax.ShapeDtypeStruct((NT, D_OUT), jnp.float32),
    )(acc_a, acc_b, hs2, dinv, b2.reshape(1, D_OUT))


@jax.jit
def _run(x, edge_index, w1, b1, w2, b2):
    e = edge_index.shape[1]
    src = edge_index[0].astype(jnp.int32)
    dst = edge_index[1].astype(jnp.int32)
    pad = jnp.full((E_PAD - e,), N, dtype=jnp.int32)
    src1d = jnp.concatenate([src, pad])
    dst1d = jnp.concatenate([dst, pad])
    dst2d = dst1d.reshape(NCHUNK_ALL, CH)
    x_pad = jnp.pad(x, ((0, NT - N), (0, 0)))

    ssrc, sdst = _sort_kernel(src1d, dst1d)
    ssrc2d = ssrc.reshape(NCHUNK_ALL, CH)
    sdst2d = sdst.reshape(NCHUNK_ALL, CH)

    deg_parts = _deg_kernel(dst2d)
    dinv, hs1a, hs1b = _tc1(deg_parts, x_pad, w1)
    acc1a, acc1b = _agg128(ssrc2d, sdst2d, hs1a, hs1b)
    hs2 = _tc2(acc1a, acc1b, hs1a, hs1b, dinv, b1, w2)
    acc2a, acc2b = _agg_edge(ssrc2d, sdst2d, hs2)
    out = _tc3(acc2a, acc2b, hs2, dinv, b2)
    return out[:N]


def kernel(x, edge_index, W1, b1, W2, b2):
    return _run(x, edge_index, W1, b1, W2, b2)

# --- scband reference (transcript-rebuilt; emitter-appended) ---
"""Pipeline reference for scband-gcnencoder-56607668961286 (READ-ONLY COPY).

The authoritative reference and input builder live on the scoring server;
editing this copy changes nothing except your own understanding.
"""

import jax, jax.numpy as jnp
import numpy as np

N = 10000
E = 320000
D_IN = 128
D_OUT = 128


def setup_inputs(seed: int = 0) -> dict:
    key = jax.random.key(seed)
    k1, k2, k3, k4 = jax.random.split(key, 4)
    x = jax.random.normal(k1, (N, D_IN), dtype=jnp.float32)
    edge_index = jax.random.randint(k2, (2, E), 0, N)
    W1 = jax.random.normal(k3, (D_IN, 2 * D_OUT), dtype=jnp.float32) * 0.05
    b1 = jnp.zeros((2 * D_OUT,), dtype=jnp.float32)
    W2 = jax.random.normal(k4, (2 * D_OUT, D_OUT), dtype=jnp.float32) * 0.05
    b2 = jnp.zeros((D_OUT,), dtype=jnp.float32)
    return {"x": x, "edge_index": edge_index, "W1": W1, "b1": b1, "W2": W2, "b2": b2}


def gcn_conv(x, edge_index, W, b):
    # Faithful PyG GCNConv: add self-loops, symmetric normalization D^-1/2 A D^-1/2, linear transform, bias
    n = x.shape[0]
    loop = jnp.arange(n, dtype=edge_index.dtype)
    src = jnp.concatenate([edge_index[0], loop])
    dst = jnp.concatenate([edge_index[1], loop])
    deg = jnp.zeros((n,), dtype=x.dtype).at[dst].add(1.0)
    deg_inv_sqrt = jnp.where(deg > 0, 1.0 / jnp.sqrt(deg), 0.0)
    norm = deg_inv_sqrt[src] * deg_inv_sqrt[dst]
    h = x @ W
    msg = h[src] * norm[:, None]
    out = jnp.zeros((n, W.shape[1]), dtype=x.dtype).at[dst].add(msg)
    return out + b


def reference(x, edge_index, W1, b1, W2, b2):
    h = jax.nn.relu(gcn_conv(x, edge_index, W1, b1))
    return gcn_conv(h, edge_index, W2, b2)

if __name__ == "__main__":
    import jax
    _d = setup_inputs()
    print(jax.jit(kernel)(*tuple(_d.values())))

</pallas_src>

<mosaic_0001>
#map = affine_map<(d0, d1) -> (0, 0)>
module attributes {stable_mosaic.version = 14 : i64} {
  func.func @_agg_edge_body(%arg0: i32, %arg1: i32, %arg2: memref<2560x128xi32, #tpu.memory_space<hbm>>, %arg3: memref<2560x128xi32, #tpu.memory_space<hbm>>, %arg4: memref<10240x128xf32, #tpu.memory_space<hbm>>, %arg5: memref<10240x128xf32, #tpu.memory_space<hbm>>, %arg6: memref<10240x128xf32, #tpu.memory_space<hbm>>, %arg7: memref<16x128xi32, #tpu.memory_space<vmem>>, %arg8: memref<16x128xi32, #tpu.memory_space<vmem>>, %arg9: memref<128x128xf32, #tpu.memory_space<vmem>>, %arg10: memref<128x128xf32, #tpu.memory_space<vmem>>, %arg11: memref<10240x128xf32, #tpu.memory_space<vmem_shared>>, %arg12: memref<!tpu.dma_semaphore, #tpu.memory_space<semaphore_mem>>, %arg13: memref<!tpu.dma_semaphore, #tpu.memory_space<semaphore_mem>>, %arg14: memref<!tpu.dma_semaphore, #tpu.memory_space<semaphore_mem>>, %arg15: memref<!tpu.dma_semaphore, #tpu.memory_space<semaphore_mem>>) attributes {dimension_semantics = [#tpu.dimension_semantics<core_parallel>, #tpu.dimension_semantics<subcore_parallel>], iteration_bounds = array<i64: 2, 16>, scalar_prefetch = 0 : i64, scratch_operands = 9 : i64, tpu.core_type = #tpu.core_type<sc_vector_subcore>, window_params = [{transform_indices = #map}, {transform_indices = #map}, {transform_indices = #map}, {transform_indices = #map}, {transform_indices = #map}]} {
    %mul3A = arith.constant 16 : i32
    %mul3A_0 = arith.muli %arg0, %mul3A : i32
    %add3A = arith.addi %mul3A_0, %arg1 : i32
    %mul3A_1 = arith.constant 80 : i32
    %mul3A_2 = arith.muli %add3A, %mul3A_1 : i32
    %broadcast_in_dim3A = arith.constant 0.000000e+00 : f32
    %broadcast_in_dim3A_3 = vector.broadcast %broadcast_in_dim3A : f32 to vector<16xf32>
    %scan3A = arith.constant 0 : i32
    %scan3A_4 = arith.constant 0 : i32
    %scan3A_5 = arith.constant 128 : i32
    %scan3A_6 = arith.addi %scan3A_4, %scan3A_5 : i32
    %scan3A_7 = arith.constant 1 : i32
    scf.for %scan3A_35 = %scan3A_4 to %scan3A_6 step %scan3A_7  : i32 {
      %swap3A = arith.index_cast %scan3A_35 : i32 to index
      %swap3A_36 = arith.constant 0 : index
      %swap3A_37 = tpu.vector_load %arg9[%swap3A, %swap3A_36] {strides = array<i32>} : memref<128x128xf32, #tpu.memory_space<vmem>>, vector<16xf32>,
      tpu.vector_store %arg9[%swap3A, %swap3A_36], %broadcast_in_dim3A_3 {strides = array<i32>} : memref<128x128xf32, #tpu.memory_space<vmem>>, vector<16xf32>,
      %swap3A_38 = arith.index_cast %scan3A_35 : i32 to index
      %swap3A_39 = arith.constant 16 : index
      %swap3A_40 = tpu.vector_load %arg9[%swap3A_38, %swap3A_39] {strides = array<i32>} : memref<128x128xf32, #tpu.memory_space<vmem>>, vector<16xf32>,
      tpu.vector_store %arg9[%swap3A_38, %swap3A_39], %broadcast_in_dim3A_3 {strides = array<i32>} : memref<128x128xf32, #tpu.memory_space<vmem>>, vector<16xf32>,
      %swap3A_41 = arith.index_cast %scan3A_35 : i32 to index
      %swap3A_42 = arith.constant 32 : index
      %swap3A_43 = tpu.vector_load %arg9[%swap3A_41, %swap3A_42] {strides = array<i32>} : memref<128x128xf32, #tpu.memory_space<vmem>>, vector<16xf32>,
      tpu.vector_store %arg9[%swap3A_41, %swap3A_42], %broadcast_in_dim3A_3 {strides = array<i32>} : memref<128x128xf32, #tpu.memory_space<vmem>>, vector<16xf32>,
      %swap3A_44 = arith.index_cast %scan3A_35 : i32 to index
      %swap3A_45 = arith.constant 48 : index
      %swap3A_46 = tpu.vector_load %arg9[%swap3A_44, %swap3A_45] {strides = array<i32>} : memref<128x128xf32, #tpu.memory_space<vmem>>, vector<16xf32>,
      tpu.vector_store %arg9[%swap3A_44, %swap3A_45], %broadcast_in_dim3A_3 {strides = array<i32>} : memref<128x128xf32, #tpu.memory_space<vmem>>, vector<16xf32>,
      %swap3A_47 = arith.index_cast %scan3A_35 : i32 to index
      %swap3A_48 = arith.constant 64 : index
      %swap3A_49 = tpu.vector_load %arg9[%swap3A_47, %swap3A_48] {strides = array<i32>} : memref<128x128xf32, #tpu.memory_space<vmem>>, vector<16xf32>,
      tpu.vector_store %arg9[%swap3A_47, %swap3A_48], %broadcast_in_dim3A_3 {strides = array<i32>} : memref<128x128xf32, #tpu.memory_space<vmem>>, vector<16xf32>,
      %swap3A_50 = arith.index_cast %scan3A_35 : i32 to index
      %swap3A_51 = arith.constant 80 : index
      %swap3A_52 = tpu.vector_load %arg9[%swap3A_50, %swap3A_51] {strides = array<i32>} : memref<128x128xf32, #tpu.memory_space<vmem>>, vector<16xf32>,
      tpu.vector_store %arg9[%swap3A_50, %swap3A_51], %broadcast_in_dim3A_3 {strides = array<i32>} : memref<128x128xf32, #tpu.memory_space<vmem>>, vector<16xf32>,
      %swap3A_53 = arith.index_cast %scan3A_35 : i32 to index
      %swap3A_54 = arith.constant 96 : index
      %swap3A_55 = tpu.vector_load %arg9[%swap3A_53, %swap3A_54] {strides = array<i32>} : memref<128x128xf32, #tpu.memory_space<vmem>>, vector<16xf32>,
      tpu.vector_store %arg9[%swap3A_53, %swap3A_54], %broadcast_in_dim3A_3 {strides = array<i32>} : memref<128x128xf32, #tpu.memory_space<vmem>>, vector<16xf32>,
      %swap3A_56 = arith.index_cast %scan3A_35 : i32 to index
      %swap3A_57 = arith.constant 112 : index
      %swap3A_58 = tpu.vector_load %arg9[%swap3A_56, %swap3A_57] {strides = array<i32>} : memref<128x128xf32, #tpu.memory_space<vmem>>, vector<16xf32>,
      tpu.vector_store %arg9[%swap3A_56, %swap3A_57], %broadcast_in_dim3A_3 {strides = array<i32>} : memref<128x128xf32, #tpu.memory_space<vmem>>, vector<16xf32>,
    }
    %scan3A_8 = arith.constant 128 : i32
    %mul3A_9 = arith.constant 640 : i32
    %mul3A_10 = arith.muli %arg1, %mul3A_9 : i32
    %add3A_11 = arith.constant 0 : i32
    %add3A_12 = arith.addi %mul3A_10, %add3A_11 : i32
    "tpu.region"() ({
      %run_scoped3A = tpu.sem_alloc : memref<!tpu.dma_semaphore, #tpu.memory_space<semaphore_mem>>
      %dma_start3A = arith.constant 0 : i32
      %dma_start3A_35 = tpu.memref_slice %arg11[%add3A_12, %dma_start3A] : memref<10240x128xf32, #tpu.memory_space<vmem_shared>> -> memref<128x128xf32, #tpu.memory_space<vmem_shared>>
      %dma_start3A_36 = arith.constant 0 : i32
      %dma_start3A_37 = tpu.memref_slice %arg11[%add3A_12, %dma_start3A_36] : memref<10240x128xf32, #tpu.memory_space<vmem_shared>> -> memref<128x128xf32, #tpu.memory_space<vmem_shared>>
      tpu.enqueue_dma source(%arg9 : memref<128x128xf32, #tpu.memory_space<vmem>>) target(%dma_start3A_37 : memref<128x128xf32, #tpu.memory_space<vmem_shared>>) target_semaphore(%run_scoped3A : memref<!tpu.dma_semaphore, #tpu.memory_space<semaphore_mem>>)
      %dma_wait3A = arith.constant 0 : i32
      %dma_wait3A_38 = tpu.memref_slice %arg11[%add3A_12, %dma_wait3A] : memref<10240x128xf32, #tpu.memory_space<vmem_shared>> -> memref<128x128xf32, #tpu.memory_space<vmem_shared>>
      %dma_wait3A_39 = arith.constant 0 : i32
      %dma_wait3A_40 = tpu.memref_slice %arg11[%add3A_12, %dma_wait3A_39] : memref<10240x128xf32, #tpu.memory_space<vmem_shared>> -> memref<128x128xf32, #tpu.memory_space<vmem_shared>>
      tpu.wait_dma2 semaphore(%run_scoped3A : memref<!tpu.dma_semaphore, #tpu.memory_space<semaphore_mem>>) src(%arg9 : memref<128x128xf32, #tpu.memory_space<vmem>>) dst(%dma_wait3A_40 : memref<128x128xf32, #tpu.memory_space<vmem_shared>>)
      tpu.yield
    }) : () -> ()
    %add3A_13 = arith.constant 128 : i32
    %add3A_14 = arith.addi %mul3A_10, %add3A_13 : i32
    "tpu.region"() ({
      %run_scoped3A = tpu.sem_alloc : memref<!tpu.dma_semaphore, #tpu.memory_space<semaphore_mem>>
      %dma_start3A = arith.constant 0 : i32
      %dma_start3A_35 = tpu.memref_slice %arg11[%add3A_14, %dma_start3A] : memref<10240x128xf32, #tpu.memory_space<vmem_shared>> -> memref<128x128xf32, #tpu.memory_space<vmem_shared>>
      %dma_start3A_36 = arith.constant 0 : i32
      %dma_start3A_37 = tpu.memref_slice %arg11[%add3A_14, %dma_start3A_36] : memref<10240x128xf32, #tpu.memory_space<vmem_shared>> -> memref<128x128xf32, #tpu.memory_space<vmem_shared>>
      tpu.enqueue_dma source(%arg9 : memref<128x128xf32, #tpu.memory_space<vmem>>) target(%dma_start3A_37 : memref<128x128xf32, #tpu.memory_space<vmem_shared>>) target_semaphore(%run_scoped3A : memref<!tpu.dma_semaphore, #tpu.memory_space<semaphore_mem>>)
      %dma_wait3A = arith.constant 0 : i32
      %dma_wait3A_38 = tpu.memref_slice %arg11[%add3A_14, %dma_wait3A] : memref<10240x128xf32, #tpu.memory_space<vmem_shared>> -> memref<128x128xf32, #tpu.memory_space<vmem_shared>>
      %dma_wait3A_39 = arith.constant 0 : i32
      %dma_wait3A_40 = tpu.memref_slice %arg11[%add3A_14, %dma_wait3A_39] : memref<10240x128xf32, #tpu.memory_space<vmem_shared>> -> memref<128x128xf32, #tpu.memory_space<vmem_shared>>
      tpu.wait_dma2 semaphore(%run_scoped3A : memref<!tpu.dma_semaphore, #tpu.memory_space<semaphore_mem>>) src(%arg9 : memref<128x128xf32, #tpu.memory_space<vmem>>) dst(%dma_wait3A_40 : memref<128x128xf32, #tpu.memory_space<vmem_shared>>)
      tpu.yield
    }) : () -> ()
    %add3A_15 = arith.constant 256 : i32
    %add3A_16 = arith.addi %mul3A_10, %add3A_15 : i32
    "tpu.region"() ({
      %run_scoped3A = tpu.sem_alloc : memref<!tpu.dma_semaphore, #tpu.memory_space<semaphore_mem>>
      %dma_start3A = arith.constant 0 : i32
      %dma_start3A_35 = tpu.memref_slice %arg11[%add3A_16, %dma_start3A] : memref<10240x128xf32, #tpu.memory_space<vmem_shared>> -> memref<128x128xf32, #tpu.memory_space<vmem_shared>>
      %dma_start3A_36 = arith.constant 0 : i32
      %dma_start3A_37 = tpu.memref_slice %arg11[%add3A_16, %dma_start3A_36] : memref<10240x128xf32, #tpu.memory_space<vmem_shared>> -> memref<128x128xf32, #tpu.memory_space<vmem_shared>>
      tpu.enqueue_dma source(%arg9 : memref<128x128xf32, #tpu.memory_space<vmem>>) target(%dma_start3A_37 : memref<128x128xf32, #tpu.memory_space<vmem_shared>>) target_semaphore(%run_scoped3A : memref<!tpu.dma_semaphore, #tpu.memory_space<semaphore_mem>>)
      %dma_wait3A = arith.constant 0 : i32
      %dma_wait3A_38 = tpu.memref_slice %arg11[%add3A_16, %dma_wait3A] : memref<10240x128xf32, #tpu.memory_space<vmem_shared>> -> memref<128x128xf32, #tpu.memory_space<vmem_shared>>
      %dma_wait3A_39 = arith.constant 0 : i32
      %dma_wait3A_40 = tpu.memref_slice %arg11[%add3A_16, %dma_wait3A_39] : memref<10240x128xf32, #tpu.memory_space<vmem_shared>> -> memref<128x128xf32, #tpu.memory_space<vmem_shared>>
      tpu.wait_dma2 semaphore(%run_scoped3A : memref<!tpu.dma_semaphore, #tpu.memory_space<semaphore_mem>>) src(%arg9 : memref<128x128xf32, #tpu.memory_space<vmem>>) dst(%dma_wait3A_40 : memref<128x128xf32, #tpu.memory_space<vmem_shared>>)
      tpu.yield
    }) : () -> ()
    %add3A_17 = arith.constant 384 : i32
    %add3A_18 = arith.addi %mul3A_10, %add3A_17 : i32
    "tpu.region"() ({
      %run_scoped3A = tpu.sem_alloc : memref<!tpu.dma_semaphore, #tpu.memory_space<semaphore_mem>>
      %dma_start3A = arith.constant 0 : i32
      %dma_start3A_35 = tpu.memref_slice %arg11[%add3A_18, %dma_start3A] : memref<10240x128xf32, #tpu.memory_space<vmem_shared>> -> memref<128x128xf32, #tpu.memory_space<vmem_shared>>
      %dma_start3A_36 = arith.constant 0 : i32
      %dma_start3A_37 = tpu.memref_slice %arg11[%add3A_18, %dma_start3A_36] : memref<10240x128xf32, #tpu.memory_space<vmem_shared>> -> memref<128x128xf32, #tpu.memory_space<vmem_shared>>
      tpu.enqueue_dma source(%arg9 : memref<128x128xf32, #tpu.memory_space<vmem>>) target(%dma_start3A_37 : memref<128x128xf32, #tpu.memory_space<vmem_shared>>) target_semaphore(%run_scoped3A : memref<!tpu.dma_semaphore, #tpu.memory_space<semaphore_mem>>)
      %dma_wait3A = arith.constant 0 : i32
      %dma_wait3A_38 = tpu.memref_slice %arg11[%add3A_18, %dma_wait3A] : memref<10240x128xf32, #tpu.memory_space<vmem_shared>> -> memref<128x128xf32, #tpu.memory_space<vmem_shared>>
      %dma_wait3A_39 = arith.constant 0 : i32
      %dma_wait3A_40 = tpu.memref_slice %arg11[%add3A_18, %dma_wait3A_39] : memref<10240x128xf32, #tpu.memory_space<vmem_shared>> -> memref<128x128xf32, #tpu.memory_space<vmem_shared>>
      tpu.wait_dma2 semaphore(%run_scoped3A : memref<!tpu.dma_semaphore, #tpu.memory_space<semaphore_mem>>) src(%arg9 : memref<128x128xf32, #tpu.memory_space<vmem>>) dst(%dma_wait3A_40 : memref<128x128xf32, #tpu.memory_space<vmem_shared>>)
      tpu.yield
    }) : () -> ()
    %add3A_19 = arith.constant 512 : i32
    %add3A_20 = arith.addi %mul3A_10, %add3A_19 : i32
    "tpu.region"() ({
      %run_scoped3A = tpu.sem_alloc : memref<!tpu.dma_semaphore, #tpu.memory_space<semaphore_mem>>
      %dma_start3A = arith.constant 0 : i32
      %dma_start3A_35 = tpu.memref_slice %arg11[%add3A_20, %dma_start3A] : memref<10240x128xf32, #tpu.memory_space<vmem_shared>> -> memref<128x128xf32, #tpu.memory_space<vmem_shared>>
      %dma_start3A_36 = arith.constant 0 : i32
      %dma_start3A_37 = tpu.memref_slice %arg11[%add3A_20, %dma_start3A_36] : memref<10240x128xf32, #tpu.memory_space<vmem_shared>> -> memref<128x128xf32, #tpu.memory_space<vmem_shared>>
      tpu.enqueue_dma source(%arg9 : memref<128x128xf32, #tpu.memory_space<vmem>>) target(%dma_start3A_37 : memref<128x128xf32, #tpu.memory_space<vmem_shared>>) target_semaphore(%run_scoped3A : memref<!tpu.dma_semaphore, #tpu.memory_space<semaphore_mem>>)
      %dma_wait3A = arith.constant 0 : i32
      %dma_wait3A_38 = tpu.memref_slice %arg11[%add3A_20, %dma_wait3A] : memref<10240x128xf32, #tpu.memory_space<vmem_shared>> -> memref<128x128xf32, #tpu.memory_space<vmem_shared>>
      %dma_wait3A_39 = arith.constant 0 : i32
      %dma_wait3A_40 = tpu.memref_slice %arg11[%add3A_20, %dma_wait3A_39] : memref<10240x128xf32, #tpu.memory_space<vmem_shared>> -> memref<128x128xf32, #tpu.memory_space<vmem_shared>>
      tpu.wait_dma2 semaphore(%run_scoped3A : memref<!tpu.dma_semaphore, #tpu.memory_space<semaphore_mem>>) src(%arg9 : memref<128x128xf32, #tpu.memory_space<vmem>>) dst(%dma_wait3A_40 : memref<128x128xf32, #tpu.memory_space<vmem_shared>>)
      tpu.yield
    }) : () -> ()
    %barrier3A = arith.constant 0 : index
    tpu.barrier barrier_id(%barrier3A)
    %scan3A_21 = arith.constant 0 : i32
    %scan3A_22 = arith.constant 0 : i32
    %scan3A_23 = arith.constant 5 : i32
    %scan3A_24 = arith.addi %scan3A_22, %scan3A_23 : i32
    %scan3A_25 = arith.constant 1 : i32
    scf.for %scan3A_35 = %scan3A_22 to %scan3A_24 step %scan3A_25  : i32 {
      %mul3A_36 = arith.constant 16 : i32
      %mul3A_37 = arith.muli %scan3A_35, %mul3A_36 : i32
      %add3A_38 = arith.addi %mul3A_2, %mul3A_37 : i32
      "tpu.region"() ({
        %run_scoped3A = tpu.sem_alloc : memref<!tpu.dma_semaphore, #tpu.memory_space<semaphore_mem>>
        %dma_start3A_58 = arith.constant 0 : i32
        %dma_start3A_59 = tpu.memref_slice %arg2[%add3A_38, %dma_start3A_58] : memref<2560x128xi32, #tpu.memory_space<hbm>> -> memref<16x128xi32, #tpu.memory_space<hbm>>
        %dma_start3A_60 = arith.constant 0 : i32
        %dma_start3A_61 = tpu.memref_slice %arg2[%add3A_38, %dma_start3A_60] : memref<2560x128xi32, #tpu.memory_space<hbm>> -> memref<16x128xi32, #tpu.memory_space<hbm>>
        tpu.enqueue_dma source(%dma_start3A_61 : memref<16x128xi32, #tpu.memory_space<hbm>>) target(%arg7 : memref<16x128xi32, #tpu.memory_space<vmem>>) target_semaphore(%run_scoped3A : memref<!tpu.dma_semaphore, #tpu.memory_space<semaphore_mem>>)
        %dma_wait3A = arith.constant 0 : i32
        %dma_wait3A_62 = tpu.memref_slice %arg2[%add3A_38, %dma_wait3A] : memref<2560x128xi32, #tpu.memory_space<hbm>> -> memref<16x128xi32, #tpu.memory_space<hbm>>
        %dma_wait3A_63 = arith.constant 0 : i32
        %dma_wait3A_64 = tpu.memref_slice %arg2[%add3A_38, %dma_wait3A_63] : memref<2560x128xi32, #tpu.memory_space<hbm>> -> memref<16x128xi32, #tpu.memory_space<hbm>>
        tpu.wait_dma2 semaphore(%run_scoped3A : memref<!tpu.dma_semaphore, #tpu.memory_space<semaphore_mem>>) src(%dma_wait3A_64 : memref<16x128xi32, #tpu.memory_space<hbm>>) dst(%arg7 : memref<16x128xi32, #tpu.memory_space<vmem>>)
        tpu.yield
      }) : () -> ()
      "tpu.region"() ({
        %run_scoped3A = tpu.sem_alloc : memref<!tpu.dma_semaphore, #tpu.memory_space<semaphore_mem>>
        %dma_start3A_58 = arith.constant 0 : i32
        %dma_start3A_59 = tpu.memref_slice %arg3[%add3A_38, %dma_start3A_58] : memref<2560x128xi32, #tpu.memory_space<hbm>> -> memref<16x128xi32, #tpu.memory_space<hbm>>
        %dma_start3A_60 = arith.constant 0 : i32
        %dma_start3A_61 = tpu.memref_slice %arg3[%add3A_38, %dma_start3A_60] : memref<2560x128xi32, #tpu.memory_space<hbm>> -> memref<16x128xi32, #tpu.memory_space<hbm>>
        tpu.enqueue_dma source(%dma_start3A_61 : memref<16x128xi32, #tpu.memory_space<hbm>>) target(%arg8 : memref<16x128xi32, #tpu.memory_space<vmem>>) target_semaphore(%run_scoped3A : memref<!tpu.dma_semaphore, #tpu.memory_space<semaphore_mem>>)
        %dma_wait3A = arith.constant 0 : i32
        %dma_wait3A_62 = tpu.memref_slice %arg3[%add3A_38, %dma_wait3A] : memref<2560x128xi32, #tpu.memory_space<hbm>> -> memref<16x128xi32, #tpu.memory_space<hbm>>
        %dma_wait3A_63 = arith.constant 0 : i32
        %dma_wait3A_64 = tpu.memref_slice %arg3[%add3A_38, %dma_wait3A_63] : memref<2560x128xi32, #tpu.memory_space<hbm>> -> memref<16x128xi32, #tpu.memory_space<hbm>>
        tpu.wait_dma2 semaphore(%run_scoped3A : memref<!tpu.dma_semaphore, #tpu.memory_space<semaphore_mem>>) src(%dma_wait3A_64 : memref<16x128xi32, #tpu.memory_space<hbm>>) dst(%arg8 : memref<16x128xi32, #tpu.memory_space<vmem>>)
        tpu.yield
      }) : () -> ()
      %dma_start3A = arith.constant 0 : i32
      %dma_start3A_39 = arith.constant 0 : i32
      %dma_start3A_40 = tpu.memref_slice %arg7[%dma_start3A, %dma_start3A_39] : memref<16x128xi32, #tpu.memory_space<vmem>> -> memref<1x128xi32, #tpu.memory_space<vmem>>
      %dma_start3A_41 = tpu.memref_squeeze %dma_start3A_40 : memref<1x128xi32, #tpu.memory_space<vmem>> -> memref<128xi32, #tpu.memory_space<vmem>>
      %dma_start3A_42 = arith.constant 0 : i32
      %dma_start3A_43 = arith.constant 0 : i32
      %dma_start3A_44 = tpu.memref_slice %arg4[%dma_start3A_42, %dma_start3A_43] : memref<10240x128xf32, #tpu.memory_space<hbm>> -> memref<10240x128xf32, #tpu.memory_space<hbm>>
      tpu.enqueue_indirect_dma source(%dma_start3A_44 : memref<10240x128xf32, #tpu.memory_space<hbm>>) target(%arg9 : memref<128x128xf32, #tpu.memory_space<vmem>>) offsets(%dma_start3A_41 : memref<128xi32, #tpu.memory_space<vmem>>) semaphore(%arg12 : memref<!tpu.dma_semaphore, #tpu.memory_space<semaphore_mem>>)
      %dma_start3A_45 = arith.constant 1 : i32
      %dma_start3A_46 = arith.constant 0 : i32
      %dma_start3A_47 = tpu.memref_slice %arg7[%dma_start3A_45, %dma_start3A_46] : memref<16x128xi32, #tpu.memory_space<vmem>> -> memref<1x128xi32, #tpu.memory_space<vmem>>
      %dma_start3A_48 = tpu.memref_squeeze %dma_start3A_47 : memref<1x128xi32, #tpu.memory_space<vmem>> -> memref<128xi32, #tpu.memory_space<vmem>>
      %dma_start3A_49 = arith.constant 0 : i32
      %dma_start3A_50 = arith.constant 0 : i32
      %dma_start3A_51 = tpu.memref_slice %arg4[%dma_start3A_49, %dma_start3A_50] : memref<10240x128xf32, #tpu.memory_space<hbm>> -> memref<10240x128xf32, #tpu.memory_space<hbm>>
      tpu.enqueue_indirect_dma source(%dma_start3A_51 : memref<10240x128xf32, #tpu.memory_space<hbm>>) target(%arg10 : memref<128x128xf32, #tpu.memory_space<vmem>>) offsets(%dma_start3A_48 : memref<128xi32, #tpu.memory_space<vmem>>) semaphore(%arg13 : memref<!tpu.dma_semaphore, #tpu.memory_space<semaphore_mem>>)
      %scan3A_52 = arith.constant 0 : i32
      %scan3A_53 = arith.constant 0 : i32
      %scan3A_54 = arith.constant 8 : i32
      %scan3A_55 = arith.addi %scan3A_53, %scan3A_54 : i32
      %scan3A_56 = arith.constant 1 : i32
      scf.for %scan3A_58 = %scan3A_53 to %scan3A_55 step %scan3A_56  : i32 {
        %mul3A_59 = arith.constant 2 : i32
        %mul3A_60 = arith.muli %scan3A_58, %mul3A_59 : i32
        %dma_wait3A = arith.constant 0 : i32
        %dma_wait3A_61 = tpu.memref_slice %arg7[%mul3A_60, %dma_wait3A] : memref<16x128xi32, #tpu.memory_space<vmem>> -> memref<1x128xi32, #tpu.memory_space<vmem>>
        %dma_wait3A_62 = tpu.memref_squeeze %dma_wait3A_61 : memref<1x128xi32, #tpu.memory_space<vmem>> -> memref<128xi32, #tpu.memory_space<vmem>>
        %dma_wait3A_63 = arith.constant 0 : i32
        %dma_wait3A_64 = arith.constant 0 : i32
        %dma_wait3A_65 = tpu.memref_slice %arg4[%dma_wait3A_63, %dma_wait3A_64] : memref<10240x128xf32, #tpu.memory_space<hbm>> -> memref<10240x128xf32, #tpu.memory_space<hbm>>
        tpu.wait_indirect_dma semaphore(%arg12 : memref<!tpu.dma_semaphore, #tpu.memory_space<semaphore_mem>>) src(%dma_wait3A_65 : memref<10240x128xf32, #tpu.memory_space<hbm>>) dst(%arg9 : memref<128x128xf32, #tpu.memory_space<vmem>>)
        "tpu.region"() ({
          %run_scoped3A = tpu.sem_alloc : memref<!tpu.dma_semaphore, #tpu.memory_space<semaphore_mem>>
          %dma_start3A_87 = arith.constant 0 : i32
          %dma_start3A_88 = tpu.memref_slice %arg8[%mul3A_60, %dma_start3A_87] : memref<16x128xi32, #tpu.memory_space<vmem>> -> memref<1x128xi32, #tpu.memory_space<vmem>>
          %dma_start3A_89 = tpu.memref_squeeze %dma_start3A_88 : memref<1x128xi32, #tpu.memory_space<vmem>> -> memref<128xi32, #tpu.memory_space<vmem>>
          %dma_start3A_90 = arith.constant 0 : i32
          %dma_start3A_91 = arith.constant 0 : i32
          %dma_start3A_92 = tpu.memref_slice %arg11[%dma_start3A_90, %dma_start3A_91] : memref<10240x128xf32, #tpu.memory_space<vmem_shared>> -> memref<10240x128xf32, #tpu.memory_space<vmem_shared>>
          tpu.enqueue_indirect_dma source(%arg9 : memref<128x128xf32, #tpu.memory_space<vmem>>) target(%dma_start3A_92 : memref<10240x128xf32, #tpu.memory_space<vmem_shared>>) offsets(%dma_start3A_89 : memref<128xi32, #tpu.memory_space<vmem>>) semaphore(%run_scoped3A : memref<!tpu.dma_semaphore, #tpu.memory_space<semaphore_mem>>) {add = true}
          %dma_wait3A_93 = arith.constant 0 : i32
          %dma_wait3A_94 = tpu.memref_slice %arg8[%mul3A_60, %dma_wait3A_93] : memref<16x128xi32, #tpu.memory_space<vmem>> -> memref<1x128xi32, #tpu.memory_space<vmem>>
          %dma_wait3A_95 = tpu.memref_squeeze %dma_wait3A_94 : memref<1x128xi32, #tpu.memory_space<vmem>> -> memref<128xi32, #tpu.memory_space<vmem>>
          %dma_wait3A_96 = arith.constant 0 : i32
          %dma_wait3A_97 = arith.constant 0 : i32
          %dma_wait3A_98 = tpu.memref_slice %arg11[%dma_wait3A_96, %dma_wait3A_97] : memref<10240x128xf32, #tpu.memory_space<vmem_shared>> -> memref<10240x128xf32, #tpu.memory_space<vmem_shared>>
          tpu.wait_indirect_dma semaphore(%run_scoped3A : memref<!tpu.dma_semaphore, #tpu.memory_space<semaphore_mem>>) src(%arg9 : memref<128x128xf32, #tpu.memory_space<vmem>>) dst(%dma_wait3A_98 : memref<10240x128xf32, #tpu.memory_space<vmem_shared>>)
          tpu.yield
        }) : () -> ()
        %add3A_66 = arith.constant 2 : i32
        %add3A_67 = arith.addi %mul3A_60, %add3A_66 : i32
        %lt3A = arith.constant 16 : i32
        %lt3A_68 = arith.cmpi slt, %add3A_67, %lt3A : i32
        %convert_element_type3A_69 = arith.extui %lt3A_68 : i1 to i32
        %cond3A_70 = arith.constant 0 : i32
        %cond3A_71 = arith.cmpi ne, %convert_element_type3A_69, %cond3A_70 : i32
        scf.if %cond3A_71 {
          %add3A_87 = arith.constant 2 : i32
          %add3A_88 = arith.addi %mul3A_60, %add3A_87 : i32
          %dma_start3A_89 = arith.constant 0 : i32
          %dma_start3A_90 = tpu.memref_slice %arg7[%add3A_88, %dma_start3A_89] : memref<16x128xi32, #tpu.memory_space<vmem>> -> memref<1x128xi32, #tpu.memory_space<vmem>>
          %dma_start3A_91 = tpu.memref_squeeze %dma_start3A_90 : memref<1x128xi32, #tpu.memory_space<vmem>> -> memref<128xi32, #tpu.memory_space<vmem>>
          %dma_start3A_92 = arith.constant 0 : i32
          %dma_start3A_93 = arith.constant 0 : i32
          %dma_start3A_94 = tpu.memref_slice %arg4[%dma_start3A_92, %dma_start3A_93] : memref<10240x128xf32, #tpu.memory_space<hbm>> -> memref<10240x128xf32, #tpu.memory_space<hbm>>
          tpu.enqueue_indirect_dma source(%dma_start3A_94 : memref<10240x128xf32, #tpu.memory_space<hbm>>) target(%arg9 : memref<128x128xf32, #tpu.memory_space<vmem>>) offsets(%dma_start3A_91 : memref<128xi32, #tpu.memory_space<vmem>>) semaphore(%arg12 : memref<!tpu.dma_semaphore, #tpu.memory_space<semaphore_mem>>)
        } else {
        }
        %add3A_72 = arith.constant 1 : i32
        %add3A_73 = arith.addi %mul3A_60, %add3A_72 : i32
        %dma_wait3A_74 = arith.constant 0 : i32
        %dma_wait3A_75 = tpu.memref_slice %arg7[%add3A_73, %dma_wait3A_74] : memref<16x128xi32, #tpu.memory_space<vmem>> -> memref<1x128xi32, #tpu.memory_space<vmem>>
        %dma_wait3A_76 = tpu.memref_squeeze %dma_wait3A_75 : memref<1x128xi32, #tpu.memory_space<vmem>> -> memref<128xi32, #tpu.memory_space<vmem>>
        %dma_wait3A_77 = arith.constant 0 : i32
        %dma_wait3A_78 = arith.constant 0 : i32
        %dma_wait3A_79 = tpu.memref_slice %arg4[%dma_wait3A_77, %dma_wait3A_78] : memref<10240x128xf32, #tpu.memory_space<hbm>> -> memref<10240x128xf32, #tpu.memory_space<hbm>>
        tpu.wait_indirect_dma semaphore(%arg13 : memref<!tpu.dma_semaphore, #tpu.memory_space<semaphore_mem>>) src(%dma_wait3A_79 : memref<10240x128xf32, #tpu.memory_space<hbm>>) dst(%arg10 : memref<128x128xf32, #tpu.memory_space<vmem>>)
        "tpu.region"() ({
          %run_scoped3A = tpu.sem_alloc : memref<!tpu.dma_semaphore, #tpu.memory_space<semaphore_mem>>
          %dma_start3A_87 = arith.constant 0 : i32
          %dma_start3A_88 = tpu.memref_slice %arg8[%add3A_73, %dma_start3A_87] : memref<16x128xi32, #tpu.memory_space<vmem>> -> memref<1x128xi32, #tpu.memory_space<vmem>>
          %dma_start3A_89 = tpu.memref_squeeze %dma_start3A_88 : memref<1x128xi32, #tpu.memory_space<vmem>> -> memref<128xi32, #tpu.memory_space<vmem>>
          %dma_start3A_90 = arith.constant 0 : i32
          %dma_start3A_91 = arith.constant 0 : i32
          %dma_start3A_92 = tpu.memref_slice %arg11[%dma_start3A_90, %dma_start3A_91] : memref<10240x128xf32, #tpu.memory_space<vmem_shared>> -> memref<10240x128xf32, #tpu.memory_space<vmem_shared>>
          tpu.enqueue_indirect_dma source(%arg10 : memref<128x128xf32, #tpu.memory_space<vmem>>) target(%dma_start3A_92 : memref<10240x128xf32, #tpu.memory_space<vmem_shared>>) offsets(%dma_start3A_89 : memref<128xi32, #tpu.memory_space<vmem>>) semaphore(%run_scoped3A : memref<!tpu.dma_semaphore, #tpu.memory_space<semaphore_mem>>) {add = true}
          %dma_wait3A_93 = arith.constant 0 : i32
          %dma_wait3A_94 = tpu.memref_slice %arg8[%add3A_73, %dma_wait3A_93] : memref<16x128xi32, #tpu.memory_space<vmem>> -> memref<1x128xi32, #tpu.memory_space<vmem>>
          %dma_wait3A_95 = tpu.memref_squeeze %dma_wait3A_94 : memref<1x128xi32, #tpu.memory_space<vmem>> -> memref<128xi32, #tpu.memory_space<vmem>>
          %dma_wait3A_96 = arith.constant 0 : i32
          %dma_wait3A_97 = arith.constant 0 : i32
          %dma_wait3A_98 = tpu.memref_slice %arg11[%dma_wait3A_96, %dma_wait3A_97] : memref<10240x128xf32, #tpu.memory_space<vmem_shared>> -> memref<10240x128xf32, #tpu.memory_space<vmem_shared>>
          tpu.wait_indirect_dma semaphore(%run_scoped3A : memref<!tpu.dma_semaphore, #tpu.memory_space<semaphore_mem>>) src(%arg10 : memref<128x128xf32, #tpu.memory_space<vmem>>) dst(%dma_wait3A_98 : memref<10240x128xf32, #tpu.memory_space<vmem_shared>>)
          tpu.yield
        }) : () -> ()
        %add3A_80 = arith.constant 2 : i32
        %add3A_81 = arith.addi %add3A_73, %add3A_80 : i32
        %lt3A_82 = arith.constant 16 : i32
        %lt3A_83 = arith.cmpi slt, %add3A_81, %lt3A_82 : i32
        %convert_element_type3A_84 = arith.extui %lt3A_83 : i1 to i32
        %cond3A_85 = arith.constant 0 : i32
        %cond3A_86 = arith.cmpi ne, %convert_element_type3A_84, %cond3A_85 : i32
        scf.if %cond3A_86 {
          %add3A_87 = arith.constant 2 : i32
          %add3A_88 = arith.addi %add3A_73, %add3A_87 : i32
          %dma_start3A_89 = arith.constant 0 : i32
          %dma_start3A_90 = tpu.memref_slice %arg7[%add3A_88, %dma_start3A_89] : memref<16x128xi32, #tpu.memory_space<vmem>> -> memref<1x128xi32, #tpu.memory_space<vmem>>
          %dma_start3A_91 = tpu.memref_squeeze %dma_start3A_90 : memref<1x128xi32, #tpu.memory_space<vmem>> -> memref<128xi32, #tpu.memory_space<vmem>>
          %dma_start3A_92 = arith.constant 0 : i32
          %dma_start3A_93 = arith.constant 0 : i32
          %dma_start3A_94 = tpu.memref_slice %arg4[%dma_start3A_92, %dma_start3A_93] : memref<10240x128xf32, #tpu.memory_space<hbm>> -> memref<10240x128xf32, #tpu.memory_space<hbm>>
          tpu.enqueue_indirect_dma source(%dma_start3A_94 : memref<10240x128xf32, #tpu.memory_space<hbm>>) target(%arg10 : memref<128x128xf32, #tpu.memory_space<vmem>>) offsets(%dma_start3A_91 : memref<128xi32, #tpu.memory_space<vmem>>) semaphore(%arg13 : memref<!tpu.dma_semaphore, #tpu.memory_space<semaphore_mem>>)
        } else {
        }
      }
      %scan3A_57 = arith.constant 8 : i32
    }
    %scan3A_26 = arith.constant 5 : i32
    %barrier3A_27 = arith.constant 0 : index
    tpu.barrier barrier_id(%barrier3A_27)
    %eq3A = arith.constant 0 : i32
    %eq3A_28 = arith.cmpi eq, %arg0, %eq3A : i32
    %convert_element_type3A = arith.extui %eq3A_28 : i1 to i32
    %cond3A = arith.constant 0 : i32
    %cond3A_29 = arith.cmpi ne, %convert_element_type3A, %cond3A : i32
    scf.if %cond3A_29 {
      "tpu.region"() ({
        %run_scoped3A = tpu.sem_alloc : memref<!tpu.dma_semaphore, #tpu.memory_space<semaphore_mem>>
        %dma_start3A = arith.constant 0 : i32
        %dma_start3A_35 = tpu.memref_slice %arg5[%mul3A_10, %dma_start3A] : memref<10240x128xf32, #tpu.memory_space<hbm>> -> memref<640x128xf32, #tpu.memory_space<hbm>>
        %dma_start3A_36 = arith.constant 0 : i32
        %dma_start3A_37 = tpu.memref_slice %arg11[%mul3A_10, %dma_start3A_36] : memref<10240x128xf32, #tpu.memory_space<vmem_shared>> -> memref<640x128xf32, #tpu.memory_space<vmem_shared>>
        tpu.enqueue_dma source(%dma_start3A_37 : memref<640x128xf32, #tpu.memory_space<vmem_shared>>) target(%dma_start3A_35 : memref<640x128xf32, #tpu.memory_space<hbm>>) target_semaphore(%run_scoped3A : memref<!tpu.dma_semaphore, #tpu.memory_space<semaphore_mem>>)
        %dma_wait3A = arith.constant 0 : i32
        %dma_wait3A_38 = tpu.memref_slice %arg5[%mul3A_10, %dma_wait3A] : memref<10240x128xf32, #tpu.memory_space<hbm>> -> memref<640x128xf32, #tpu.memory_space<hbm>>
        %dma_wait3A_39 = arith.constant 0 : i32
        %dma_wait3A_40 = tpu.memref_slice %arg11[%mul3A_10, %dma_wait3A_39] : memref<10240x128xf32, #tpu.memory_space<vmem_shared>> -> memref<640x128xf32, #tpu.memory_space<vmem_shared>>
        tpu.wait_dma2 semaphore(%run_scoped3A : memref<!tpu.dma_semaphore, #tpu.memory_space<semaphore_mem>>) src(%dma_wait3A_40 : memref<640x128xf32, #tpu.memory_space<vmem_shared>>) dst(%dma_wait3A_38 : memref<640x128xf32, #tpu.memory_space<hbm>>)
        tpu.yield
      }) : () -> ()
    } else {
    }
    %eq3A_30 = arith.constant 1 : i32
    %eq3A_31 = arith.cmpi eq, %arg0, %eq3A_30 : i32
    %convert_element_type3A_32 = arith.extui %eq3A_31 : i1 to i32
    %cond3A_33 = arith.constant 0 : i32
    %cond3A_34 = arith.cmpi ne, %convert_element_type3A_32, %cond3A_33 : i32
    scf.if %cond3A_34 {
      "tpu.region"() ({
        %run_scoped3A = tpu.sem_alloc : memref<!tpu.dma_semaphore, #tpu.memory_space<semaphore_mem>>
        %dma_start3A = arith.constant 0 : i32
        %dma_start3A_35 = tpu.memref_slice %arg6[%mul3A_10, %dma_start3A] : memref<10240x128xf32, #tpu.memory_space<hbm>> -> memref<640x128xf32, #tpu.memory_space<hbm>>
        %dma_start3A_36 = arith.constant 0 : i32
        %dma_start3A_37 = tpu.memref_slice %arg11[%mul3A_10, %dma_start3A_36] : memref<10240x128xf32, #tpu.memory_space<vmem_shared>> -> memref<640x128xf32, #tpu.memory_space<vmem_shared>>
        tpu.enqueue_dma source(%dma_start3A_37 : memref<640x128xf32, #tpu.memory_space<vmem_shared>>) target(%dma_start3A_35 : memref<640x128xf32, #tpu.memory_space<hbm>>) target_semaphore(%run_scoped3A : memref<!tpu.dma_semaphore, #tpu.memory_space<semaphore_mem>>)
        %dma_wait3A = arith.constant 0 : i32
        %dma_wait3A_38 = tpu.memref_slice %arg6[%mul3A_10, %dma_wait3A] : memref<10240x128xf32, #tpu.memory_space<hbm>> -> memref<640x128xf32, #tpu.memory_space<hbm>>
        %dma_wait3A_39 = arith.constant 0 : i32
        %dma_wait3A_40 = tpu.memref_slice %arg11[%mul3A_10, %dma_wait3A_39] : memref<10240x128xf32, #tpu.memory_space<vmem_shared>> -> memref<640x128xf32, #tpu.memory_space<vmem_shared>>
        tpu.wait_dma2 semaphore(%run_scoped3A : memref<!tpu.dma_semaphore, #tpu.memory_space<semaphore_mem>>) src(%dma_wait3A_40 : memref<640x128xf32, #tpu.memory_space<vmem_shared>>) dst(%dma_wait3A_38 : memref<640x128xf32, #tpu.memory_space<hbm>>)
        tpu.yield
      }) : () -> ()
    } else {
    }
    return
  }
}

#map = affine_map<(d0, d1) -> (0, 0)>
module attributes {stable_mosaic.version = 14 : i64} {
  func.func @_deg_body(%arg0: i32, %arg1: i32, %arg2: memref<2560x128xi32, #tpu.memory_space<hbm>>, %arg3: memref<32x10240xf32, #tpu.memory_space<hbm>>, %arg4: memref<80x128xi32, #tpu.memory_space<vmem>>, %arg5: memref<10240xf32, #tpu.memory_space<vmem>>) attributes {dimension_semantics = [#tpu.dimension_semantics<core_parallel>, #tpu.dimension_semantics<subcore_parallel>], iteration_bounds = array<i64: 2, 16>, scalar_prefetch = 0 : i64, scratch_operands = 2 : i64, tpu.core_type = #tpu.core_type<sc_vector_subcore>, window_params = [{transform_indices = #map}, {transform_indices = #map}]} {
    %mul3A = arith.constant 16 : i32
    %mul3A_0 = arith.muli %arg0, %mul3A : i32
    %add3A = arith.addi %mul3A_0, %arg1 : i32
    %mul3A_1 = arith.constant 80 : i32
    %mul3A_2 = arith.muli %add3A, %mul3A_1 : i32
    "tpu.region"() ({
      %run_scoped3A = tpu.sem_alloc : memref<!tpu.dma_semaphore, #tpu.memory_space<semaphore_mem>>
      %dma_start3A = arith.constant 0 : i32
      %dma_start3A_17 = tpu.memref_slice %arg2[%mul3A_2, %dma_start3A] : memref<2560x128xi32, #tpu.memory_space<hbm>> -> memref<80x128xi32, #tpu.memory_space<hbm>>
      %dma_start3A_18 = arith.constant 0 : i32
      %dma_start3A_19 = tpu.memref_slice %arg2[%mul3A_2, %dma_start3A_18] : memref<2560x128xi32, #tpu.memory_space<hbm>> -> memref<80x128xi32, #tpu.memory_space<hbm>>
      tpu.enqueue_dma source(%dma_start3A_19 : memref<80x128xi32, #tpu.memory_space<hbm>>) target(%arg4 : memref<80x128xi32, #tpu.memory_space<vmem>>) target_semaphore(%run_scoped3A : memref<!tpu.dma_semaphore, #tpu.memory_space<semaphore_mem>>)
      %dma_wait3A = arith.constant 0 : i32
      %dma_wait3A_20 = tpu.memref_slice %arg2[%mul3A_2, %dma_wait3A] : memref<2560x128xi32, #tpu.memory_space<hbm>> -> memref<80x128xi32, #tpu.memory_space<hbm>>
      %dma_wait3A_21 = arith.constant 0 : i32
      %dma_wait3A_22 = tpu.memref_slice %arg2[%mul3A_2, %dma_wait3A_21] : memref<2560x128xi32, #tpu.memory_space<hbm>> -> memref<80x128xi32, #tpu.memory_space<hbm>>
      tpu.wait_dma2 semaphore(%run_scoped3A : memref<!tpu.dma_semaphore, #tpu.memory_space<semaphore_mem>>) src(%dma_wait3A_22 : memref<80x128xi32, #tpu.memory_space<hbm>>) dst(%arg4 : memref<80x128xi32, #tpu.memory_space<vmem>>)
      tpu.yield
    }) : () -> ()
    %broadcast_in_dim3A = arith.constant 0.000000e+00 : f32
    %broadcast_in_dim3A_3 = vector.broadcast %broadcast_in_dim3A : f32 to vector<16xf32>
    %scan3A = arith.constant 0 : i32
    %scan3A_4 = arith.constant 0 : i32
    %scan3A_5 = arith.constant 640 : i32
    %scan3A_6 = arith.addi %scan3A_4, %scan3A_5 : i32
    %scan3A_7 = arith.constant 1 : i32
    scf.for %scan3A_17 = %scan3A_4 to %scan3A_6 step %scan3A_7  : i32 {
      %mul3A_18 = arith.constant 16 : i32
      %mul3A_19 = arith.muli %scan3A_17, %mul3A_18 : i32
      %swap3A = arith.index_cast %mul3A_19 : i32 to index
      %swap3A_20 = tpu.vector_load %arg5[%swap3A] {strides = array<i32>} : memref<10240xf32, #tpu.memory_space<vmem>>, vector<16xf32>,
      tpu.vector_store %arg5[%swap3A], %broadcast_in_dim3A_3 {strides = array<i32>} : memref<10240xf32, #tpu.memory_space<vmem>>, vector<16xf32>,
    }
    %scan3A_8 = arith.constant 640 : i32
    %broadcast_in_dim3A_9 = arith.constant 1.000000e+00 : f32
    %broadcast_in_dim3A_10 = vector.broadcast %broadcast_in_dim3A_9 : f32 to vector<16xf32>
    %scan3A_11 = arith.constant 0 : i32
    %scan3A_12 = arith.constant 0 : i32
    %scan3A_13 = arith.constant 640 : i32
    %scan3A_14 = arith.addi %scan3A_12, %scan3A_13 : i32
    %scan3A_15 = arith.constant 1 : i32
    scf.for %scan3A_17 = %scan3A_12 to %scan3A_14 step %scan3A_15  : i32 {
      %jit3A = arith.constant 8 : i32
      %div3A = arith.divsi %scan3A_17, %jit3A : i32
      %sign3A = arith.constant 0 : i32
      %sign3A_18 = arith.cmpi sgt, %scan3A_17, %sign3A : i32
      %sign3A_19 = arith.extui %sign3A_18 : i1 to i32
      %sign3A_20 = arith.constant 0 : i32
      %sign3A_21 = arith.cmpi slt, %scan3A_17, %sign3A_20 : i32
      %sign3A_22 = arith.extui %sign3A_21 : i1 to i32
      %sign3A_23 = arith.subi %sign3A_19, %sign3A_22 : i32
      %sign3A_24 = arith.constant 0 : i32
      %sign3A_25 = arith.cmpi sgt, %jit3A, %sign3A_24 : i32
      %sign3A_26 = arith.extui %sign3A_25 : i1 to i32
      %sign3A_27 = arith.constant 0 : i32
      %sign3A_28 = arith.cmpi slt, %jit3A, %sign3A_27 : i32
      %sign3A_29 = arith.extui %sign3A_28 : i1 to i32
      %sign3A_30 = arith.subi %sign3A_26, %sign3A_29 : i32
      %ne3A = arith.cmpi ne, %sign3A_23, %sign3A_30 : i32
      %rem3A = arith.remsi %scan3A_17, %jit3A : i32
      %ne3A_31 = arith.constant 0 : i32
      %ne3A_32 = arith.cmpi ne, %rem3A, %ne3A_31 : i32
      %and3A = arith.andi %ne3A, %ne3A_32 : i1
      %sub3A = arith.constant 1 : i32
      %sub3A_33 = arith.subi %div3A, %sub3A : i32
      %select_n3A = arith.select %and3A, %sub3A_33, %div3A : i32
      %jit3A_34 = arith.constant 8 : i32
      %eq3A = arith.constant 0 : i32
      %eq3A_35 = arith.cmpi eq, %jit3A_34, %eq3A : i32
      %jit3A_36 = arith.constant 1 : i32
      %select_n3A_37 = arith.select %eq3A_35, %jit3A_36, %jit3A_34 : i32
      %rem3A_38 = arith.remsi %scan3A_17, %select_n3A_37 : i32
      %ne3A_39 = arith.constant 0 : i32
      %ne3A_40 = arith.cmpi ne, %rem3A_38, %ne3A_39 : i32
      %lt3A = arith.constant 0 : i32
      %lt3A_41 = arith.cmpi slt, %rem3A_38, %lt3A : i32
      %lt3A_42 = arith.constant 0 : i32
      %lt3A_43 = arith.cmpi slt, %select_n3A_37, %lt3A_42 : i32
      %ne3A_44 = arith.xori %lt3A_41, %lt3A_43 : i1
      %and3A_45 = arith.andi %ne3A_44, %ne3A_40 : i1
      %add3A_46 = arith.addi %rem3A_38, %select_n3A_37 : i32
      %select_n3A_47 = arith.select %and3A_45, %add3A_46, %rem3A_38 : i32
      %mul3A_48 = arith.constant 16 : i32
      %mul3A_49 = arith.muli %select_n3A_47, %mul3A_48 : i32
      %get3A = arith.index_cast %select_n3A : i32 to index
      %get3A_50 = arith.index_cast %mul3A_49 : i32 to index
      %get3A_51 = tpu.vector_load %arg4[%get3A, %get3A_50] {strides = array<i32>} : memref<80x128xi32, #tpu.memory_space<vmem>>, vector<16xi32>,
      tpu.vector_store_idx %arg5[%get3A_51], %broadcast_in_dim3A_10 {add = true} : memref<10240xf32, #tpu.memory_space<vmem>>[vector<16xi32>], vector<16xf32>,
    }
    %scan3A_16 = arith.constant 640 : i32
    "tpu.region"() ({
      %run_scoped3A = tpu.sem_alloc : memref<!tpu.dma_semaphore, #tpu.memory_space<semaphore_mem>>
      %dma_start3A = arith.constant 0 : i32
      %dma_start3A_17 = tpu.memref_slice %arg3[%add3A, %dma_start3A] : memref<32x10240xf32, #tpu.memory_space<hbm>> -> memref<1x10240xf32, #tpu.memory_space<hbm>>
      %dma_start3A_18 = tpu.memref_squeeze %dma_start3A_17 : memref<1x10240xf32, #tpu.memory_space<hbm>> -> memref<10240xf32, #tpu.memory_space<hbm>>
      %dma_start3A_19 = arith.constant 0 : i32
      %dma_start3A_20 = tpu.memref_slice %arg3[%add3A, %dma_start3A_19] : memref<32x10240xf32, #tpu.memory_space<hbm>> -> memref<1x10240xf32, #tpu.memory_space<hbm>>
      %dma_start3A_21 = tpu.memref_squeeze %dma_start3A_20 : memref<1x10240xf32, #tpu.memory_space<hbm>> -> memref<10240xf32, #tpu.memory_space<hbm>>
      tpu.enqueue_dma source(%arg5 : memref<10240xf32, #tpu.memory_space<vmem>>) target(%dma_start3A_21 : memref<10240xf32, #tpu.memory_space<hbm>>) target_semaphore(%run_scoped3A : memref<!tpu.dma_semaphore, #tpu.memory_space<semaphore_mem>>)
      %dma_wait3A = arith.constant 0 : i32
      %dma_wait3A_22 = tpu.memref_slice %arg3[%add3A, %dma_wait3A] : memref<32x10240xf32, #tpu.memory_space<hbm>> -> memref<1x10240xf32, #tpu.memory_space<hbm>>
      %dma_wait3A_23 = tpu.memref_squeeze %dma_wait3A_22 : memref<1x10240xf32, #tpu.memory_space<hbm>> -> memref<10240xf32, #tpu.memory_space<hbm>>
      %dma_wait3A_24 = arith.constant 0 : i32
      %dma_wait3A_25 = tpu.memref_slice %arg3[%add3A, %dma_wait3A_24] : memref<32x10240xf32, #tpu.memory_space<hbm>> -> memref<1x10240xf32, #tpu.memory_space<hbm>>
      %dma_wait3A_26 = tpu.memref_squeeze %dma_wait3A_25 : memref<1x10240xf32, #tpu.memory_space<hbm>> -> memref<10240xf32, #tpu.memory_space<hbm>>
      tpu.wait_dma2 semaphore(%run_scoped3A : memref<!tpu.dma_semaphore, #tpu.memory_space<semaphore_mem>>) src(%arg5 : memref<10240xf32, #tpu.memory_space<vmem>>) dst(%dma_wait3A_26 : memref<10240xf32, #tpu.memory_space<hbm>>)
      tpu.yield
    }) : () -> ()
    return
  }
}

#map = affine_map<(d0, d1) -> (0, 0)>
module attributes {stable_mosaic.version = 14 : i64} {
  func.func @body(%arg0: i32, %arg1: i32, %arg2: memref<2560x128xi32, #tpu.memory_space<hbm>>, %arg3: memref<2560x128xi32, #tpu.memory_space<hbm>>, %arg4: memref<10240x128xf32, #tpu.memory_space<hbm>>, %arg5: memref<10240x128xf32, #tpu.memory_space<hbm>>, %arg6: memref<10240x128xf32, #tpu.memory_space<hbm>>, %arg7: memref<10240x128xf32, #tpu.memory_space<hbm>>, %arg8: memref<32x128xi32, #tpu.memory_space<vmem>>, %arg9: memref<32x128xi32, #tpu.memory_space<vmem>>, %arg10: memref<128x128xf32, #tpu.memory_space<vmem>>, %arg11: memref<128x128xf32, #tpu.memory_space<vmem>>, %arg12: memref<10240x128xf32, #tpu.memory_space<vmem_shared>>, %arg13: memref<!tpu.dma_semaphore, #tpu.memory_space<semaphore_mem>>, %arg14: memref<!tpu.dma_semaphore, #tpu.memory_space<semaphore_mem>>, %arg15: memref<!tpu.dma_semaphore, #tpu.memory_space<semaphore_mem>>, %arg16: memref<!tpu.dma_semaphore, #tpu.memory_space<semaphore_mem>>) attributes {dimension_semantics = [#tpu.dimension_semantics<core_parallel>, #tpu.dimension_semantics<subcore_parallel>], iteration_bounds = array<i64: 2, 16>, scalar_prefetch = 0 : i64, scratch_operands = 9 : i64, tpu.core_type = #tpu.core_type<sc_vector_subcore>, window_params = [{transform_indices = #map}, {transform_indices = #map}, {transform_indices = #map}, {transform_indices = #map}, {transform_indices = #map}, {transform_indices = #map}]} {
    %mul3A = arith.constant 160 : i32
    %mul3A_0 = arith.muli %arg1, %mul3A : i32
    %broadcast_in_dim3A = arith.constant 0.000000e+00 : f32
    %broadcast_in_dim3A_1 = vector.broadcast %broadcast_in_dim3A : f32 to vector<16xf32>
    %scan3A = arith.constant 0 : i32
    %scan3A_2 = arith.constant 0 : i32
    %scan3A_3 = arith.constant 128 : i32
    %scan3A_4 = arith.addi %scan3A_2, %scan3A_3 : i32
    %scan3A_5 = arith.constant 1 : i32
    scf.for %scan3A_36 = %scan3A_2 to %scan3A_4 step %scan3A_5  : i32 {
      %swap3A = arith.index_cast %scan3A_36 : i32 to index
      %swap3A_37 = arith.constant 0 : index
      %swap3A_38 = tpu.vector_load %arg10[%swap3A, %swap3A_37] {strides = array<i32>} : memref<128x128xf32, #tpu.memory_space<vmem>>, vector<16xf32>,
      tpu.vector_store %arg10[%swap3A, %swap3A_37], %broadcast_in_dim3A_1 {strides = array<i32>} : memref<128x128xf32, #tpu.memory_space<vmem>>, vector<16xf32>,
      %swap3A_39 = arith.index_cast %scan3A_36 : i32 to index
      %swap3A_40 = arith.constant 16 : index
      %swap3A_41 = tpu.vector_load %arg10[%swap3A_39, %swap3A_40] {strides = array<i32>} : memref<128x128xf32, #tpu.memory_space<vmem>>, vector<16xf32>,
      tpu.vector_store %arg10[%swap3A_39, %swap3A_40], %broadcast_in_dim3A_1 {strides = array<i32>} : memref<128x128xf32, #tpu.memory_space<vmem>>, vector<16xf32>,
      %swap3A_42 = arith.index_cast %scan3A_36 : i32 to index
      %swap3A_43 = arith.constant 32 : index
      %swap3A_44 = tpu.vector_load %arg10[%swap3A_42, %swap3A_43] {strides = array<i32>} : memref<128x128xf32, #tpu.memory_space<vmem>>, vector<16xf32>,
      tpu.vector_store %arg10[%swap3A_42, %swap3A_43], %broadcast_in_dim3A_1 {strides = array<i32>} : memref<128x128xf32, #tpu.memory_space<vmem>>, vector<16xf32>,
      %swap3A_45 = arith.index_cast %scan3A_36 : i32 to index
      %swap3A_46 = arith.constant 48 : index
      %swap3A_47 = tpu.vector_load %arg10[%swap3A_45, %swap3A_46] {strides = array<i32>} : memref<128x128xf32, #tpu.memory_space<vmem>>, vector<16xf32>,
      tpu.vector_store %arg10[%swap3A_45, %swap3A_46], %broadcast_in_dim3A_1 {strides = array<i32>} : memref<128x128xf32, #tpu.memory_space<vmem>>, vector<16xf32>,
      %swap3A_48 = arith.index_cast %scan3A_36 : i32 to index
      %swap3A_49 = arith.constant 64 : index
      %swap3A_50 = tpu.vector_load %arg10[%swap3A_48, %swap3A_49] {strides = array<i32>} : memref<128x128xf32, #tpu.memory_space<vmem>>, vector<16xf32>,
      tpu.vector_store %arg10[%swap3A_48, %swap3A_49], %broadcast_in_dim3A_1 {strides = array<i32>} : memref<128x128xf32, #tpu.memory_space<vmem>>, vector<16xf32>,
      %swap3A_51 = arith.index_cast %scan3A_36 : i32 to index
      %swap3A_52 = arith.constant 80 : index
      %swap3A_53 = tpu.vector_load %arg10[%swap3A_51, %swap3A_52] {strides = array<i32>} : memref<128x128xf32, #tpu.memory_space<vmem>>, vector<16xf32>,
      tpu.vector_store %arg10[%swap3A_51, %swap3A_52], %broadcast_in_dim3A_1 {strides = array<i32>} : memref<128x128xf32, #tpu.memory_space<vmem>>, vector<16xf32>,
      %swap3A_54 = arith.index_cast %scan3A_36 : i32 to index
      %swap3A_55 = arith.constant 96 : index
      %swap3A_56 = tpu.vector_load %arg10[%swap3A_54, %swap3A_55] {strides = array<i32>} : memref<128x128xf32, #tpu.memory_space<vmem>>, vector<16xf32>,
      tpu.vector_store %arg10[%swap3A_54, %swap3A_55], %broadcast_in_dim3A_1 {strides = array<i32>} : memref<128x128xf32, #tpu.memory_space<vmem>>, vector<16xf32>,
      %swap3A_57 = arith.index_cast %scan3A_36 : i32 to index
      %swap3A_58 = arith.constant 112 : index
      %swap3A_59 = tpu.vector_load %arg10[%swap3A_57, %swap3A_58] {strides = array<i32>} : memref<128x128xf32, #tpu.memory_space<vmem>>, vector<16xf32>,
      tpu.vector_store %arg10[%swap3A_57, %swap3A_58], %broadcast_in_dim3A_1 {strides = array<i32>} : memref<128x128xf32, #tpu.memory_space<vmem>>, vector<16xf32>,
    }
    %scan3A_6 = arith.constant 128 : i32
    %mul3A_7 = arith.constant 640 : i32
    %mul3A_8 = arith.muli %arg1, %mul3A_7 : i32
    %add3A = arith.constant 0 : i32
    %add3A_9 = arith.addi %mul3A_8, %add3A : i32
    "tpu.region"() ({
      %run_scoped3A = tpu.sem_alloc : memref<!tpu.dma_semaphore, #tpu.memory_space<semaphore_mem>>
      %dma_start3A = arith.constant 0 : i32
      %dma_start3A_36 = tpu.memref_slice %arg12[%add3A_9, %dma_start3A] : memref<10240x128xf32, #tpu.memory_space<vmem_shared>> -> memref<128x128xf32, #tpu.memory_space<vmem_shared>>
      %dma_start3A_37 = arith.constant 0 : i32
      %dma_start3A_38 = tpu.memref_slice %arg12[%add3A_9, %dma_start3A_37] : memref<10240x128xf32, #tpu.memory_space<vmem_shared>> -> memref<128x128xf32, #tpu.memory_space<vmem_shared>>
      tpu.enqueue_dma source(%arg10 : memref<128x128xf32, #tpu.memory_space<vmem>>) target(%dma_start3A_38 : memref<128x128xf32, #tpu.memory_space<vmem_shared>>) target_semaphore(%run_scoped3A : memref<!tpu.dma_semaphore, #tpu.memory_space<semaphore_mem>>)
      %dma_wait3A = arith.constant 0 : i32
      %dma_wait3A_39 = tpu.memref_slice %arg12[%add3A_9, %dma_wait3A] : memref<10240x128xf32, #tpu.memory_space<vmem_shared>> -> memref<128x128xf32, #tpu.memory_space<vmem_shared>>
      %dma_wait3A_40 = arith.constant 0 : i32
      %dma_wait3A_41 = tpu.memref_slice %arg12[%add3A_9, %dma_wait3A_40] : memref<10240x128xf32, #tpu.memory_space<vmem_shared>> -> memref<128x128xf32, #tpu.memory_space<vmem_shared>>
      tpu.wait_dma2 semaphore(%run_scoped3A : memref<!tpu.dma_semaphore, #tpu.memory_space<semaphore_mem>>) src(%arg10 : memref<128x128xf32, #tpu.memory_space<vmem>>) dst(%dma_wait3A_41 : memref<128x128xf32, #tpu.memory_space<vmem_shared>>)
      tpu.yield
    }) : () -> ()
    %add3A_10 = arith.constant 128 : i32
    %add3A_11 = arith.addi %mul3A_8, %add3A_10 : i32
    "tpu.region"() ({
      %run_scoped3A = tpu.sem_alloc : memref<!tpu.dma_semaphore, #tpu.memory_space<semaphore_mem>>
      %dma_start3A = arith.constant 0 : i32
      %dma_start3A_36 = tpu.memref_slice %arg12[%add3A_11, %dma_start3A] : memref<10240x128xf32, #tpu.memory_space<vmem_shared>> -> memref<128x128xf32, #tpu.memory_space<vmem_shared>>
      %dma_start3A_37 = arith.constant 0 : i32
      %dma_start3A_38 = tpu.memref_slice %arg12[%add3A_11, %dma_start3A_37] : memref<10240x128xf32, #tpu.memory_space<vmem_shared>> -> memref<128x128xf32, #tpu.memory_space<vmem_shared>>
      tpu.enqueue_dma source(%arg10 : memref<128x128xf32, #tpu.memory_space<vmem>>) target(%dma_start3A_38 : memref<128x128xf32, #tpu.memory_space<vmem_shared>>) target_semaphore(%run_scoped3A : memref<!tpu.dma_semaphore, #tpu.memory_space<semaphore_mem>>)
      %dma_wait3A = arith.constant 0 : i32
      %dma_wait3A_39 = tpu.memref_slice %arg12[%add3A_11, %dma_wait3A] : memref<10240x128xf32, #tpu.memory_space<vmem_shared>> -> memref<128x128xf32, #tpu.memory_space<vmem_shared>>
      %dma_wait3A_40 = arith.constant 0 : i32
      %dma_wait3A_41 = tpu.memref_slice %arg12[%add3A_11, %dma_wait3A_40] : memref<10240x128xf32, #tpu.memory_space<vmem_shared>> -> memref<128x128xf32, #tpu.memory_space<vmem_shared>>
      tpu.wait_dma2 semaphore(%run_scoped3A : memref<!tpu.dma_semaphore, #tpu.memory_space<semaphore_mem>>) src(%arg10 : memref<128x128xf32, #tpu.memory_space<vmem>>) dst(%dma_wait3A_41 : memref<128x128xf32, #tpu.memory_space<vmem_shared>>)
      tpu.yield
    }) : () -> ()
    %add3A_12 = arith.constant 256 : i32
    %add3A_13 = arith.addi %mul3A_8, %add3A_12 : i32
    "tpu.region"() ({
      %run_scoped3A = tpu.sem_alloc : memref<!tpu.dma_semaphore, #tpu.memory_space<semaphore_mem>>
      %dma_start3A = arith.constant 0 : i32
      %dma_start3A_36 = tpu.memref_slice %arg12[%add3A_13, %dma_start3A] : memref<10240x128xf32, #tpu.memory_space<vmem_shared>> -> memref<128x128xf32, #tpu.memory_space<vmem_shared>>
      %dma_start3A_37 = arith.constant 0 : i32
      %dma_start3A_38 = tpu.memref_slice %arg12[%add3A_13, %dma_start3A_37] : memref<10240x128xf32, #tpu.memory_space<vmem_shared>> -> memref<128x128xf32, #tpu.memory_space<vmem_shared>>
      tpu.enqueue_dma source(%arg10 : memref<128x128xf32, #tpu.memory_space<vmem>>) target(%dma_start3A_38 : memref<128x128xf32, #tpu.memory_space<vmem_shared>>) target_semaphore(%run_scoped3A : memref<!tpu.dma_semaphore, #tpu.memory_space<semaphore_mem>>)
      %dma_wait3A = arith.constant 0 : i32
      %dma_wait3A_39 = tpu.memref_slice %arg12[%add3A_13, %dma_wait3A] : memref<10240x128xf32, #tpu.memory_space<vmem_shared>> -> memref<128x128xf32, #tpu.memory_space<vmem_shared>>
      %dma_wait3A_40 = arith.constant 0 : i32
      %dma_wait3A_41 = tpu.memref_slice %arg12[%add3A_13, %dma_wait3A_40] : memref<10240x128xf32, #tpu.memory_space<vmem_shared>> -> memref<128x128xf32, #tpu.memory_space<vmem_shared>>
      tpu.wait_dma2 semaphore(%run_scoped3A : memref<!tpu.dma_semaphore, #tpu.memory_space<semaphore_mem>>) src(%arg10 : memref<128x128xf32, #tpu.memory_space<vmem>>) dst(%dma_wait3A_41 : memref<128x128xf32, #tpu.memory_space<vmem_shared>>)
      tpu.yield
    }) : () -> ()
    %add3A_14 = arith.constant 384 : i32
    %add3A_15 = arith.addi %mul3A_8, %add3A_14 : i32
    "tpu.region"() ({
      %run_scoped3A = tpu.sem_alloc : memref<!tpu.dma_semaphore, #tpu.memory_space<semaphore_mem>>
      %dma_start3A = arith.constant 0 : i32
      %dma_start3A_36 = tpu.memref_slice %arg12[%add3A_15, %dma_start3A] : memref<10240x128xf32, #tpu.memory_space<vmem_shared>> -> memref<128x128xf32, #tpu.memory_space<vmem_shared>>
      %dma_start3A_37 = arith.constant 0 : i32
      %dma_start3A_38 = tpu.memref_slice %arg12[%add3A_15, %dma_start3A_37] : memref<10240x128xf32, #tpu.memory_space<vmem_shared>> -> memref<128x128xf32, #tpu.memory_space<vmem_shared>>
      tpu.enqueue_dma source(%arg10 : memref<128x128xf32, #tpu.memory_space<vmem>>) target(%dma_start3A_38 : memref<128x128xf32, #tpu.memory_space<vmem_shared>>) target_semaphore(%run_scoped3A : memref<!tpu.dma_semaphore, #tpu.memory_space<semaphore_mem>>)
      %dma_wait3A = arith.constant 0 : i32
      %dma_wait3A_39 = tpu.memref_slice %arg12[%add3A_15, %dma_wait3A] : memref<10240x128xf32, #tpu.memory_space<vmem_shared>> -> memref<128x128xf32, #tpu.memory_space<vmem_shared>>
      %dma_wait3A_40 = arith.constant 0 : i32
      %dma_wait3A_41 = tpu.memref_slice %arg12[%add3A_15, %dma_wait3A_40] : memref<10240x128xf32, #tpu.memory_space<vmem_shared>> -> memref<128x128xf32, #tpu.memory_space<vmem_shared>>
      tpu.wait_dma2 semaphore(%run_scoped3A : memref<!tpu.dma_semaphore, #tpu.memory_space<semaphore_mem>>) src(%arg10 : memref<128x128xf32, #tpu.memory_space<vmem>>) dst(%dma_wait3A_41 : memref<128x128xf32, #tpu.memory_space<vmem_shared>>)
      tpu.yield
    }) : () -> ()
    %add3A_16 = arith.constant 512 : i32
    %add3A_17 = arith.addi %mul3A_8, %add3A_16 : i32
    "tpu.region"() ({
      %run_scoped3A = tpu.sem_alloc : memref<!tpu.dma_semaphore, #tpu.memory_space<semaphore_mem>>
      %dma_start3A = arith.constant 0 : i32
      %dma_start3A_36 = tpu.memref_slice %arg12[%add3A_17, %dma_start3A] : memref<10240x128xf32, #tpu.memory_space<vmem_shared>> -> memref<128x128xf32, #tpu.memory_space<vmem_shared>>
      %dma_start3A_37 = arith.constant 0 : i32
      %dma_start3A_38 = tpu.memref_slice %arg12[%add3A_17, %dma_start3A_37] : memref<10240x128xf32, #tpu.memory_space<vmem_shared>> -> memref<128x128xf32, #tpu.memory_space<vmem_shared>>
      tpu.enqueue_dma source(%arg10 : memref<128x128xf32, #tpu.memory_space<vmem>>) target(%dma_start3A_38 : memref<128x128xf32, #tpu.memory_space<vmem_shared>>) target_semaphore(%run_scoped3A : memref<!tpu.dma_semaphore, #tpu.memory_space<semaphore_mem>>)
      %dma_wait3A = arith.constant 0 : i32
      %dma_wait3A_39 = tpu.memref_slice %arg12[%add3A_17, %dma_wait3A] : memref<10240x128xf32, #tpu.memory_space<vmem_shared>> -> memref<128x128xf32, #tpu.memory_space<vmem_shared>>
      %dma_wait3A_40 = arith.constant 0 : i32
      %dma_wait3A_41 = tpu.memref_slice %arg12[%add3A_17, %dma_wait3A_40] : memref<10240x128xf32, #tpu.memory_space<vmem_shared>> -> memref<128x128xf32, #tpu.memory_space<vmem_shared>>
      tpu.wait_dma2 semaphore(%run_scoped3A : memref<!tpu.dma_semaphore, #tpu.memory_space<semaphore_mem>>) src(%arg10 : memref<128x128xf32, #tpu.memory_space<vmem>>) dst(%dma_wait3A_41 : memref<128x128xf32, #tpu.memory_space<vmem_shared>>)
      tpu.yield
    }) : () -> ()
    %barrier3A = arith.constant 0 : index
    tpu.barrier barrier_id(%barrier3A)
    %eq3A = arith.constant 0 : i32
    %eq3A_18 = arith.cmpi eq, %arg0, %eq3A : i32
    %convert_element_type3A = arith.extui %eq3A_18 : i1 to i32
    %cond3A = arith.constant 0 : i32
    %cond3A_19 = arith.cmpi ne, %convert_element_type3A, %cond3A : i32
    scf.if %cond3A_19 {
      %scan3A_36 = arith.constant 0 : i32
      %scan3A_37 = arith.constant 0 : i32
      %scan3A_38 = arith.constant 5 : i32
      %scan3A_39 = arith.addi %scan3A_37, %scan3A_38 : i32
      %scan3A_40 = arith.constant 1 : i32
      scf.for %scan3A_42 = %scan3A_37 to %scan3A_39 step %scan3A_40  : i32 {
        %mul3A_43 = arith.constant 32 : i32
        %mul3A_44 = arith.muli %scan3A_42, %mul3A_43 : i32
        %add3A_45 = arith.addi %mul3A_0, %mul3A_44 : i32
        "tpu.region"() ({
          %run_scoped3A = tpu.sem_alloc : memref<!tpu.dma_semaphore, #tpu.memory_space<semaphore_mem>>
          %dma_start3A_91 = arith.constant 0 : i32
          %dma_start3A_92 = tpu.memref_slice %arg2[%add3A_45, %dma_start3A_91] : memref<2560x128xi32, #tpu.memory_space<hbm>> -> memref<32x128xi32, #tpu.memory_space<hbm>>
          %dma_start3A_93 = arith.constant 0 : i32
          %dma_start3A_94 = tpu.memref_slice %arg2[%add3A_45, %dma_start3A_93] : memref<2560x128xi32, #tpu.memory_space<hbm>> -> memref<32x128xi32, #tpu.memory_space<hbm>>
          tpu.enqueue_dma source(%dma_start3A_94 : memref<32x128xi32, #tpu.memory_space<hbm>>) target(%arg8 : memref<32x128xi32, #tpu.memory_space<vmem>>) target_semaphore(%run_scoped3A : memref<!tpu.dma_semaphore, #tpu.memory_space<semaphore_mem>>)
          %dma_wait3A = arith.constant 0 : i32
          %dma_wait3A_95 = tpu.memref_slice %arg2[%add3A_45, %dma_wait3A] : memref<2560x128xi32, #tpu.memory_space<hbm>> -> memref<32x128xi32, #tpu.memory_space<hbm>>
          %dma_wait3A_96 = arith.constant 0 : i32
          %dma_wait3A_97 = tpu.memref_slice %arg2[%add3A_45, %dma_wait3A_96] : memref<2560x128xi32, #tpu.memory_space<hbm>> -> memref<32x128xi32, #tpu.memory_space<hbm>>
          tpu.wait_dma2 semaphore(%run_scoped3A : memref<!tpu.dma_semaphore, #tpu.memory_space<semaphore_mem>>) src(%dma_wait3A_97 : memref<32x128xi32, #tpu.memory_space<hbm>>) dst(%arg8 : memref<32x128xi32, #tpu.memory_space<vmem>>)
          tpu.yield
        }) : () -> ()
        "tpu.region"() ({
          %run_scoped3A = tpu.sem_alloc : memref<!tpu.dma_semaphore, #tpu.memory_space<semaphore_mem>>
          %dma_start3A_91 = arith.constant 0 : i32
          %dma_start3A_92 = tpu.memref_slice %arg3[%add3A_45, %dma_start3A_91] : memref<2560x128xi32, #tpu.memory_space<hbm>> -> memref<32x128xi32, #tpu.memory_space<hbm>>
          %dma_start3A_93 = arith.constant 0 : i32
          %dma_start3A_94 = tpu.memref_slice %arg3[%add3A_45, %dma_start3A_93] : memref<2560x128xi32, #tpu.memory_space<hbm>> -> memref<32x128xi32, #tpu.memory_space<hbm>>
          tpu.enqueue_dma source(%dma_start3A_94 : memref<32x128xi32, #tpu.memory_space<hbm>>) target(%arg9 : memref<32x128xi32, #tpu.memory_space<vmem>>) target_semaphore(%run_scoped3A : memref<!tpu.dma_semaphore, #tpu.memory_space<semaphore_mem>>)
          %dma_wait3A = arith.constant 0 : i32
          %dma_wait3A_95 = tpu.memref_slice %arg3[%add3A_45, %dma_wait3A] : memref<2560x128xi32, #tpu.memory_space<hbm>> -> memref<32x128xi32, #tpu.memory_space<hbm>>
          %dma_wait3A_96 = arith.constant 0 : i32
          %dma_wait3A_97 = tpu.memref_slice %arg3[%add3A_45, %dma_wait3A_96] : memref<2560x128xi32, #tpu.memory_space<hbm>> -> memref<32x128xi32, #tpu.memory_space<hbm>>
          tpu.wait_dma2 semaphore(%run_scoped3A : memref<!tpu.dma_semaphore, #tpu.memory_space<semaphore_mem>>) src(%dma_wait3A_97 : memref<32x128xi32, #tpu.memory_space<hbm>>) dst(%arg9 : memref<32x128xi32, #tpu.memory_space<vmem>>)
          tpu.yield
        }) : () -> ()
        %dma_start3A = arith.constant 0 : i32
        %dma_start3A_46 = arith.constant 0 : i32
        %dma_start3A_47 = arith.constant 0 : i32
        %dma_start3A_48 = tpu.memref_slice %arg10[%dma_start3A_46, %dma_start3A_47] : memref<128x128xf32, #tpu.memory_space<vmem>> -> memref<64x128xf32, #tpu.memory_space<vmem>>
        %dma_start3A_49 = arith.constant 0 : i32
        %dma_start3A_50 = tpu.memref_slice %arg8[%dma_start3A, %dma_start3A_49] : memref<32x128xi32, #tpu.memory_space<vmem>> -> memref<1x64xi32, #tpu.memory_space<vmem>>
        %dma_start3A_51 = tpu.memref_squeeze %dma_start3A_50 : memref<1x64xi32, #tpu.memory_space<vmem>> -> memref<64xi32, #tpu.memory_space<vmem>>
        %dma_start3A_52 = arith.constant 0 : i32
        %dma_start3A_53 = arith.constant 0 : i32
        %dma_start3A_54 = tpu.memref_slice %arg4[%dma_start3A_52, %dma_start3A_53] : memref<10240x128xf32, #tpu.memory_space<hbm>> -> memref<10240x128xf32, #tpu.memory_space<hbm>>
        tpu.enqueue_indirect_dma source(%dma_start3A_54 : memref<10240x128xf32, #tpu.memory_space<hbm>>) target(%dma_start3A_48 : memref<64x128xf32, #tpu.memory_space<vmem>>) offsets(%dma_start3A_51 : memref<64xi32, #tpu.memory_space<vmem>>) semaphore(%arg13 : memref<!tpu.dma_semaphore, #tpu.memory_space<semaphore_mem>>)
        %dma_start3A_55 = arith.constant 0 : i32
        %dma_start3A_56 = arith.constant 64 : i32
        %dma_start3A_57 = arith.constant 0 : i32
        %dma_start3A_58 = tpu.memref_slice %arg10[%dma_start3A_56, %dma_start3A_57] : memref<128x128xf32, #tpu.memory_space<vmem>> -> memref<64x128xf32, #tpu.memory_space<vmem>>
        %dma_start3A_59 = arith.constant 64 : i32
        %dma_start3A_60 = tpu.memref_slice %arg8[%dma_start3A_55, %dma_start3A_59] : memref<32x128xi32, #tpu.memory_space<vmem>> -> memref<1x64xi32, #tpu.memory_space<vmem>>
        %dma_start3A_61 = tpu.memref_squeeze %dma_start3A_60 : memref<1x64xi32, #tpu.memory_space<vmem>> -> memref<64xi32, #tpu.memory_space<vmem>>
        %dma_start3A_62 = arith.constant 0 : i32
        %dma_start3A_63 = arith.constant 0 : i32
        %dma_start3A_64 = tpu.memref_slice %arg4[%dma_start3A_62, %dma_start3A_63] : memref<10240x128xf32, #tpu.memory_space<hbm>> -> memref<10240x128xf32, #tpu.memory_space<hbm>>
        tpu.enqueue_indirect_dma source(%dma_start3A_64 : memref<10240x128xf32, #tpu.memory_space<hbm>>) target(%dma_start3A_58 : memref<64x128xf32, #tpu.memory_space<vmem>>) offsets(%dma_start3A_61 : memref<64xi32, #tpu.memory_space<vmem>>) semaphore(%arg13 : memref<!tpu.dma_semaphore, #tpu.memory_space<semaphore_mem>>)
        %dma_start3A_65 = arith.constant 1 : i32
        %dma_start3A_66 = arith.constant 0 : i32
        %dma_start3A_67 = arith.constant 0 : i32
        %dma_start3A_68 = tpu.memref_slice %arg11[%dma_start3A_66, %dma_start3A_67] : memref<128x128xf32, #tpu.memory_space<vmem>> -> memref<64x128xf32, #tpu.memory_space<vmem>>
        %dma_start3A_69 = arith.constant 0 : i32
        %dma_start3A_70 = tpu.memref_slice %arg8[%dma_start3A_65, %dma_start3A_69] : memref<32x128xi32, #tpu.memory_space<vmem>> -> memref<1x64xi32, #tpu.memory_space<vmem>>
        %dma_start3A_71 = tpu.memref_squeeze %dma_start3A_70 : memref<1x64xi32, #tpu.memory_space<vmem>> -> memref<64xi32, #tpu.memory_space<vmem>>
        %dma_start3A_72 = arith.constant 0 : i32
        %dma_start3A_73 = arith.constant 0 : i32
        %dma_start3A_74 = tpu.memref_slice %arg4[%dma_start3A_72, %dma_start3A_73] : memref<10240x128xf32, #tpu.memory_space<hbm>> -> memref<10240x128xf32, #tpu.memory_space<hbm>>
        tpu.enqueue_indirect_dma source(%dma_start3A_74 : memref<10240x128xf32, #tpu.memory_space<hbm>>) target(%dma_start3A_68 : memref<64x128xf32, #tpu.memory_space<vmem>>) offsets(%dma_start3A_71 : memref<64xi32, #tpu.memory_space<vmem>>) semaphore(%arg14 : memref<!tpu.dma_semaphore, #tpu.memory_space<semaphore_mem>>)
        %dma_start3A_75 = arith.constant 1 : i32
        %dma_start3A_76 = arith.constant 64 : i32
        %dma_start3A_77 = arith.constant 0 : i32
        %dma_start3A_78 = tpu.memref_slice %arg11[%dma_start3A_76, %dma_start3A_77] : memref<128x128xf32, #tpu.memory_space<vmem>> -> memref<64x128xf32, #tpu.memory_space<vmem>>
        %dma_start3A_79 = arith.constant 64 : i32
        %dma_start3A_80 = tpu.memref_slice %arg8[%dma_start3A_75, %dma_start3A_79] : memref<32x128xi32, #tpu.memory_space<vmem>> -> memref<1x64xi32, #tpu.memory_space<vmem>>
        %dma_start3A_81 = tpu.memref_squeeze %dma_start3A_80 : memref<1x64xi32, #tpu.memory_space<vmem>> -> memref<64xi32, #tpu.memory_space<vmem>>
        %dma_start3A_82 = arith.constant 0 : i32
        %dma_start3A_83 = arith.constant 0 : i32
        %dma_start3A_84 = tpu.memref_slice %arg4[%dma_start3A_82, %dma_start3A_83] : memref<10240x128xf32, #tpu.memory_space<hbm>> -> memref<10240x128xf32, #tpu.memory_space<hbm>>
        tpu.enqueue_indirect_dma source(%dma_start3A_84 : memref<10240x128xf32, #tpu.memory_space<hbm>>) target(%dma_start3A_78 : memref<64x128xf32, #tpu.memory_space<vmem>>) offsets(%dma_start3A_81 : memref<64xi32, #tpu.memory_space<vmem>>) semaphore(%arg14 : memref<!tpu.dma_semaphore, #tpu.memory_space<semaphore_mem>>)
        %scan3A_85 = arith.constant 0 : i32
        %scan3A_86 = arith.constant 0 : i32
        %scan3A_87 = arith.constant 16 : i32
        %scan3A_88 = arith.addi %scan3A_86, %scan3A_87 : i32
        %scan3A_89 = arith.constant 1 : i32
        scf.for %scan3A_91 = %scan3A_86 to %scan3A_88 step %scan3A_89  : i32 {
          %mul3A_92 = arith.constant 2 : i32
          %mul3A_93 = arith.muli %scan3A_91, %mul3A_92 : i32
          tpu.wait_dma2 semaphore(%arg13 : memref<!tpu.dma_semaphore, #tpu.memory_space<semaphore_mem>>) src(%arg4 : memref<10240x128xf32, #tpu.memory_space<hbm>>) dst(%arg10 : memref<128x128xf32, #tpu.memory_space<vmem>>)
          "tpu.region"() ({
            %run_scoped3A = tpu.sem_alloc : memref<!tpu.dma_semaphore, #tpu.memory_space<semaphore_mem>>
            %dma_start3A_109 = arith.constant 0 : i32
            %dma_start3A_110 = tpu.memref_slice %arg9[%mul3A_93, %dma_start3A_109] : memref<32x128xi32, #tpu.memory_space<vmem>> -> memref<1x128xi32, #tpu.memory_space<vmem>>
            %dma_start3A_111 = tpu.memref_squeeze %dma_start3A_110 : memref<1x128xi32, #tpu.memory_space<vmem>> -> memref<128xi32, #tpu.memory_space<vmem>>
            %dma_start3A_112 = arith.constant 0 : i32
            %dma_start3A_113 = arith.constant 0 : i32
            %dma_start3A_114 = tpu.memref_slice %arg12[%dma_start3A_112, %dma_start3A_113] : memref<10240x128xf32, #tpu.memory_space<vmem_shared>> -> memref<10240x128xf32, #tpu.memory_space<vmem_shared>>
            tpu.enqueue_indirect_dma source(%arg10 : memref<128x128xf32, #tpu.memory_space<vmem>>) target(%dma_start3A_114 : memref<10240x128xf32, #tpu.memory_space<vmem_shared>>) offsets(%dma_start3A_111 : memref<128xi32, #tpu.memory_space<vmem>>) semaphore(%run_scoped3A : memref<!tpu.dma_semaphore, #tpu.memory_space<semaphore_mem>>) {add = true}
            %dma_wait3A = arith.constant 0 : i32
            %dma_wait3A_115 = tpu.memref_slice %arg9[%mul3A_93, %dma_wait3A] : memref<32x128xi32, #tpu.memory_space<vmem>> -> memref<1x128xi32, #tpu.memory_space<vmem>>
            %dma_wait3A_116 = tpu.memref_squeeze %dma_wait3A_115 : memref<1x128xi32, #tpu.memory_space<vmem>> -> memref<128xi32, #tpu.memory_space<vmem>>
            %dma_wait3A_117 = arith.constant 0 : i32
            %dma_wait3A_118 = arith.constant 0 : i32
            %dma_wait3A_119 = tpu.memref_slice %arg12[%dma_wait3A_117, %dma_wait3A_118] : memref<10240x128xf32, #tpu.memory_space<vmem_shared>> -> memref<10240x128xf32, #tpu.memory_space<vmem_shared>>
            tpu.wait_indirect_dma semaphore(%run_scoped3A : memref<!tpu.dma_semaphore, #tpu.memory_space<semaphore_mem>>) src(%arg10 : memref<128x128xf32, #tpu.memory_space<vmem>>) dst(%dma_wait3A_119 : memref<10240x128xf32, #tpu.memory_space<vmem_shared>>)
            tpu.yield
          }) : () -> ()
          %add3A_94 = arith.constant 2 : i32
          %add3A_95 = arith.addi %mul3A_93, %add3A_94 : i32
          %lt3A = arith.constant 32 : i32
          %lt3A_96 = arith.cmpi slt, %add3A_95, %lt3A : i32
          %convert_element_type3A_97 = arith.extui %lt3A_96 : i1 to i32
          %cond3A_98 = arith.constant 0 : i32
          %cond3A_99 = arith.cmpi ne, %convert_element_type3A_97, %cond3A_98 : i32
          scf.if %cond3A_99 {
            %add3A_109 = arith.constant 2 : i32
            %add3A_110 = arith.addi %mul3A_93, %add3A_109 : i32
            %dma_start3A_111 = arith.constant 0 : i32
            %dma_start3A_112 = arith.constant 0 : i32
            %dma_start3A_113 = tpu.memref_slice %arg10[%dma_start3A_111, %dma_start3A_112] : memref<128x128xf32, #tpu.memory_space<vmem>> -> memref<64x128xf32, #tpu.memory_space<vmem>>
            %dma_start3A_114 = arith.constant 0 : i32
            %dma_start3A_115 = tpu.memref_slice %arg8[%add3A_110, %dma_start3A_114] : memref<32x128xi32, #tpu.memory_space<vmem>> -> memref<1x64xi32, #tpu.memory_space<vmem>>
            %dma_start3A_116 = tpu.memref_squeeze %dma_start3A_115 : memref<1x64xi32, #tpu.memory_space<vmem>> -> memref<64xi32, #tpu.memory_space<vmem>>
            %dma_start3A_117 = arith.constant 0 : i32
            %dma_start3A_118 = arith.constant 0 : i32
            %dma_start3A_119 = tpu.memref_slice %arg4[%dma_start3A_117, %dma_start3A_118] : memref<10240x128xf32, #tpu.memory_space<hbm>> -> memref<10240x128xf32, #tpu.memory_space<hbm>>
            tpu.enqueue_indirect_dma source(%dma_start3A_119 : memref<10240x128xf32, #tpu.memory_space<hbm>>) target(%dma_start3A_113 : memref<64x128xf32, #tpu.memory_space<vmem>>) offsets(%dma_start3A_116 : memref<64xi32, #tpu.memory_space<vmem>>) semaphore(%arg13 : memref<!tpu.dma_semaphore, #tpu.memory_space<semaphore_mem>>)
            %dma_start3A_120 = arith.constant 64 : i32
            %dma_start3A_121 = arith.constant 0 : i32
            %dma_start3A_122 = tpu.memref_slice %arg10[%dma_start3A_120, %dma_start3A_121] : memref<128x128xf32, #tpu.memory_space<vmem>> -> memref<64x128xf32, #tpu.memory_space<vmem>>
            %dma_start3A_123 = arith.constant 64 : i32
            %dma_start3A_124 = tpu.memref_slice %arg8[%add3A_110, %dma_start3A_123] : memref<32x128xi32, #tpu.memory_space<vmem>> -> memref<1x64xi32, #tpu.memory_space<vmem>>
            %dma_start3A_125 = tpu.memref_squeeze %dma_start3A_124 : memref<1x64xi32, #tpu.memory_space<vmem>> -> memref<64xi32, #tpu.memory_space<vmem>>
            %dma_start3A_126 = arith.constant 0 : i32
            %dma_start3A_127 = arith.constant 0 : i32
            %dma_start3A_128 = tpu.memref_slice %arg4[%dma_start3A_126, %dma_start3A_127] : memref<10240x128xf32, #tpu.memory_space<hbm>> -> memref<10240x128xf32, #tpu.memory_space<hbm>>
            tpu.enqueue_indirect_dma source(%dma_start3A_128 : memref<10240x128xf32, #tpu.memory_space<hbm>>) target(%dma_start3A_122 : memref<64x128xf32, #tpu.memory_space<vmem>>) offsets(%dma_start3A_125 : memref<64xi32, #tpu.memory_space<vmem>>) semaphore(%arg13 : memref<!tpu.dma_semaphore, #tpu.memory_space<semaphore_mem>>)
          } else {
          }
          %add3A_100 = arith.constant 1 : i32
          %add3A_101 = arith.addi %mul3A_93, %add3A_100 : i32
          tpu.wait_dma2 semaphore(%arg14 : memref<!tpu.dma_semaphore, #tpu.memory_space<semaphore_mem>>) src(%arg4 : memref<10240x128xf32, #tpu.memory_space<hbm>>) dst(%arg11 : memref<128x128xf32, #tpu.memory_space<vmem>>)
          "tpu.region"() ({
            %run_scoped3A = tpu.sem_alloc : memref<!tpu.dma_semaphore, #tpu.memory_space<semaphore_mem>>
            %dma_start3A_109 = arith.constant 0 : i32
            %dma_start3A_110 = tpu.memref_slice %arg9[%add3A_101, %dma_start3A_109] : memref<32x128xi32, #tpu.memory_space<vmem>> -> memref<1x128xi32, #tpu.memory_space<vmem>>
            %dma_start3A_111 = tpu.memref_squeeze %dma_start3A_110 : memref<1x128xi32, #tpu.memory_space<vmem>> -> memref<128xi32, #tpu.memory_space<vmem>>
            %dma_start3A_112 = arith.constant 0 : i32
            %dma_start3A_113 = arith.constant 0 : i32
            %dma_start3A_114 = tpu.memref_slice %arg12[%dma_start3A_112, %dma_start3A_113] : memref<10240x128xf32, #tpu.memory_space<vmem_shared>> -> memref<10240x128xf32, #tpu.memory_space<vmem_shared>>
            tpu.enqueue_indirect_dma source(%arg11 : memref<128x128xf32, #tpu.memory_space<vmem>>) target(%dma_start3A_114 : memref<10240x128xf32, #tpu.memory_space<vmem_shared>>) offsets(%dma_start3A_111 : memref<128xi32, #tpu.memory_space<vmem>>) semaphore(%run_scoped3A : memref<!tpu.dma_semaphore, #tpu.memory_space<semaphore_mem>>) {add = true}
            %dma_wait3A = arith.constant 0 : i32
            %dma_wait3A_115 = tpu.memref_slice %arg9[%add3A_101, %dma_wait3A] : memref<32x128xi32, #tpu.memory_space<vmem>> -> memref<1x128xi32, #tpu.memory_space<vmem>>
            %dma_wait3A_116 = tpu.memref_squeeze %dma_wait3A_115 : memref<1x128xi32, #tpu.memory_space<vmem>> -> memref<128xi32, #tpu.memory_space<vmem>>
            %dma_wait3A_117 = arith.constant 0 : i32
            %dma_wait3A_118 = arith.constant 0 : i32
            %dma_wait3A_119 = tpu.memref_slice %arg12[%dma_wait3A_117, %dma_wait3A_118] : memref<10240x128xf32, #tpu.memory_space<vmem_shared>> -> memref<10240x128xf32, #tpu.memory_space<vmem_shared>>
            tpu.wait_indirect_dma semaphore(%run_scoped3A : memref<!tpu.dma_semaphore, #tpu.memory_space<semaphore_mem>>) src(%arg11 : memref<128x128xf32, #tpu.memory_space<vmem>>) dst(%dma_wait3A_119 : memref<10240x128xf32, #tpu.memory_space<vmem_shared>>)
            tpu.yield
          }) : () -> ()
          %add3A_102 = arith.constant 2 : i32
          %add3A_103 = arith.addi %add3A_101, %add3A_102 : i32
          %lt3A_104 = arith.constant 32 : i32
          %lt3A_105 = arith.cmpi slt, %add3A_103, %lt3A_104 : i32
          %convert_element_type3A_106 = arith.extui %lt3A_105 : i1 to i32
          %cond3A_107 = arith.constant 0 : i32
          %cond3A_108 = arith.cmpi ne, %convert_element_type3A_106, %cond3A_107 : i32
          scf.if %cond3A_108 {
            %add3A_109 = arith.constant 2 : i32
            %add3A_110 = arith.addi %add3A_101, %add3A_109 : i32
            %dma_start3A_111 = arith.constant 0 : i32
            %dma_start3A_112 = arith.constant 0 : i32
            %dma_start3A_113 = tpu.memref_slice %arg11[%dma_start3A_111, %dma_start3A_112] : memref<128x128xf32, #tpu.memory_space<vmem>> -> memref<64x128xf32, #tpu.memory_space<vmem>>
            %dma_start3A_114 = arith.constant 0 : i32
            %dma_start3A_115 = tpu.memref_slice %arg8[%add3A_110, %dma_start3A_114] : memref<32x128xi32, #tpu.memory_space<vmem>> -> memref<1x64xi32, #tpu.memory_space<vmem>>
            %dma_start3A_116 = tpu.memref_squeeze %dma_start3A_115 : memref<1x64xi32, #tpu.memory_space<vmem>> -> memref<64xi32, #tpu.memory_space<vmem>>
            %dma_start3A_117 = arith.constant 0 : i32
            %dma_start3A_118 = arith.constant 0 : i32
            %dma_start3A_119 = tpu.memref_slice %arg4[%dma_start3A_117, %dma_start3A_118] : memref<10240x128xf32, #tpu.memory_space<hbm>> -> memref<10240x128xf32, #tpu.memory_space<hbm>>
            tpu.enqueue_indirect_dma source(%dma_start3A_119 : memref<10240x128xf32, #tpu.memory_space<hbm>>) target(%dma_start3A_113 : memref<64x128xf32, #tpu.memory_space<vmem>>) offsets(%dma_start3A_116 : memref<64xi32, #tpu.memory_space<vmem>>) semaphore(%arg14 : memref<!tpu.dma_semaphore, #tpu.memory_space<semaphore_mem>>)
            %dma_start3A_120 = arith.constant 64 : i32
            %dma_start3A_121 = arith.constant 0 : i32
            %dma_start3A_122 = tpu.memref_slice %arg11[%dma_start3A_120, %dma_start3A_121] : memref<128x128xf32, #tpu.memory_space<vmem>> -> memref<64x128xf32, #tpu.memory_space<vmem>>
            %dma_start3A_123 = arith.constant 64 : i32
            %dma_start3A_124 = tpu.memref_slice %arg8[%add3A_110, %dma_start3A_123] : memref<32x128xi32, #tpu.memory_space<vmem>> -> memref<1x64xi32, #tpu.memory_space<vmem>>
            %dma_start3A_125 = tpu.memref_squeeze %dma_start3A_124 : memref<1x64xi32, #tpu.memory_space<vmem>> -> memref<64xi32, #tpu.memory_space<vmem>>
            %dma_start3A_126 = arith.constant 0 : i32
            %dma_start3A_127 = arith.constant 0 : i32
            %dma_start3A_128 = tpu.memref_slice %arg4[%dma_start3A_126, %dma_start3A_127] : memref<10240x128xf32, #tpu.memory_space<hbm>> -> memref<10240x128xf32, #tpu.memory_space<hbm>>
            tpu.enqueue_indirect_dma source(%dma_start3A_128 : memref<10240x128xf32, #tpu.memory_space<hbm>>) target(%dma_start3A_122 : memref<64x128xf32, #tpu.memory_space<vmem>>) offsets(%dma_start3A_125 : memref<64xi32, #tpu.memory_space<vmem>>) semaphore(%arg14 : memref<!tpu.dma_semaphore, #tpu.memory_space<semaphore_mem>>)
          } else {
          }
        }
        %scan3A_90 = arith.constant 16 : i32
      }
      %scan3A_41 = arith.constant 5 : i32
    } else {
    }
    %eq3A_20 = arith.constant 1 : i32
    %eq3A_21 = arith.cmpi eq, %arg0, %eq3A_20 : i32
    %convert_element_type3A_22 = arith.extui %eq3A_21 : i1 to i32
    %cond3A_23 = arith.constant 0 : i32
    %cond3A_24 = arith.cmpi ne, %convert_element_type3A_22, %cond3A_23 : i32
    scf.if %cond3A_24 {
      %scan3A_36 = arith.constant 0 : i32
      %scan3A_37 = arith.constant 0 : i32
      %scan3A_38 = arith.constant 5 : i32
      %scan3A_39 = arith.addi %scan3A_37, %scan3A_38 : i32
      %scan3A_40 = arith.constant 1 : i32
      scf.for %scan3A_42 = %scan3A_37 to %scan3A_39 step %scan3A_40  : i32 {
        %mul3A_43 = arith.constant 32 : i32
        %mul3A_44 = arith.muli %scan3A_42, %mul3A_43 : i32
        %add3A_45 = arith.addi %mul3A_0, %mul3A_44 : i32
        "tpu.region"() ({
          %run_scoped3A = tpu.sem_alloc : memref<!tpu.dma_semaphore, #tpu.memory_space<semaphore_mem>>
          %dma_start3A_91 = arith.constant 0 : i32
          %dma_start3A_92 = tpu.memref_slice %arg2[%add3A_45, %dma_start3A_91] : memref<2560x128xi32, #tpu.memory_space<hbm>> -> memref<32x128xi32, #tpu.memory_space<hbm>>
          %dma_start3A_93 = arith.constant 0 : i32
          %dma_start3A_94 = tpu.memref_slice %arg2[%add3A_45, %dma_start3A_93] : memref<2560x128xi32, #tpu.memory_space<hbm>> -> memref<32x128xi32, #tpu.memory_space<hbm>>
          tpu.enqueue_dma source(%dma_start3A_94 : memref<32x128xi32, #tpu.memory_space<hbm>>) target(%arg8 : memref<32x128xi32, #tpu.memory_space<vmem>>) target_semaphore(%run_scoped3A : memref<!tpu.dma_semaphore, #tpu.memory_space<semaphore_mem>>)
          %dma_wait3A = arith.constant 0 : i32
          %dma_wait3A_95 = tpu.memref_slice %arg2[%add3A_45, %dma_wait3A] : memref<2560x128xi32, #tpu.memory_space<hbm>> -> memref<32x128xi32, #tpu.memory_space<hbm>>
          %dma_wait3A_96 = arith.constant 0 : i32
          %dma_wait3A_97 = tpu.memref_slice %arg2[%add3A_45, %dma_wait3A_96] : memref<2560x128xi32, #tpu.memory_space<hbm>> -> memref<32x128xi32, #tpu.memory_space<hbm>>
          tpu.wait_dma2 semaphore(%run_scoped3A : memref<!tpu.dma_semaphore, #tpu.memory_space<semaphore_mem>>) src(%dma_wait3A_97 : memref<32x128xi32, #tpu.memory_space<hbm>>) dst(%arg8 : memref<32x128xi32, #tpu.memory_space<vmem>>)
          tpu.yield
        }) : () -> ()
        "tpu.region"() ({
          %run_scoped3A = tpu.sem_alloc : memref<!tpu.dma_semaphore, #tpu.memory_space<semaphore_mem>>
          %dma_start3A_91 = arith.constant 0 : i32
          %dma_start3A_92 = tpu.memref_slice %arg3[%add3A_45, %dma_start3A_91] : memref<2560x128xi32, #tpu.memory_space<hbm>> -> memref<32x128xi32, #tpu.memory_space<hbm>>
          %dma_start3A_93 = arith.constant 0 : i32
          %dma_start3A_94 = tpu.memref_slice %arg3[%add3A_45, %dma_start3A_93] : memref<2560x128xi32, #tpu.memory_space<hbm>> -> memref<32x128xi32, #tpu.memory_space<hbm>>
          tpu.enqueue_dma source(%dma_start3A_94 : memref<32x128xi32, #tpu.memory_space<hbm>>) target(%arg9 : memref<32x128xi32, #tpu.memory_space<vmem>>) target_semaphore(%run_scoped3A : memref<!tpu.dma_semaphore, #tpu.memory_space<semaphore_mem>>)
          %dma_wait3A = arith.constant 0 : i32
          %dma_wait3A_95 = tpu.memref_slice %arg3[%add3A_45, %dma_wait3A] : memref<2560x128xi32, #tpu.memory_space<hbm>> -> memref<32x128xi32, #tpu.memory_space<hbm>>
          %dma_wait3A_96 = arith.constant 0 : i32
          %dma_wait3A_97 = tpu.memref_slice %arg3[%add3A_45, %dma_wait3A_96] : memref<2560x128xi32, #tpu.memory_space<hbm>> -> memref<32x128xi32, #tpu.memory_space<hbm>>
          tpu.wait_dma2 semaphore(%run_scoped3A : memref<!tpu.dma_semaphore, #tpu.memory_space<semaphore_mem>>) src(%dma_wait3A_97 : memref<32x128xi32, #tpu.memory_space<hbm>>) dst(%arg9 : memref<32x128xi32, #tpu.memory_space<vmem>>)
          tpu.yield
        }) : () -> ()
        %dma_start3A = arith.constant 0 : i32
        %dma_start3A_46 = arith.constant 0 : i32
        %dma_start3A_47 = arith.constant 0 : i32
        %dma_start3A_48 = tpu.memref_slice %arg10[%dma_start3A_46, %dma_start3A_47] : memref<128x128xf32, #tpu.memory_space<vmem>> -> memref<64x128xf32, #tpu.memory_space<vmem>>
        %dma_start3A_49 = arith.constant 0 : i32
        %dma_start3A_50 = tpu.memref_slice %arg8[%dma_start3A, %dma_start3A_49] : memref<32x128xi32, #tpu.memory_space<vmem>> -> memref<1x64xi32, #tpu.memory_space<vmem>>
        %dma_start3A_51 = tpu.memref_squeeze %dma_start3A_50 : memref<1x64xi32, #tpu.memory_space<vmem>> -> memref<64xi32, #tpu.memory_space<vmem>>
        %dma_start3A_52 = arith.constant 0 : i32
        %dma_start3A_53 = arith.constant 0 : i32
        %dma_start3A_54 = tpu.memref_slice %arg5[%dma_start3A_52, %dma_start3A_53] : memref<10240x128xf32, #tpu.memory_space<hbm>> -> memref<10240x128xf32, #tpu.memory_space<hbm>>
        tpu.enqueue_indirect_dma source(%dma_start3A_54 : memref<10240x128xf32, #tpu.memory_space<hbm>>) target(%dma_start3A_48 : memref<64x128xf32, #tpu.memory_space<vmem>>) offsets(%dma_start3A_51 : memref<64xi32, #tpu.memory_space<vmem>>) semaphore(%arg13 : memref<!tpu.dma_semaphore, #tpu.memory_space<semaphore_mem>>)
        %dma_start3A_55 = arith.constant 0 : i32
        %dma_start3A_56 = arith.constant 64 : i32
        %dma_start3A_57 = arith.constant 0 : i32
        %dma_start3A_58 = tpu.memref_slice %arg10[%dma_start3A_56, %dma_start3A_57] : memref<128x128xf32, #tpu.memory_space<vmem>> -> memref<64x128xf32, #tpu.memory_space<vmem>>
        %dma_start3A_59 = arith.constant 64 : i32
        %dma_start3A_60 = tpu.memref_slice %arg8[%dma_start3A_55, %dma_start3A_59] : memref<32x128xi32, #tpu.memory_space<vmem>> -> memref<1x64xi32, #tpu.memory_space<vmem>>
        %dma_start3A_61 = tpu.memref_squeeze %dma_start3A_60 : memref<1x64xi32, #tpu.memory_space<vmem>> -> memref<64xi32, #tpu.memory_space<vmem>>
        %dma_start3A_62 = arith.constant 0 : i32
        %dma_start3A_63 = arith.constant 0 : i32
        %dma_start3A_64 = tpu.memref_slice %arg5[%dma_start3A_62, %dma_start3A_63] : memref<10240x128xf32, #tpu.memory_space<hbm>> -> memref<10240x128xf32, #tpu.memory_space<hbm>>
        tpu.enqueue_indirect_dma source(%dma_start3A_64 : memref<10240x128xf32, #tpu.memory_space<hbm>>) target(%dma_start3A_58 : memref<64x128xf32, #tpu.memory_space<vmem>>) offsets(%dma_start3A_61 : memref<64xi32, #tpu.memory_space<vmem>>) semaphore(%arg13 : memref<!tpu.dma_semaphore, #tpu.memory_space<semaphore_mem>>)
        %dma_start3A_65 = arith.constant 1 : i32
        %dma_start3A_66 = arith.constant 0 : i32
        %dma_start3A_67 = arith.constant 0 : i32
        %dma_start3A_68 = tpu.memref_slice %arg11[%dma_start3A_66, %dma_start3A_67] : memref<128x128xf32, #tpu.memory_space<vmem>> -> memref<64x128xf32, #tpu.memory_space<vmem>>
        %dma_start3A_69 = arith.constant 0 : i32
        %dma_start3A_70 = tpu.memref_slice %arg8[%dma_start3A_65, %dma_start3A_69] : memref<32x128xi32, #tpu.memory_space<vmem>> -> memref<1x64xi32, #tpu.memory_space<vmem>>
        %dma_start3A_71 = tpu.memref_squeeze %dma_start3A_70 : memref<1x64xi32, #tpu.memory_space<vmem>> -> memref<64xi32, #tpu.memory_space<vmem>>
        %dma_start3A_72 = arith.constant 0 : i32
        %dma_start3A_73 = arith.constant 0 : i32
        %dma_start3A_74 = tpu.memref_slice %arg5[%dma_start3A_72, %dma_start3A_73] : memref<10240x128xf32, #tpu.memory_space<hbm>> -> memref<10240x128xf32, #tpu.memory_space<hbm>>
        tpu.enqueue_indirect_dma source(%dma_start3A_74 : memref<10240x128xf32, #tpu.memory_space<hbm>>) target(%dma_start3A_68 : memref<64x128xf32, #tpu.memory_space<vmem>>) offsets(%dma_start3A_71 : memref<64xi32, #tpu.memory_space<vmem>>) semaphore(%arg14 : memref<!tpu.dma_semaphore, #tpu.memory_space<semaphore_mem>>)
        %dma_start3A_75 = arith.constant 1 : i32
        %dma_start3A_76 = arith.constant 64 : i32
        %dma_start3A_77 = arith.constant 0 : i32
        %dma_start3A_78 = tpu.memref_slice %arg11[%dma_start3A_76, %dma_start3A_77] : memref<128x128xf32, #tpu.memory_space<vmem>> -> memref<64x128xf32, #tpu.memory_space<vmem>>
        %dma_start3A_79 = arith.constant 64 : i32
        %dma_start3A_80 = tpu.memref_slice %arg8[%dma_start3A_75, %dma_start3A_79] : memref<32x128xi32, #tpu.memory_space<vmem>> -> memref<1x64xi32, #tpu.memory_space<vmem>>
        %dma_start3A_81 = tpu.memref_squeeze %dma_start3A_80 : memref<1x64xi32, #tpu.memory_space<vmem>> -> memref<64xi32, #tpu.memory_space<vmem>>
        %dma_start3A_82 = arith.constant 0 : i32
        %dma_start3A_83 = arith.constant 0 : i32
        %dma_start3A_84 = tpu.memref_slice %arg5[%dma_start3A_82, %dma_start3A_83] : memref<10240x128xf32, #tpu.memory_space<hbm>> -> memref<10240x128xf32, #tpu.memory_space<hbm>>
        tpu.enqueue_indirect_dma source(%dma_start3A_84 : memref<10240x128xf32, #tpu.memory_space<hbm>>) target(%dma_start3A_78 : memref<64x128xf32, #tpu.memory_space<vmem>>) offsets(%dma_start3A_81 : memref<64xi32, #tpu.memory_space<vmem>>) semaphore(%arg14 : memref<!tpu.dma_semaphore, #tpu.memory_space<semaphore_mem>>)
        %scan3A_85 = arith.constant 0 : i32
        %scan3A_86 = arith.constant 0 : i32
        %scan3A_87 = arith.constant 16 : i32
        %scan3A_88 = arith.addi %scan3A_86, %scan3A_87 : i32
        %scan3A_89 = arith.constant 1 : i32
        scf.for %scan3A_91 = %scan3A_86 to %scan3A_88 step %scan3A_89  : i32 {
          %mul3A_92 = arith.constant 2 : i32
          %mul3A_93 = arith.muli %scan3A_91, %mul3A_92 : i32
          tpu.wait_dma2 semaphore(%arg13 : memref<!tpu.dma_semaphore, #tpu.memory_space<semaphore_mem>>) src(%arg5 : memref<10240x128xf32, #tpu.memory_space<hbm>>) dst(%arg10 : memref<128x128xf32, #tpu.memory_space<vmem>>)
          "tpu.region"() ({
            %run_scoped3A = tpu.sem_alloc : memref<!tpu.dma_semaphore, #tpu.memory_space<semaphore_mem>>
            %dma_start3A_109 = arith.constant 0 : i32
            %dma_start3A_110 = tpu.memref_slice %arg9[%mul3A_93, %dma_start3A_109] : memref<32x128xi32, #tpu.memory_space<vmem>> -> memref<1x128xi32, #tpu.memory_space<vmem>>
            %dma_start3A_111 = tpu.memref_squeeze %dma_start3A_110 : memref<1x128xi32, #tpu.memory_space<vmem>> -> memref<128xi32, #tpu.memory_space<vmem>>
            %dma_start3A_112 = arith.constant 0 : i32
            %dma_start3A_113 = arith.constant 0 : i32
            %dma_start3A_114 = tpu.memref_slice %arg12[%dma_start3A_112, %dma_start3A_113] : memref<10240x128xf32, #tpu.memory_space<vmem_shared>> -> memref<10240x128xf32, #tpu.memory_space<vmem_shared>>
            tpu.enqueue_indirect_dma source(%arg10 : memref<128x128xf32, #tpu.memory_space<vmem>>) target(%dma_start3A_114 : memref<10240x128xf32, #tpu.memory_space<vmem_shared>>) offsets(%dma_start3A_111 : memref<128xi32, #tpu.memory_space<vmem>>) semaphore(%run_scoped3A : memref<!tpu.dma_semaphore, #tpu.memory_space<semaphore_mem>>) {add = true}
            %dma_wait3A = arith.constant 0 : i32
            %dma_wait3A_115 = tpu.memref_slice %arg9[%mul3A_93, %dma_wait3A] : memref<32x128xi32, #tpu.memory_space<vmem>> -> memref<1x128xi32, #tpu.memory_space<vmem>>
            %dma_wait3A_116 = tpu.memref_squeeze %dma_wait3A_115 : memref<1x128xi32, #tpu.memory_space<vmem>> -> memref<128xi32, #tpu.memory_space<vmem>>
            %dma_wait3A_117 = arith.constant 0 : i32
            %dma_wait3A_118 = arith.constant 0 : i32
            %dma_wait3A_119 = tpu.memref_slice %arg12[%dma_wait3A_117, %dma_wait3A_118] : memref<10240x128xf32, #tpu.memory_space<vmem_shared>> -> memref<10240x128xf32, #tpu.memory_space<vmem_shared>>
            tpu.wait_indirect_dma semaphore(%run_scoped3A : memref<!tpu.dma_semaphore, #tpu.memory_space<semaphore_mem>>) src(%arg10 : memref<128x128xf32, #tpu.memory_space<vmem>>) dst(%dma_wait3A_119 : memref<10240x128xf32, #tpu.memory_space<vmem_shared>>)
            tpu.yield
          }) : () -> ()
          %add3A_94 = arith.constant 2 : i32
          %add3A_95 = arith.addi %mul3A_93, %add3A_94 : i32
          %lt3A = arith.constant 32 : i32
          %lt3A_96 = arith.cmpi slt, %add3A_95, %lt3A : i32
          %convert_element_type3A_97 = arith.extui %lt3A_96 : i1 to i32
          %cond3A_98 = arith.constant 0 : i32
          %cond3A_99 = arith.cmpi ne, %convert_element_type3A_97, %cond3A_98 : i32
          scf.if %cond3A_99 {
            %add3A_109 = arith.constant 2 : i32
            %add3A_110 = arith.addi %mul3A_93, %add3A_109 : i32
            %dma_start3A_111 = arith.constant 0 : i32
            %dma_start3A_112 = arith.constant 0 : i32
            %dma_start3A_113 = tpu.memref_slice %arg10[%dma_start3A_111, %dma_start3A_112] : memref<128x128xf32, #tpu.memory_space<vmem>> -> memref<64x128xf32, #tpu.memory_space<vmem>>
            %dma_start3A_114 = arith.constant 0 : i32
            %dma_start3A_115 = tpu.memref_slice %arg8[%add3A_110, %dma_start3A_114] : memref<32x128xi32, #tpu.memory_space<vmem>> -> memref<1x64xi32, #tpu.memory_space<vmem>>
            %dma_start3A_116 = tpu.memref_squeeze %dma_start3A_115 : memref<1x64xi32, #tpu.memory_space<vmem>> -> memref<64xi32, #tpu.memory_space<vmem>>
            %dma_start3A_117 = arith.constant 0 : i32
            %dma_start3A_118 = arith.constant 0 : i32
            %dma_start3A_119 = tpu.memref_slice %arg5[%dma_start3A_117, %dma_start3A_118] : memref<10240x128xf32, #tpu.memory_space<hbm>> -> memref<10240x128xf32, #tpu.memory_space<hbm>>
            tpu.enqueue_indirect_dma source(%dma_start3A_119 : memref<10240x128xf32, #tpu.memory_space<hbm>>) target(%dma_start3A_113 : memref<64x128xf32, #tpu.memory_space<vmem>>) offsets(%dma_start3A_116 : memref<64xi32, #tpu.memory_space<vmem>>) semaphore(%arg13 : memref<!tpu.dma_semaphore, #tpu.memory_space<semaphore_mem>>)
            %dma_start3A_120 = arith.constant 64 : i32
            %dma_start3A_121 = arith.constant 0 : i32
            %dma_start3A_122 = tpu.memref_slice %arg10[%dma_start3A_120, %dma_start3A_121] : memref<128x128xf32, #tpu.memory_space<vmem>> -> memref<64x128xf32, #tpu.memory_space<vmem>>
            %dma_start3A_123 = arith.constant 64 : i32
            %dma_start3A_124 = tpu.memref_slice %arg8[%add3A_110, %dma_start3A_123] : memref<32x128xi32, #tpu.memory_space<vmem>> -> memref<1x64xi32, #tpu.memory_space<vmem>>
            %dma_start3A_125 = tpu.memref_squeeze %dma_start3A_124 : memref<1x64xi32, #tpu.memory_space<vmem>> -> memref<64xi32, #tpu.memory_space<vmem>>
            %dma_start3A_126 = arith.constant 0 : i32
            %dma_start3A_127 = arith.constant 0 : i32
            %dma_start3A_128 = tpu.memref_slice %arg5[%dma_start3A_126, %dma_start3A_127] : memref<10240x128xf32, #tpu.memory_space<hbm>> -> memref<10240x128xf32, #tpu.memory_space<hbm>>
            tpu.enqueue_indirect_dma source(%dma_start3A_128 : memref<10240x128xf32, #tpu.memory_space<hbm>>) target(%dma_start3A_122 : memref<64x128xf32, #tpu.memory_space<vmem>>) offsets(%dma_start3A_125 : memref<64xi32, #tpu.memory_space<vmem>>) semaphore(%arg13 : memref<!tpu.dma_semaphore, #tpu.memory_space<semaphore_mem>>)
          } else {
          }
          %add3A_100 = arith.constant 1 : i32
          %add3A_101 = arith.addi %mul3A_93, %add3A_100 : i32
          tpu.wait_dma2 semaphore(%arg14 : memref<!tpu.dma_semaphore, #tpu.memory_space<semaphore_mem>>) src(%arg5 : memref<10240x128xf32, #tpu.memory_space<hbm>>) dst(%arg11 : memref<128x128xf32, #tpu.memory_space<vmem>>)
          "tpu.region"() ({
            %run_scoped3A = tpu.sem_alloc : memref<!tpu.dma_semaphore, #tpu.memory_space<semaphore_mem>>
            %dma_start3A_109 = arith.constant 0 : i32
            %dma_start3A_110 = tpu.memref_slice %arg9[%add3A_101, %dma_start3A_109] : memref<32x128xi32, #tpu.memory_space<vmem>> -> memref<1x128xi32, #tpu.memory_space<vmem>>
            %dma_start3A_111 = tpu.memref_squeeze %dma_start3A_110 : memref<1x128xi32, #tpu.memory_space<vmem>> -> memref<128xi32, #tpu.memory_space<vmem>>
            %dma_start3A_112 = arith.constant 0 : i32
            %dma_start3A_113 = arith.constant 0 : i32
            %dma_start3A_114 = tpu.memref_slice %arg12[%dma_start3A_112, %dma_start3A_113] : memref<10240x128xf32, #tpu.memory_space<vmem_shared>> -> memref<10240x128xf32, #tpu.memory_space<vmem_shared>>
            tpu.enqueue_indirect_dma source(%arg11 : memref<128x128xf32, #tpu.memory_space<vmem>>) target(%dma_start3A_114 : memref<10240x128xf32, #tpu.memory_space<vmem_shared>>) offsets(%dma_start3A_111 : memref<128xi32, #tpu.memory_space<vmem>>) semaphore(%run_scoped3A : memref<!tpu.dma_semaphore, #tpu.memory_space<semaphore_mem>>) {add = true}
            %dma_wait3A = arith.constant 0 : i32
            %dma_wait3A_115 = tpu.memref_slice %arg9[%add3A_101, %dma_wait3A] : memref<32x128xi32, #tpu.memory_space<vmem>> -> memref<1x128xi32, #tpu.memory_space<vmem>>
            %dma_wait3A_116 = tpu.memref_squeeze %dma_wait3A_115 : memref<1x128xi32, #tpu.memory_space<vmem>> -> memref<128xi32, #tpu.memory_space<vmem>>
            %dma_wait3A_117 = arith.constant 0 : i32
            %dma_wait3A_118 = arith.constant 0 : i32
            %dma_wait3A_119 = tpu.memref_slice %arg12[%dma_wait3A_117, %dma_wait3A_118] : memref<10240x128xf32, #tpu.memory_space<vmem_shared>> -> memref<10240x128xf32, #tpu.memory_space<vmem_shared>>
            tpu.wait_indirect_dma semaphore(%run_scoped3A : memref<!tpu.dma_semaphore, #tpu.memory_space<semaphore_mem>>) src(%arg11 : memref<128x128xf32, #tpu.memory_space<vmem>>) dst(%dma_wait3A_119 : memref<10240x128xf32, #tpu.memory_space<vmem_shared>>)
            tpu.yield
          }) : () -> ()
          %add3A_102 = arith.constant 2 : i32
          %add3A_103 = arith.addi %add3A_101, %add3A_102 : i32
          %lt3A_104 = arith.constant 32 : i32
          %lt3A_105 = arith.cmpi slt, %add3A_103, %lt3A_104 : i32
          %convert_element_type3A_106 = arith.extui %lt3A_105 : i1 to i32
          %cond3A_107 = arith.constant 0 : i32
          %cond3A_108 = arith.cmpi ne, %convert_element_type3A_106, %cond3A_107 : i32
          scf.if %cond3A_108 {
            %add3A_109 = arith.constant 2 : i32
            %add3A_110 = arith.addi %add3A_101, %add3A_109 : i32
            %dma_start3A_111 = arith.constant 0 : i32
            %dma_start3A_112 = arith.constant 0 : i32
            %dma_start3A_113 = tpu.memref_slice %arg11[%dma_start3A_111, %dma_start3A_112] : memref<128x128xf32, #tpu.memory_space<vmem>> -> memref<64x128xf32, #tpu.memory_space<vmem>>
            %dma_start3A_114 = arith.constant 0 : i32
            %dma_start3A_115 = tpu.memref_slice %arg8[%add3A_110, %dma_start3A_114] : memref<32x128xi32, #tpu.memory_space<vmem>> -> memref<1x64xi32, #tpu.memory_space<vmem>>
            %dma_start3A_116 = tpu.memref_squeeze %dma_start3A_115 : memref<1x64xi32, #tpu.memory_space<vmem>> -> memref<64xi32, #tpu.memory_space<vmem>>
            %dma_start3A_117 = arith.constant 0 : i32
            %dma_start3A_118 = arith.constant 0 : i32
            %dma_start3A_119 = tpu.memref_slice %arg5[%dma_start3A_117, %dma_start3A_118] : memref<10240x128xf32, #tpu.memory_space<hbm>> -> memref<10240x128xf32, #tpu.memory_space<hbm>>
            tpu.enqueue_indirect_dma source(%dma_start3A_119 : memref<10240x128xf32, #tpu.memory_space<hbm>>) target(%dma_start3A_113 : memref<64x128xf32, #tpu.memory_space<vmem>>) offsets(%dma_start3A_116 : memref<64xi32, #tpu.memory_space<vmem>>) semaphore(%arg14 : memref<!tpu.dma_semaphore, #tpu.memory_space<semaphore_mem>>)
            %dma_start3A_120 = arith.constant 64 : i32
            %dma_start3A_121 = arith.constant 0 : i32
            %dma_start3A_122 = tpu.memref_slice %arg11[%dma_start3A_120, %dma_start3A_121] : memref<128x128xf32, #tpu.memory_space<vmem>> -> memref<64x128xf32, #tpu.memory_space<vmem>>
            %dma_start3A_123 = arith.constant 64 : i32
            %dma_start3A_124 = tpu.memref_slice %arg8[%add3A_110, %dma_start3A_123] : memref<32x128xi32, #tpu.memory_space<vmem>> -> memref<1x64xi32, #tpu.memory_space<vmem>>
            %dma_start3A_125 = tpu.memref_squeeze %dma_start3A_124 : memref<1x64xi32, #tpu.memory_space<vmem>> -> memref<64xi32, #tpu.memory_space<vmem>>
            %dma_start3A_126 = arith.constant 0 : i32
            %dma_start3A_127 = arith.constant 0 : i32
            %dma_start3A_128 = tpu.memref_slice %arg5[%dma_start3A_126, %dma_start3A_127] : memref<10240x128xf32, #tpu.memory_space<hbm>> -> memref<10240x128xf32, #tpu.memory_space<hbm>>
            tpu.enqueue_indirect_dma source(%dma_start3A_128 : memref<10240x128xf32, #tpu.memory_space<hbm>>) target(%dma_start3A_122 : memref<64x128xf32, #tpu.memory_space<vmem>>) offsets(%dma_start3A_125 : memref<64xi32, #tpu.memory_space<vmem>>) semaphore(%arg14 : memref<!tpu.dma_semaphore, #tpu.memory_space<semaphore_mem>>)
          } else {
          }
        }
        %scan3A_90 = arith.constant 16 : i32
      }
      %scan3A_41 = arith.constant 5 : i32
    } else {
    }
    %barrier3A_25 = arith.constant 0 : index
    tpu.barrier barrier_id(%barrier3A_25)
    %eq3A_26 = arith.constant 0 : i32
    %eq3A_27 = arith.cmpi eq, %arg0, %eq3A_26 : i32
    %convert_element_type3A_28 = arith.extui %eq3A_27 : i1 to i32
    %cond3A_29 = arith.constant 0 : i32
    %cond3A_30 = arith.cmpi ne, %convert_element_type3A_28, %cond3A_29 : i32
    scf.if %cond3A_30 {
      "tpu.region"() ({
        %run_scoped3A = tpu.sem_alloc : memref<!tpu.dma_semaphore, #tpu.memory_space<semaphore_mem>>
        %dma_start3A = arith.constant 0 : i32
        %dma_start3A_36 = tpu.memref_slice %arg6[%mul3A_8, %dma_start3A] : memref<10240x128xf32, #tpu.memory_space<hbm>> -> memref<640x128xf32, #tpu.memory_space<hbm>>
        %dma_start3A_37 = arith.constant 0 : i32
        %dma_start3A_38 = tpu.memref_slice %arg12[%mul3A_8, %dma_start3A_37] : memref<10240x128xf32, #tpu.memory_space<vmem_shared>> -> memref<640x128xf32, #tpu.memory_space<vmem_shared>>
        tpu.enqueue_dma source(%dma_start3A_38 : memref<640x128xf32, #tpu.memory_space<vmem_shared>>) target(%dma_start3A_36 : memref<640x128xf32, #tpu.memory_space<hbm>>) target_semaphore(%run_scoped3A : memref<!tpu.dma_semaphore, #tpu.memory_space<semaphore_mem>>)
        %dma_wait3A = arith.constant 0 : i32
        %dma_wait3A_39 = tpu.memref_slice %arg6[%mul3A_8, %dma_wait3A] : memref<10240x128xf32, #tpu.memory_space<hbm>> -> memref<640x128xf32, #tpu.memory_space<hbm>>
        %dma_wait3A_40 = arith.constant 0 : i32
        %dma_wait3A_41 = tpu.memref_slice %arg12[%mul3A_8, %dma_wait3A_40] : memref<10240x128xf32, #tpu.memory_space<vmem_shared>> -> memref<640x128xf32, #tpu.memory_space<vmem_shared>>
        tpu.wait_dma2 semaphore(%run_scoped3A : memref<!tpu.dma_semaphore, #tpu.memory_space<semaphore_mem>>) src(%dma_wait3A_41 : memref<640x128xf32, #tpu.memory_space<vmem_shared>>) dst(%dma_wait3A_39 : memref<640x128xf32, #tpu.memory_space<hbm>>)
        tpu.yield
      }) : () -> ()
    } else {
    }
    %eq3A_31 = arith.constant 1 : i32
    %eq3A_32 = arith.cmpi eq, %arg0, %eq3A_31 : i32
    %convert_element_type3A_33 = arith.extui %eq3A_32 : i1 to i32
    %cond3A_34 = arith.constant 0 : i32
    %cond3A_35 = arith.cmpi ne, %convert_element_type3A_33, %cond3A_34 : i32
    scf.if %cond3A_35 {
      "tpu.region"() ({
        %run_scoped3A = tpu.sem_alloc : memref<!tpu.dma_semaphore, #tpu.memory_space<semaphore_mem>>
        %dma_start3A = arith.constant 0 : i32
        %dma_start3A_36 = tpu.memref_slice %arg7[%mul3A_8, %dma_start3A] : memref<10240x128xf32, #tpu.memory_space<hbm>> -> memref<640x128xf32, #tpu.memory_space<hbm>>
        %dma_start3A_37 = arith.constant 0 : i32
        %dma_start3A_38 = tpu.memref_slice %arg12[%mul3A_8, %dma_start3A_37] : memref<10240x128xf32, #tpu.memory_space<vmem_shared>> -> memref<640x128xf32, #tpu.memory_space<vmem_shared>>
        tpu.enqueue_dma source(%dma_start3A_38 : memref<640x128xf32, #tpu.memory_space<vmem_shared>>) target(%dma_start3A_36 : memref<640x128xf32, #tpu.memory_space<hbm>>) target_semaphore(%run_scoped3A : memref<!tpu.dma_semaphore, #tpu.memory_space<semaphore_mem>>)
        %dma_wait3A = arith.constant 0 : i32
        %dma_wait3A_39 = tpu.memref_slice %arg7[%mul3A_8, %dma_wait3A] : memref<10240x128xf32, #tpu.memory_space<hbm>> -> memref<640x128xf32, #tpu.memory_space<hbm>>
        %dma_wait3A_40 = arith.constant 0 : i32
        %dma_wait3A_41 = tpu.memref_slice %arg12[%mul3A_8, %dma_wait3A_40] : memref<10240x128xf32, #tpu.memory_space<vmem_shared>> -> memref<640x128xf32, #tpu.memory_space<vmem_shared>>
        tpu.wait_dma2 semaphore(%run_scoped3A : memref<!tpu.dma_semaphore, #tpu.memory_space<semaphore_mem>>) src(%dma_wait3A_41 : memref<640x128xf32, #tpu.memory_space<vmem_shared>>) dst(%dma_wait3A_39 : memref<640x128xf32, #tpu.memory_space<hbm>>)
        tpu.yield
      }) : () -> ()
    } else {
    }
    return
  }
}

#map = affine_map<(d0, d1) -> (0)>
module attributes {stable_mosaic.version = 14 : i64} {
  func.func @_sort_body(%arg0: i32, %arg1: i32, %arg2: memref<327680xi32, #tpu.memory_space<hbm>>, %arg3: memref<327680xi32, #tpu.memory_space<hbm>>, %arg4: memref<327680xi32, #tpu.memory_space<hbm>>, %arg5: memref<327680xi32, #tpu.memory_space<hbm>>, %arg6: memref<10240xi32, #tpu.memory_space<vmem>>, %arg7: memref<10240xi32, #tpu.memory_space<vmem>>, %arg8: memref<10240xi32, #tpu.memory_space<vmem>>, %arg9: memref<10240xi32, #tpu.memory_space<vmem>>, %arg10: memref<5120xi32, #tpu.memory_space<vmem>>) attributes {dimension_semantics = [#tpu.dimension_semantics<core_parallel>, #tpu.dimension_semantics<subcore_parallel>], iteration_bounds = array<i64: 2, 16>, scalar_prefetch = 0 : i64, scratch_operands = 5 : i64, tpu.core_type = #tpu.core_type<sc_vector_subcore>, window_params = [{transform_indices = #map}, {transform_indices = #map}, {transform_indices = #map}, {transform_indices = #map}]} {
    %mul3A = arith.constant 16 : i32
    %mul3A_0 = arith.muli %arg0, %mul3A : i32
    %add3A = arith.addi %mul3A_0, %arg1 : i32
    %mul3A_1 = arith.constant 10240 : i32
    %mul3A_2 = arith.muli %add3A, %mul3A_1 : i32
    "tpu.region"() ({
      %run_scoped3A = tpu.sem_alloc : memref<!tpu.dma_semaphore, #tpu.memory_space<semaphore_mem>>
      %dma_start3A = tpu.memref_slice %arg2[%mul3A_2] : memref<327680xi32, #tpu.memory_space<hbm>> -> memref<10240xi32, #tpu.memory_space<hbm>>
      %dma_start3A_33 = tpu.memref_slice %arg2[%mul3A_2] : memref<327680xi32, #tpu.memory_space<hbm>> -> memref<10240xi32, #tpu.memory_space<hbm>>
      tpu.enqueue_dma source(%dma_start3A_33 : memref<10240xi32, #tpu.memory_space<hbm>>) target(%arg6 : memref<10240xi32, #tpu.memory_space<vmem>>) target_semaphore(%run_scoped3A : memref<!tpu.dma_semaphore, #tpu.memory_space<semaphore_mem>>)
      %dma_wait3A = tpu.memref_slice %arg2[%mul3A_2] : memref<327680xi32, #tpu.memory_space<hbm>> -> memref<10240xi32, #tpu.memory_space<hbm>>
      %dma_wait3A_34 = tpu.memref_slice %arg2[%mul3A_2] : memref<327680xi32, #tpu.memory_space<hbm>> -> memref<10240xi32, #tpu.memory_space<hbm>>
      tpu.wait_dma2 semaphore(%run_scoped3A : memref<!tpu.dma_semaphore, #tpu.memory_space<semaphore_mem>>) src(%dma_wait3A_34 : memref<10240xi32, #tpu.memory_space<hbm>>) dst(%arg6 : memref<10240xi32, #tpu.memory_space<vmem>>)
      tpu.yield
    }) : () -> ()
    "tpu.region"() ({
      %run_scoped3A = tpu.sem_alloc : memref<!tpu.dma_semaphore, #tpu.memory_space<semaphore_mem>>
      %dma_start3A = tpu.memref_slice %arg3[%mul3A_2] : memref<327680xi32, #tpu.memory_space<hbm>> -> memref<10240xi32, #tpu.memory_space<hbm>>
      %dma_start3A_33 = tpu.memref_slice %arg3[%mul3A_2] : memref<327680xi32, #tpu.memory_space<hbm>> -> memref<10240xi32, #tpu.memory_space<hbm>>
      tpu.enqueue_dma source(%dma_start3A_33 : memref<10240xi32, #tpu.memory_space<hbm>>) target(%arg7 : memref<10240xi32, #tpu.memory_space<vmem>>) target_semaphore(%run_scoped3A : memref<!tpu.dma_semaphore, #tpu.memory_space<semaphore_mem>>)
      %dma_wait3A = tpu.memref_slice %arg3[%mul3A_2] : memref<327680xi32, #tpu.memory_space<hbm>> -> memref<10240xi32, #tpu.memory_space<hbm>>
      %dma_wait3A_34 = tpu.memref_slice %arg3[%mul3A_2] : memref<327680xi32, #tpu.memory_space<hbm>> -> memref<10240xi32, #tpu.memory_space<hbm>>
      tpu.wait_dma2 semaphore(%run_scoped3A : memref<!tpu.dma_semaphore, #tpu.memory_space<semaphore_mem>>) src(%dma_wait3A_34 : memref<10240xi32, #tpu.memory_space<hbm>>) dst(%arg7 : memref<10240xi32, #tpu.memory_space<vmem>>)
      tpu.yield
    }) : () -> ()
    %broadcast_in_dim3A = arith.constant 0 : i32
    %broadcast_in_dim3A_3 = vector.broadcast %broadcast_in_dim3A : i32 to vector<16xi32>
    %broadcast_in_dim3A_4 = arith.constant 1 : i32
    %broadcast_in_dim3A_5 = vector.broadcast %broadcast_in_dim3A_4 : i32 to vector<16xi32>
    %iota3A = tpu.iota {dimensions = array<i32: 0>} : vector<16xi32>
    %mul3A_6 = arith.constant 320 : i32
    %mul3A_7 = vector.broadcast %mul3A_6 : i32 to vector<16xi32>
    %mul3A_8 = arith.muli %iota3A, %mul3A_7 : vector<16xi32>
    %scan3A = arith.constant 0 : i32
    %scan3A_9 = arith.constant 0 : i32
    %scan3A_10 = arith.constant 320 : i32
    %scan3A_11 = arith.addi %scan3A_9, %scan3A_10 : i32
    %scan3A_12 = arith.constant 1 : i32
    scf.for %scan3A_33 = %scan3A_9 to %scan3A_11 step %scan3A_12  : i32 {
      %mul3A_34 = arith.constant 16 : i32
      %mul3A_35 = arith.muli %scan3A_33, %mul3A_34 : i32
      %swap3A = arith.index_cast %mul3A_35 : i32 to index
      %swap3A_36 = tpu.vector_load %arg10[%swap3A] {strides = array<i32>} : memref<5120xi32, #tpu.memory_space<vmem>>, vector<16xi32>,
      tpu.vector_store %arg10[%swap3A], %broadcast_in_dim3A_3 {strides = array<i32>} : memref<5120xi32, #tpu.memory_space<vmem>>, vector<16xi32>,
    }
    %scan3A_13 = arith.constant 320 : i32
    %scan3A_14 = arith.constant 0 : i32
    %scan3A_15 = arith.constant 0 : i32
    %scan3A_16 = arith.constant 640 : i32
    %scan3A_17 = arith.addi %scan3A_15, %scan3A_16 : i32
    %scan3A_18 = arith.constant 1 : i32
    scf.for %scan3A_33 = %scan3A_15 to %scan3A_17 step %scan3A_18  : i32 {
      %mul3A_34 = arith.constant 16 : i32
      %mul3A_35 = arith.muli %scan3A_33, %mul3A_34 : i32
      %get3A = arith.index_cast %mul3A_35 : i32 to index
      %get3A_36 = tpu.vector_load %arg6[%get3A] {strides = array<i32>} : memref<10240xi32, #tpu.memory_space<vmem>>, vector<16xi32>,
      %shift_right_logical3A = arith.constant 5 : i32
      %shift_right_logical3A_37 = vector.broadcast %shift_right_logical3A : i32 to vector<16xi32>
      %shift_right_logical3A_38 = arith.shrui %get3A_36, %shift_right_logical3A_37 : vector<16xi32>
      %add3A_39 = arith.addi %mul3A_8, %shift_right_logical3A_38 : vector<16xi32>
      tpu.vector_store_idx %arg10[%add3A_39], %broadcast_in_dim3A_5 {add = true} : memref<5120xi32, #tpu.memory_space<vmem>>[vector<16xi32>], vector<16xi32>,
    }
    %scan3A_19 = arith.constant 640 : i32
    %scan3A_20 = arith.constant 0 : i32
    %scan3A_21 = arith.constant 0 : i32
    %scan3A_22 = arith.constant 320 : i32
    %scan3A_23 = arith.addi %scan3A_21, %scan3A_22 : i32
    %scan3A_24 = arith.constant 1 : i32
    %scan3A_25 = scf.for %scan3A_33 = %scan3A_21 to %scan3A_23 step %scan3A_24 iter_args(%scan3A_34 = %scan3A_20) -> (i32)  : i32 {
      %mul3A_35 = arith.constant 16 : i32
      %mul3A_36 = arith.muli %scan3A_33, %mul3A_35 : i32
      %get3A = arith.index_cast %mul3A_36 : i32 to index
      %get3A_37 = tpu.vector_load %arg10[%get3A] {strides = array<i32>} : memref<5120xi32, #tpu.memory_space<vmem>>, vector<16xi32>,
      %broadcast_in_dim3A_38 = arith.constant true
      %broadcast_in_dim3A_39 = vector.broadcast %broadcast_in_dim3A_38 : i1 to vector<16xi1>
      %masked_cumsum3A = tpu.scan <sum>, %get3A_37 masked %broadcast_in_dim3A_39 : vector<16xi32>, vector<16xi1> -> vector<16xi32>
      %sub3A = arith.subi %masked_cumsum3A, %get3A_37 : vector<16xi32>
      %add3A_40 = vector.broadcast %scan3A_34 : i32 to vector<16xi32>
      %add3A_41 = arith.addi %sub3A, %add3A_40 : vector<16xi32>
      %mul3A_42 = arith.constant 16 : i32
      %mul3A_43 = arith.muli %scan3A_33, %mul3A_42 : i32
      %swap3A = arith.index_cast %mul3A_43 : i32 to index
      %swap3A_44 = tpu.vector_load %arg10[%swap3A] {strides = array<i32>} : memref<5120xi32, #tpu.memory_space<vmem>>, vector<16xi32>,
      tpu.vector_store %arg10[%swap3A], %add3A_41 {strides = array<i32>} : memref<5120xi32, #tpu.memory_space<vmem>>, vector<16xi32>,
      %reduce_sum3A = arith.constant true
      %reduce_sum3A_45 = vector.broadcast %reduce_sum3A : i1 to vector<16xi1>
      %reduce_sum3A_46 = tpu.scan <sum>, %get3A_37 masked %reduce_sum3A_45 : vector<16xi32>, vector<16xi1> -> vector<16xi32>
      %reduce_sum3A_47 = vector.extract %reduce_sum3A_46[15] : i32 from vector<16xi32>
      %add3A_48 = arith.addi %scan3A_34, %reduce_sum3A_47 : i32
      scf.yield %add3A_48 : i32
    }
    %scan3A_26 = arith.constant 320 : i32
    %scan3A_27 = arith.constant 0 : i32
    %scan3A_28 = arith.constant 0 : i32
    %scan3A_29 = arith.constant 640 : i32
    %scan3A_30 = arith.addi %scan3A_28, %scan3A_29 : i32
    %scan3A_31 = arith.constant 1 : i32
    scf.for %scan3A_33 = %scan3A_28 to %scan3A_30 step %scan3A_31  : i32 {
      %mul3A_34 = arith.constant 16 : i32
      %mul3A_35 = arith.muli %scan3A_33, %mul3A_34 : i32
      %get3A = arith.index_cast %mul3A_35 : i32 to index
      %get3A_36 = tpu.vector_load %arg6[%get3A] {strides = array<i32>} : memref<10240xi32, #tpu.memory_space<vmem>>, vector<16xi32>,
      %mul3A_37 = arith.constant 16 : i32
      %mul3A_38 = arith.muli %scan3A_33, %mul3A_37 : i32
      %get3A_39 = arith.index_cast %mul3A_38 : i32 to index
      %get3A_40 = tpu.vector_load %arg7[%get3A_39] {strides = array<i32>} : memref<10240xi32, #tpu.memory_space<vmem>>, vector<16xi32>,
      %shift_right_logical3A = arith.constant 5 : i32
      %shift_right_logical3A_41 = vector.broadcast %shift_right_logical3A : i32 to vector<16xi32>
      %shift_right_logical3A_42 = arith.shrui %get3A_36, %shift_right_logical3A_41 : vector<16xi32>
      %add3A_43 = arith.addi %mul3A_8, %shift_right_logical3A_42 : vector<16xi32>
      %gather3A = tpu.vector_load_idx %arg10[%add3A_43] : memref<5120xi32, #tpu.memory_space<vmem>>[vector<16xi32>], vector<16xi32>,
      tpu.vector_store_idx %arg8[%gather3A], %get3A_36 : memref<10240xi32, #tpu.memory_space<vmem>>[vector<16xi32>], vector<16xi32>,
      tpu.vector_store_idx %arg9[%gather3A], %get3A_40 : memref<10240xi32, #tpu.memory_space<vmem>>[vector<16xi32>], vector<16xi32>,
      %add3A_44 = arith.constant 1 : i32
      %add3A_45 = vector.broadcast %add3A_44 : i32 to vector<16xi32>
      %add3A_46 = arith.addi %gather3A, %add3A_45 : vector<16xi32>
      tpu.vector_store_idx %arg10[%add3A_43], %add3A_46 : memref<5120xi32, #tpu.memory_space<vmem>>[vector<16xi32>], vector<16xi32>,
    }
    %scan3A_32 = arith.constant 640 : i32
    "tpu.region"() ({
      %run_scoped3A = tpu.sem_alloc : memref<!tpu.dma_semaphore, #tpu.memory_space<semaphore_mem>>
      %dma_start3A = tpu.memref_slice %arg4[%mul3A_2] : memref<327680xi32, #tpu.memory_space<hbm>> -> memref<10240xi32, #tpu.memory_space<hbm>>
      %dma_start3A_33 = tpu.memref_slice %arg4[%mul3A_2] : memref<327680xi32, #tpu.memory_space<hbm>> -> memref<10240xi32, #tpu.memory_space<hbm>>
      tpu.enqueue_dma source(%arg8 : memref<10240xi32, #tpu.memory_space<vmem>>) target(%dma_start3A_33 : memref<10240xi32, #tpu.memory_space<hbm>>) target_semaphore(%run_scoped3A : memref<!tpu.dma_semaphore, #tpu.memory_space<semaphore_mem>>)
      %dma_wait3A = tpu.memref_slice %arg4[%mul3A_2] : memref<327680xi32, #tpu.memory_space<hbm>> -> memref<10240xi32, #tpu.memory_space<hbm>>
      %dma_wait3A_34 = tpu.memref_slice %arg4[%mul3A_2] : memref<327680xi32, #tpu.memory_space<hbm>> -> memref<10240xi32, #tpu.memory_space<hbm>>
      tpu.wait_dma2 semaphore(%run_scoped3A : memref<!tpu.dma_semaphore, #tpu.memory_space<semaphore_mem>>) src(%arg8 : memref<10240xi32, #tpu.memory_space<vmem>>) dst(%dma_wait3A_34 : memref<10240xi32, #tpu.memory_space<hbm>>)
      tpu.yield
    }) : () -> ()
    "tpu.region"() ({
      %run_scoped3A = tpu.sem_alloc : memref<!tpu.dma_semaphore, #tpu.memory_space<semaphore_mem>>
      %dma_start3A = tpu.memref_slice %arg5[%mul3A_2] : memref<327680xi32, #tpu.memory_space<hbm>> -> memref<10240xi32, #tpu.memory_space<hbm>>
      %dma_start3A_33 = tpu.memref_slice %arg5[%mul3A_2] : memref<327680xi32, #tpu.memory_space<hbm>> -> memref<10240xi32, #tpu.memory_space<hbm>>
      tpu.enqueue_dma source(%arg9 : memref<10240xi32, #tpu.memory_space<vmem>>) target(%dma_start3A_33 : memref<10240xi32, #tpu.memory_space<hbm>>) target_semaphore(%run_scoped3A : memref<!tpu.dma_semaphore, #tpu.memory_space<semaphore_mem>>)
      %dma_wait3A = tpu.memref_slice %arg5[%mul3A_2] : memref<327680xi32, #tpu.memory_space<hbm>> -> memref<10240xi32, #tpu.memory_space<hbm>>
      %dma_wait3A_34 = tpu.memref_slice %arg5[%mul3A_2] : memref<327680xi32, #tpu.memory_space<hbm>> -> memref<10240xi32, #tpu.memory_space<hbm>>
      tpu.wait_dma2 semaphore(%run_scoped3A : memref<!tpu.dma_semaphore, #tpu.memory_space<semaphore_mem>>) src(%arg9 : memref<10240xi32, #tpu.memory_space<vmem>>) dst(%dma_wait3A_34 : memref<10240xi32, #tpu.memory_space<hbm>>)
      tpu.yield
    }) : () -> ()
    return
  }
}

module attributes {stable_mosaic.version = 14 : i64} {
  func.func @_tc1_body(%arg0: i32, %arg1: memref<32x10240xf32, #tpu.memory_space<vmem>>, %arg2: memref<1280x128xf32, #tpu.memory_space<vmem>>, %arg3: memref<128x256xf32, #tpu.memory_space<vmem>>, %arg4: memref<10240xf32, #tpu.memory_space<vmem>>, %arg5: memref<1280x128xf32, #tpu.memory_space<vmem>>, %arg6: memref<1280x128xf32, #tpu.memory_space<vmem>>) attributes {dimension_semantics = [#tpu.dimension_semantics<arbitrary>], iteration_bounds = array<i64: 8>, scalar_prefetch = 0 : i64, scratch_operands = 0 : i64, tpu.core_type = #tpu.core_type<tc>, window_params = [{pipeline_mode = #tpu.pipeline_mode<synchronous>, transform_indices = @transform_0, window_bounds = array<i64: 32, 10240>}, {transform_indices = @transform_1, window_bounds = array<i64: 1280, 128>}, {pipeline_mode = #tpu.pipeline_mode<synchronous>, transform_indices = @transform_2, window_bounds = array<i64: 128, 256>}, {pipeline_mode = #tpu.pipeline_mode<synchronous>, transform_indices = @transform_3, window_bounds = array<i64: 10240>}, {transform_indices = @transform_4, window_bounds = array<i64: 1280, 128>}, {transform_indices = @transform_5, window_bounds = array<i64: 1280, 128>}]} {
    %get3A = arith.constant 0 : index
    %get3A_0 = arith.constant 0 : index
    %get3A_1 = vector.load %arg1[%get3A, %get3A_0] : memref<32x10240xf32, #tpu.memory_space<vmem>>, vector<32x10240xf32>
    %reduce_sum3A = arith.constant dense<0.000000e+00> : vector<10240xf32>
    %reduce_sum3A_2 = vector.multi_reduction <add>, %get3A_1, %reduce_sum3A [0] : vector<32x10240xf32> to vector<10240xf32>
    %add3A = arith.constant 1.000000e+00 : f32
    %add3A_3 = vector.broadcast %add3A : f32 to vector<10240xf32>
    %add3A_4 = arith.addf %reduce_sum3A_2, %add3A_3 : vector<10240xf32>
    %rsqrt3A = math.rsqrt %add3A_4 : vector<10240xf32>
    %swap3A = arith.constant 0 : index
    %swap3A_5 = vector.load %arg4[%swap3A] : memref<10240xf32, #tpu.memory_space<vmem>>, vector<10240xf32>
    tpu.vector_store %arg4[%swap3A], %rsqrt3A {strides = array<i32>} : memref<10240xf32, #tpu.memory_space<vmem>>, vector<10240xf32>,
    %mul3A = arith.constant 1280 : i32
    %mul3A_6 = arith.muli %arg0, %mul3A : i32
    %get3A_7 = arith.index_cast %mul3A_6 : i32 to index
    %get3A_8 = vector.load %arg4[%get3A_7] : memref<10240xf32, #tpu.memory_space<vmem>>, vector<1280xf32>
    %get3A_9 = arith.constant 0 : index
    %get3A_10 = arith.constant 0 : index
    %get3A_11 = vector.load %arg2[%get3A_9, %get3A_10] : memref<1280x128xf32, #tpu.memory_space<vmem>>, vector<1280x128xf32>
    %get3A_12 = arith.constant 0 : index
    %get3A_13 = arith.constant 0 : index
    %get3A_14 = vector.load %arg3[%get3A_12, %get3A_13] : memref<128x256xf32, #tpu.memory_space<vmem>>, vector<128x256xf32>
    %dot_general3A = arith.constant dense<0.000000e+00> : vector<1280x256xf32>
    %dot_general3A_15 = tpu.matmul %get3A_11, %get3A_14, %dot_general3A {dimension_numbers = #tpu.dot_dimension_numbers<[1], [0], [0], [1], [0, 0, 1, 1], [], []>, precision = #tpu.contract_precision<fp32>, transpose_lhs_hint = false} : vector<1280x128xf32>, vector<128x256xf32>, vector<1280x256xf32> -> vector<1280x256xf32>
    %broadcast_in_dim3A = vector.shape_cast %get3A_8 : vector<1280xf32> to vector<1280x1xf32>
    %mul3A_16 = vector.broadcast %broadcast_in_dim3A : vector<1280x1xf32> to vector<1280x256xf32>
    %mul3A_17 = arith.mulf %dot_general3A_15, %mul3A_16 : vector<1280x256xf32>
    %slice3A = vector.extract_strided_slice %mul3A_17 {offsets = [0, 0], sizes = [1280, 128], strides = [1, 1]} : vector<1280x256xf32> to vector<1280x128xf32>
    %swap3A_18 = arith.constant 0 : index
    %swap3A_19 = arith.constant 0 : index
    %swap3A_20 = vector.load %arg5[%swap3A_18, %swap3A_19] : memref<1280x128xf32, #tpu.memory_space<vmem>>, vector<1280x128xf32>
    tpu.vector_store %arg5[%swap3A_18, %swap3A_19], %slice3A {strides = array<i32>} : memref<1280x128xf32, #tpu.memory_space<vmem>>, vector<1280x128xf32>,
    %slice3A_21 = vector.extract_strided_slice %mul3A_17 {offsets = [0, 128], sizes = [1280, 128], strides = [1, 1]} : vector<1280x256xf32> to vector<1280x128xf32>
    %swap3A_22 = arith.constant 0 : index
    %swap3A_23 = arith.constant 0 : index
    %swap3A_24 = vector.load %arg6[%swap3A_22, %swap3A_23] : memref<1280x128xf32, #tpu.memory_space<vmem>>, vector<1280x128xf32>
    tpu.vector_store %arg6[%swap3A_22, %swap3A_23], %slice3A_21 {strides = array<i32>} : memref<1280x128xf32, #tpu.memory_space<vmem>>, vector<1280x128xf32>,
    return
  }
  func.func @transform_0(%arg0: i32) -> (i32, i32) {
    %c0_i32 = arith.constant 0 : i32
    %c0_i32_0 = arith.constant 0 : i32
    %c0_i32_1 = arith.constant 0 : i32
    return %c0_i32, %c0_i32_0 : i32, i32
  }
  func.func @transform_1(%arg0: i32) -> (i32, i32) {
    %c0_i32 = arith.constant 0 : i32
    %c0_i32_0 = arith.constant 0 : i32
    return %arg0, %c0_i32 : i32, i32
  }
  func.func @transform_2(%arg0: i32) -> (i32, i32) {
    %c0_i32 = arith.constant 0 : i32
    %c0_i32_0 = arith.constant 0 : i32
    %c0_i32_1 = arith.constant 0 : i32
    return %c0_i32, %c0_i32_0 : i32, i32
  }
  func.func @transform_3(%arg0: i32) -> i32 {
    %c0_i32 = arith.constant 0 : i32
    %c0_i32_0 = arith.constant 0 : i32
    return %c0_i32 : i32
  }
  func.func @transform_4(%arg0: i32) -> (i32, i32) {
    %c0_i32 = arith.constant 0 : i32
    %c0_i32_0 = arith.constant 0 : i32
    return %arg0, %c0_i32 : i32, i32
  }
  func.func @transform_5(%arg0: i32) -> (i32, i32) {
    %c0_i32 = arith.constant 0 : i32
    %c0_i32_0 = arith.constant 0 : i32
    return %arg0, %c0_i32 : i32, i32
  }
}

module attributes {stable_mosaic.version = 14 : i64} {
  func.func @_tc2_body(%arg0: i32, %arg1: memref<1280x128xf32, #tpu.memory_space<vmem>>, %arg2: memref<1280x128xf32, #tpu.memory_space<vmem>>, %arg3: memref<1280x128xf32, #tpu.memory_space<vmem>>, %arg4: memref<1280x128xf32, #tpu.memory_space<vmem>>, %arg5: memref<10240xf32, #tpu.memory_space<vmem>>, %arg6: memref<1x256xf32, #tpu.memory_space<vmem>>, %arg7: memref<256x128xf32, #tpu.memory_space<vmem>>, %arg8: memref<1280x128xf32, #tpu.memory_space<vmem>>) attributes {dimension_semantics = [#tpu.dimension_semantics<arbitrary>], iteration_bounds = array<i64: 8>, scalar_prefetch = 0 : i64, scratch_operands = 0 : i64, tpu.core_type = #tpu.core_type<tc>, window_params = [{transform_indices = @transform_0, window_bounds = array<i64: 1280, 128>}, {transform_indices = @transform_1, window_bounds = array<i64: 1280, 128>}, {transform_indices = @transform_2, window_bounds = array<i64: 1280, 128>}, {transform_indices = @transform_3, window_bounds = array<i64: 1280, 128>}, {pipeline_mode = #tpu.pipeline_mode<synchronous>, transform_indices = @transform_4, window_bounds = array<i64: 10240>}, {pipeline_mode = #tpu.pipeline_mode<synchronous>, transform_indices = @transform_5, window_bounds = array<i64: 1, 256>}, {pipeline_mode = #tpu.pipeline_mode<synchronous>, transform_indices = @transform_6, window_bounds = array<i64: 256, 128>}, {transform_indices = @transform_7, window_bounds = array<i64: 1280, 128>}]} {
    %mul3A = arith.constant 1280 : i32
    %mul3A_0 = arith.muli %arg0, %mul3A : i32
    %get3A = arith.index_cast %mul3A_0 : i32 to index
    %get3A_1 = vector.load %arg5[%get3A] : memref<10240xf32, #tpu.memory_space<vmem>>, vector<1280xf32>
    %broadcast_in_dim3A = vector.shape_cast %get3A_1 : vector<1280xf32> to vector<1280x1xf32>
    %get3A_2 = arith.constant 0 : index
    %get3A_3 = arith.constant 0 : index
    %get3A_4 = vector.load %arg6[%get3A_2, %get3A_3] : memref<1x256xf32, #tpu.memory_space<vmem>>, vector<1x256xf32>
    %get3A_5 = arith.constant 0 : index
    %get3A_6 = arith.constant 0 : index
    %get3A_7 = vector.load %arg1[%get3A_5, %get3A_6] : memref<1280x128xf32, #tpu.memory_space<vmem>>, vector<1280x128xf32>
    %get3A_8 = arith.constant 0 : index
    %get3A_9 = arith.constant 0 : index
    %get3A_10 = vector.load %arg3[%get3A_8, %get3A_9] : memref<1280x128xf32, #tpu.memory_space<vmem>>, vector<1280x128xf32>
    %add3A = arith.addf %get3A_7, %get3A_10 : vector<1280x128xf32>
    %mul3A_11 = vector.broadcast %broadcast_in_dim3A : vector<1280x1xf32> to vector<1280x128xf32>
    %mul3A_12 = arith.mulf %add3A, %mul3A_11 : vector<1280x128xf32>
    %slice3A = vector.extract_strided_slice %get3A_4 {offsets = [0, 0], sizes = [1, 128], strides = [1, 1]} : vector<1x256xf32> to vector<1x128xf32>
    %add3A_13 = vector.broadcast %slice3A : vector<1x128xf32> to vector<1280x128xf32>
    %add3A_14 = arith.addf %mul3A_12, %add3A_13 : vector<1280x128xf32>
    %get3A_15 = arith.constant 0 : index
    %get3A_16 = arith.constant 0 : index
    %get3A_17 = vector.load %arg2[%get3A_15, %get3A_16] : memref<1280x128xf32, #tpu.memory_space<vmem>>, vector<1280x128xf32>
    %get3A_18 = arith.constant 0 : index
    %get3A_19 = arith.constant 0 : index
    %get3A_20 = vector.load %arg4[%get3A_18, %get3A_19] : memref<1280x128xf32, #tpu.memory_space<vmem>>, vector<1280x128xf32>
    %add3A_21 = arith.addf %get3A_17, %get3A_20 : vector<1280x128xf32>
    %mul3A_22 = vector.broadcast %broadcast_in_dim3A : vector<1280x1xf32> to vector<1280x128xf32>
    %mul3A_23 = arith.mulf %add3A_21, %mul3A_22 : vector<1280x128xf32>
    %slice3A_24 = vector.extract_strided_slice %get3A_4 {offsets = [0, 128], sizes = [1, 128], strides = [1, 1]} : vector<1x256xf32> to vector<1x128xf32>
    %add3A_25 = vector.broadcast %slice3A_24 : vector<1x128xf32> to vector<1280x128xf32>
    %add3A_26 = arith.addf %mul3A_23, %add3A_25 : vector<1280x128xf32>
    %concatenate3A = tpu.concatenate %add3A_14, %add3A_26 in 1 : vector<1280x128xf32>, vector<1280x128xf32> -> vector<1280x256xf32>
    %max3A = arith.constant 0.000000e+00 : f32
    %max3A_27 = vector.broadcast %max3A : f32 to vector<1280x256xf32>
    %max3A_28 = arith.maximumf %concatenate3A, %max3A_27 : vector<1280x256xf32>
    %get3A_29 = arith.constant 0 : index
    %get3A_30 = arith.constant 0 : index
    %get3A_31 = vector.load %arg7[%get3A_29, %get3A_30] : memref<256x128xf32, #tpu.memory_space<vmem>>, vector<256x128xf32>
    %dot_general3A = arith.constant dense<0.000000e+00> : vector<1280x128xf32>
    %dot_general3A_32 = tpu.matmul %max3A_28, %get3A_31, %dot_general3A {dimension_numbers = #tpu.dot_dimension_numbers<[1], [0], [0], [1], [0, 0, 1, 1], [], []>, precision = #tpu.contract_precision<fp32>, transpose_lhs_hint = false} : vector<1280x256xf32>, vector<256x128xf32>, vector<1280x128xf32> -> vector<1280x128xf32>
    %mul3A_33 = vector.broadcast %broadcast_in_dim3A : vector<1280x1xf32> to vector<1280x128xf32>
    %mul3A_34 = arith.mulf %dot_general3A_32, %mul3A_33 : vector<1280x128xf32>
    %swap3A = arith.constant 0 : index
    %swap3A_35 = arith.constant 0 : index
    %swap3A_36 = vector.load %arg8[%swap3A, %swap3A_35] : memref<1280x128xf32, #tpu.memory_space<vmem>>, vector<1280x128xf32>
    tpu.vector_store %arg8[%swap3A, %swap3A_35], %mul3A_34 {strides = array<i32>} : memref<1280x128xf32, #tpu.memory_space<vmem>>, vector<1280x128xf32>,
    return
  }
  func.func @transform_0(%arg0: i32) -> (i32, i32) {
    %c0_i32 = arith.constant 0 : i32
    %c0_i32_0 = arith.constant 0 : i32
    return %arg0, %c0_i32 : i32, i32
  }
  func.func @transform_1(%arg0: i32) -> (i32, i32) {
    %c0_i32 = arith.constant 0 : i32
    %c0_i32_0 = arith.constant 0 : i32
    return %arg0, %c0_i32 : i32, i32
  }
  func.func @transform_2(%arg0: i32) -> (i32, i32) {
    %c0_i32 = arith.constant 0 : i32
    %c0_i32_0 = arith.constant 0 : i32
    return %arg0, %c0_i32 : i32, i32
  }
  func.func @transform_3(%arg0: i32) -> (i32, i32) {
    %c0_i32 = arith.constant 0 : i32
    %c0_i32_0 = arith.constant 0 : i32
    return %arg0, %c0_i32 : i32, i32
  }
  func.func @transform_4(%arg0: i32) -> i32 {
    %c0_i32 = arith.constant 0 : i32
    %c0_i32_0 = arith.constant 0 : i32
    return %c0_i32 : i32
  }
  func.func @transform_5(%arg0: i32) -> (i32, i32) {
    %c0_i32 = arith.constant 0 : i32
    %c0_i32_0 = arith.constant 0 : i32
    %c0_i32_1 = arith.constant 0 : i32
    return %c0_i32, %c0_i32_0 : i32, i32
  }
  func.func @transform_6(%arg0: i32) -> (i32, i32) {
    %c0_i32 = arith.constant 0 : i32
    %c0_i32_0 = arith.constant 0 : i32
    %c0_i32_1 = arith.constant 0 : i32
    return %c0_i32, %c0_i32_0 : i32, i32
  }
  func.func @transform_7(%arg0: i32) -> (i32, i32) {
    %c0_i32 = arith.constant 0 : i32
    %c0_i32_0 = arith.constant 0 : i32
    return %arg0, %c0_i32 : i32, i32
  }
}

module attributes {stable_mosaic.version = 14 : i64} {
  func.func @_tc3_body(%arg0: i32, %arg1: memref<1280x128xf32, #tpu.memory_space<vmem>>, %arg2: memref<1280x128xf32, #tpu.memory_space<vmem>>, %arg3: memref<1280x128xf32, #tpu.memory_space<vmem>>, %arg4: memref<10240xf32, #tpu.memory_space<vmem>>, %arg5: memref<1x128xf32, #tpu.memory_space<vmem>>, %arg6: memref<1280x128xf32, #tpu.memory_space<vmem>>) attributes {dimension_semantics = [#tpu.dimension_semantics<arbitrary>], iteration_bounds = array<i64: 8>, scalar_prefetch = 0 : i64, scratch_operands = 0 : i64, tpu.core_type = #tpu.core_type<tc>, window_params = [{transform_indices = @transform_0, window_bounds = array<i64: 1280, 128>}, {transform_indices = @transform_1, window_bounds = array<i64: 1280, 128>}, {transform_indices = @transform_2, window_bounds = array<i64: 1280, 128>}, {pipeline_mode = #tpu.pipeline_mode<synchronous>, transform_indices = @transform_3, window_bounds = array<i64: 10240>}, {pipeline_mode = #tpu.pipeline_mode<synchronous>, transform_indices = @transform_4, window_bounds = array<i64: 1, 128>}, {transform_indices = @transform_5, window_bounds = array<i64: 1280, 128>}]} {
    %mul3A = arith.constant 1280 : i32
    %mul3A_0 = arith.muli %arg0, %mul3A : i32
    %get3A = arith.index_cast %mul3A_0 : i32 to index
    %get3A_1 = vector.load %arg4[%get3A] : memref<10240xf32, #tpu.memory_space<vmem>>, vector<1280xf32>
    %broadcast_in_dim3A = vector.shape_cast %get3A_1 : vector<1280xf32> to vector<1280x1xf32>
    %get3A_2 = arith.constant 0 : index
    %get3A_3 = arith.constant 0 : index
    %get3A_4 = vector.load %arg5[%get3A_2, %get3A_3] : memref<1x128xf32, #tpu.memory_space<vmem>>, vector<1x128xf32>
    %get3A_5 = arith.constant 0 : index
    %get3A_6 = arith.constant 0 : index
    %get3A_7 = vector.load %arg1[%get3A_5, %get3A_6] : memref<1280x128xf32, #tpu.memory_space<vmem>>, vector<1280x128xf32>
    %get3A_8 = arith.constant 0 : index
    %get3A_9 = arith.constant 0 : index
    %get3A_10 = vector.load %arg2[%get3A_8, %get3A_9] : memref<1280x128xf32, #tpu.memory_space<vmem>>, vector<1280x128xf32>
    %add3A = arith.addf %get3A_7, %get3A_10 : vector<1280x128xf32>
    %get3A_11 = arith.constant 0 : index
    %get3A_12 = arith.constant 0 : index
    %get3A_13 = vector.load %arg3[%get3A_11, %get3A_12] : memref<1280x128xf32, #tpu.memory_space<vmem>>, vector<1280x128xf32>
    %add3A_14 = arith.addf %add3A, %get3A_13 : vector<1280x128xf32>
    %mul3A_15 = vector.broadcast %broadcast_in_dim3A : vector<1280x1xf32> to vector<1280x128xf32>
    %mul3A_16 = arith.mulf %add3A_14, %mul3A_15 : vector<1280x128xf32>
    %add3A_17 = vector.broadcast %get3A_4 : vector<1x128xf32> to vector<1280x128xf32>
    %add3A_18 = arith.addf %mul3A_16, %add3A_17 : vector<1280x128xf32>
    %swap3A = arith.constant 0 : index
    %swap3A_19 = arith.constant 0 : index
    %swap3A_20 = vector.load %arg6[%swap3A, %swap3A_19] : memref<1280x128xf32, #tpu.memory_space<vmem>>, vector<1280x128xf32>
    tpu.vector_store %arg6[%swap3A, %swap3A_19], %add3A_18 {strides = array<i32>} : memref<1280x128xf32, #tpu.memory_space<vmem>>, vector<1280x128xf32>,
    return
  }
  func.func @transform_0(%arg0: i32) -> (i32, i32) {
    %c0_i32 = arith.constant 0 : i32
    %c0_i32_0 = arith.constant 0 : i32
    return %arg0, %c0_i32 : i32, i32
  }
  func.func @transform_1(%arg0: i32) -> (i32, i32) {
    %c0_i32 = arith.constant 0 : i32
    %c0_i32_0 = arith.constant 0 : i32
    return %arg0, %c0_i32 : i32, i32
  }
  func.func @transform_2(%arg0: i32) -> (i32, i32) {
    %c0_i32 = arith.constant 0 : i32
    %c0_i32_0 = arith.constant 0 : i32
    return %arg0, %c0_i32 : i32, i32
  }
  func.func @transform_3(%arg0: i32) -> i32 {
    %c0_i32 = arith.constant 0 : i32
    %c0_i32_0 = arith.constant 0 : i32
    return %c0_i32 : i32
  }
  func.func @transform_4(%arg0: i32) -> (i32, i32) {
    %c0_i32 = arith.constant 0 : i32
    %c0_i32_0 = arith.constant 0 : i32
    %c0_i32_1 = arith.constant 0 : i32
    return %c0_i32, %c0_i32_0 : i32, i32
  }
  func.func @transform_5(%arg0: i32) -> (i32, i32) {
    %c0_i32 = arith.constant 0 : i32
    %c0_i32_0 = arith.constant 0 : i32
    return %arg0, %c0_i32 : i32, i32
  }
}

</mosaic_0001>

<sc_bundles>
// kernel: _run.12.cloned.1.call-start
scs
__scs_entry_jumppad:
0x0: {  	(pc) =	sbr.rel $0x88, $3  }
0x1: {  	(tag) =	ssettag $0x0;
	lr =	simm.s32 $0x1  }
0x2: {  	[smem:$0x3F9B] =	sst lr;
	_ =	strace $0xD0000000  }
0x3: {  	_ = 	snop  }
0x4: {  	_ = 	snop  }
0x5: {  	_ = 	snop  }
0x6: {  	_ = 	snop  }
0x7: {  	_ = 	snop  }
__scs_overlays_trampoline_lowered:
0x8: {  	[smem:$0x3FAA] =	sst s0  }
0x9: {  	[smem:$0x3FAB] =	sst s1  }
0xa: {  	[smem:$0x3FAC] =	sst s2  }
0xb: {  	[smem:$0x3FAD] =	sst s3  }
0xc: {  	[smem:$0x3FAE] =	sst s4  }
0xd: {  	[smem:$0x3FAF] =	sst s5  }
0xe: {  	[smem:$0x3FB0] =	sst s6  }
0xf: {  	[smem:$0x3FB1] =	sst s7  }
0x10: {  	[smem:$0x3FB2] =	sst s8  }
0x11: {  	[smem:$0x3FB3] =	sst s9;
	s0 =	simm.s32 @!p0 $0x0  }
0x12: {  	s1 =	sld [smem:$0x3F99];
	s0 =	simm.s32 @p0 $0x1  }
0x13: {  	[smem:$0x3FB4] =	sst s0;
	s0 =	simm.s32 @!p1 $0x0  }
0x14: {  	s2 =	sld [smem:$0x3F98];
	s0 =	simm.s32 @p1 $0x1  }
0x15: {  	[smem:$0x3FB5] =	sst s0;
	s0 =	simm.s32 @!p2 $0x0  }
0x16: {  	s3 =	sld [smem:$0x3FDB];
	s0 =	simm.s32 @p2 $0x1  }
0x17: {  	s4 =	simm.s32 $0x1BF5;
	[smem:$0x3FB7] =	sst s0  }
0x18: {  	s0 =	sld [smem:$0x3F9A];
	_ =	swait.ge [sflag:s4], $0x0  }
0x19: {  	s7 =	sld [smem:$0x3F9B]  }
0x1a: {  	s8 =	sadd.s32 $0xFFFFE003, lr  }
0x1b: {  	s9 =	sadd.s32 $0xFFFFFEF7, lr;
	s5 =	simm.s32 $0xFFFFFFFF;
	p2 =	slt.u32 s8, $0xFFFFF086  }
0x1c: {  	p1 =	slt.u32 s9, $0xF7A;
	s5 =	simm.s32 @!p2 $0x0  }
0x1d: {  	s5 =	simm.s32 @p1 $0x1;
	p0 =	seq.s32 s7, s2  }
0x1e: {  	s7 =	smul.u32 @!p0 $0xF7A, s2;
	p2 =	seq.s32 @!p0 s5, $0x0  }
0x1f: {  	s9 =	smul.u32 $0xF7A, s1;
	s8 =	simm.s32 @!p0 $0x1BF5;
	p2 =	por !p2, p0  }
0x20: {  	[sflag:s8] =	ssyncset.s32 @!p0 $0xFFFFF086;
	s6 =	sadd.s32 @!p0 s3, s7;
	s7 =	simm.s32 @!p0 $0x108  }
0x21: {  	s3 =	sadd.s32 s3, s9;
	s6 =	sadd.s32 @!p0 $0x88, s6;
	s7 =	simm.s32 @p2 $0x1082  }
0x22: {  	[simem:s7], [sflag:s8] =	dma.local @!p0 [hbm:s6], $0xF7A  }
0x23: {  	s9 =	sor.u32 $0xD0000000, s2;
	s6 =	simm.s32 $0x108;
	_ =	swait.ge @!p0 [sflag:s8], $0x0  }
0x24: {  	s3 =	sadd.s32 $0x88, s3;
	s6 =	simm.s32 @!p1 $0x1082;
	[sflag:s4] =	ssyncset.s32 $0xFFFFF086  }
0x25: {  	[simem:s6], [sflag:s4] =	dma.local [hbm:s3], $0xF7A  }
0x26: {  	[smem:$0x3F9B] =	sst s1;
	(tag) =	ssettag s2;
	_ =	strace s9  }
0x27: {  	s1 =	sld [smem:$0x3FAB]  }
0x28: {  	s2 =	sld [smem:$0x3FAC]  }
0x29: {  	s4 =	sld [smem:$0x3FAE]  }
0x2a: {  	p0 =	seq.s32 s5, $0x0;
	s5 =	sld [smem:$0x3FAF]  }
0x2b: {  	s6 =	sld [smem:$0x3FB0]  }
0x2c: {  	s7 =	sld [smem:$0x3FB1]  }
0x2d: {  	s3 =	simm.s32 $0x108;
	s8 =	sld [smem:$0x3FB2]  }
0x2e: {  	s3 =	simm.s32 @!p0 $0x1082;
	s9 =	sld [smem:$0x3FB3]  }
0x2f: {  	lr =	sadd.s32 s0, s3;
	s0 =	sld [smem:$0x3FAA]  }
0x30: {  	s3 =	sld [smem:$0x3FAD]  }
0x31: {  	[smem:$0x3FB6] =	sst s10  }
0x32: {  	s10 =	sld [smem:$0x3FB4];
	_ =	sdelay $0x3  }
0x33: {  	p0 =	seq.s32 s10, $0x1;
	s10 =	sld [smem:$0x3FB6];
	_ =	sdelay $0x3  }
0x34: {  	[smem:$0x3FB6] =	sst s10  }
0x35: {  	s10 =	sld [smem:$0x3FB5];
	_ =	sdelay $0x3  }
0x36: {  	p1 =	seq.s32 s10, $0x1;
	s10 =	sld [smem:$0x3FB6];
	_ =	sdelay $0x3  }
0x37: {  	[smem:$0x3FB6] =	sst s10  }
0x38: {  	s10 =	sld [smem:$0x3FB7]  }
0x39: {  	_ = 	snop;
	(pc) =	sbr.ind lr, $3  }
0x3a: {  	_ = 	snop  }
0x3b: {  	_ = 	snop  }
0x3c: {  	p2 =	seq.s32 s10, $0x1;
	s10 =	sld [smem:$0x3FB6]  }
0x3d: {  	_ =	shalt  }
0x3e: {  	_ =	shalt  }
0x3f: {  	_ =	shalt  }
0x40: {  	_ =	shalt  }
0x41: {  	_ =	shalt  }
0x42: {  	_ =	shalt  }
0x43: {  	_ =	shalt  }
0x44: {  	_ =	shalt  }
0x45: {  	_ =	shalt  }
0x46: {  	_ =	shalt  }
0x47: {  	_ =	shalt  }
0x48: {  	_ =	shalt  }
0x49: {  	_ =	shalt  }
0x4a: {  	_ =	shalt  }
0x4b: {  	_ =	shalt  }
0x4c: {  	_ =	shalt  }
0x4d: {  	_ =	shalt  }
0x4e: {  	_ =	shalt  }
0x4f: {  	_ =	shalt  }
0x50: {  	_ =	shalt  }
0x51: {  	_ =	shalt  }
0x52: {  	_ =	shalt  }
0x53: {  	_ =	shalt  }
0x54: {  	_ =	shalt  }
0x55: {  	_ =	shalt  }
0x56: {  	_ =	shalt  }
0x57: {  	_ =	shalt  }
0x58: {  	_ =	shalt  }
0x59: {  	_ =	shalt  }
0x5a: {  	_ =	shalt  }
0x5b: {  	_ =	shalt  }
0x5c: {  	_ =	shalt  }
0x5d: {  	_ =	shalt  }
0x5e: {  	_ =	shalt  }
0x5f: {  	_ =	shalt  }
0x60: {  	_ =	shalt  }
0x61: {  	_ =	shalt  }
0x62: {  	_ =	shalt  }
0x63: {  	_ =	shalt  }
0x64: {  	_ =	shalt  }
0x65: {  	_ =	shalt  }
0x66: {  	_ =	shalt  }
0x67: {  	_ =	shalt  }
0x68: {  	_ =	shalt  }
0x69: {  	_ =	shalt  }
0x6a: {  	_ =	shalt  }
0x6b: {  	_ =	shalt  }
0x6c: {  	_ =	shalt  }
0x6d: {  	_ =	shalt  }
0x6e: {  	_ =	shalt  }
0x6f: {  	_ =	shalt  }
0x70: {  	_ =	shalt  }
0x71: {  	_ =	shalt  }
0x72: {  	_ =	shalt  }
0x73: {  	_ =	shalt  }
0x74: {  	_ =	shalt  }
0x75: {  	_ =	shalt  }
0x76: {  	_ =	shalt  }
0x77: {  	_ =	shalt  }
0x78: {  	_ =	shalt  }
0x79: {  	_ =	shalt  }
0x7a: {  	_ =	shalt  }
0x7b: {  	_ =	shalt  }
0x7c: {  	_ =	shalt  }
0x7d: {  	_ =	shalt  }
0x7e: {  	_ =	shalt  }
0x7f: {  	_ =	shalt  }
0x80: {  	_ =	shalt  }
0x81: {  	_ =	shalt  }
0x82: {  	_ =	shalt  }
0x83: {  	_ =	shalt  }
0x84: {  	_ =	shalt  }
0x85: {  	_ =	shalt  }
0x86: {  	_ =	shalt  }
0x87: {  	_ =	shalt  }
.Lfunc_end0:
.L_simem_size_0:
called_computation.1_lowered:
.L_overlay_start_0:
0x88: {  	s2 =	sld [smem:$0x3FD9]  }
0x89: {  	s3 =	sld [smem:$0x3FFE];
	_ =	sdelay $0x1  }
0x8a: {  	s1 =	srdreg.scid  }
0x8b: {  	s0 =	sand.u32 $0x1, s1  }
0x8c: {  	s16 =	sshll.u32 s0, $0xA;
	s2 =	sadd.s32 s3, s2  }
0x8d: {  	s2 =	sadd.s32 s2, s16  }
0x8e: {  	[smem:$0x3FC2] =	sst s2  }
0x8f: {  	_ = 	snop  }
0x90: {  	(tm) =	ssettm $0x1  }
0x91: {  	s17 =	sld [smem:$0x3FFB];
	_ =	sdelay $0x3  }
0x92: {  	_ =	strace s17  }
0x93: {  	s2 =	sld [smem:$0x3FFC];
	_ =	sdelay $0x3  }
0x94: {  	_ =	strace s2  }
0x95: {  	s2 =	sld [smem:$0x3FFD];
	_ =	sdelay $0x3  }
0x96: {  	_ =	strace s2  }
0x97: {  	_ =	strace $0x8FFFFFFF  }
0x98: {  	s18 =	sld [smem:$0x3FDB];
	_ =	sdelay $0x1  }
0x99: {  	s19 =	simm.s32 $_scs_section_size  }
0x9a: {  	s4 =	simm.s32 $_size__tile_overlayer_lowered;
	s5 =	simm.s32 $_tile_overlayer_lowered  }
0x9b: {  	s22 =	simm.s32 $0x1BFF;
	s21 =	sshll.u32 s5, $0x1;
	s2 =	sadd.s32 s19, s18  }
0x9c: {  	s6 =	simm.s32 $0x0;
	s20 =	sshll.u32 s4, $0x1;
	s4 =	sadd.s32 s21, s2  }
0x9d: {  	[timem:s6], [sflag:s22] =	dma.local [hbm:s4], s20  }
0x9e: {  	_ =	swait.ge [sflag:s22], s20  }
0x9f: {  	s3 =	ssub.s32 $0x0, s20;
	[sflag:s22] =	ssyncset.done $0x0  }
0xa0: {  	[sflag:s22] =	ssyncadd.s32 s3;
	_ =	sdelay $0x1  }
0xa1: {  	s23 =	simm.s32 $0x1B8B  }
0xa2: {  	_ =	swait.ge [sflag:s23], $0x1  }
0xa3: {  	[sflag:s23] =	ssyncset.done $0x0  }
0xa4: {  	s25 =	simm.s32 $0x1B8E;
	s24 =	sld [smem:$0x3FFE];
	[sflag:s23] =	ssyncadd.s32 $0xFFFFFFFF  }
0xa5: {  	s26 =	simm.s32 $execute0_lowered;
	[smem:$0x3FD2] =	sst s25  }
0xa6: {  	s4 =	sshll.u32 s26, $0x1;
	_ =	strace $0x80000046;
	[dreg:$0x1] =	wrdreg $0xFFFFFFFF  }
0xa7: {  	s28 =	simm.s32 $_size_execute0_lowered;
	s2 =	sadd.s32 s2, s4;
	[dreg:$0x0] =	wrdreg $0x0  }
0xa8: {  	s4 =	sshll.u32 s28, $0x1;
	[dreg:$0x2] =	wrdreg s2  }
0xa9: {  	[dreg:$0x3] =	wrdreg s4  }
0xaa: {  	[dreg:$0x4] =	wrdreg $0xC0  }
0xab: {  	_ =	task [dreg:s6], $0x5FFFF  }
0xac: {  	[dreg:$0x1] =	wrdreg $0xFFFFFFFF  }
0xad: {  	[dreg:$0x0] =	wrdreg $0x60  }
0xae: {  	[dreg:$0x2] =	wrdreg s24  }
0xaf: {  	[dreg:$0x3] =	wrdreg $0xA  }
0xb0: {  	_ =	task.clear_ibuf [dreg:s6], $0x4FFFF;
	_ =	strace $0x90000046  }
0xb1: {  	s29 =	simm.s32 $0xA;
	_ =	strace $0x80000048  }
0xb2: {  	_ =	swait.ge [sflag:s29], $0x1  }
0xb3: {  	[sflag:s29] =	ssyncadd.s32 $0xFFFFFFFF  }
0xb4: {  	_ =	strace $0x90000048  }
0xb5: {  	_ =	sfence  }
0xb6: {  	s30 =	sld [smem:$0x0];
	_ =	sdelay $0x2  }
0xb7: {  	s31 =	sshll.u32 s1, $0xD;
	s1 =	sshrl.u32 s1, $0x2  }
0xb8: {  	s3 =	sand.u32 $0x4000, s31;
	s1 =	sadd.s32 s1, s30  }
0xb9: {  	s0 =	sor.u32 s3, s0;
	s1 =	sshll.u32 s1, $0x11  }
0xba: {  	s0 =	sor.u32 s1, s0  }
0xbb: {  	s0 =	sadd.s32 $0x8F2B, s0  }
0xbc: {  	[sflag:s0] =	ssyncadd.remote.s32 $0x1  }
0xbd: {  	_ =	sfence.sel $0xFFFF  }
0xbe: {  	[dreg:$0x0] =	wrdreg $0xFFFFFFFF;
	(pc) =	sbr.abs _section_cstart, $3  }
0xbf: {  	[dreg:$0x1] =	wrdreg $0xFFFFFFFF  }
0xc0: {  	_ =	task.clear_ibuf [dreg:s6], $0x2FFFF;
	_ =	strace $0x9FFFFFFF  }
0xc1: {  	(tm) =	ssettm $0x7FFFFFFF  }
tec
execute0_lowered:
.L_overlay_start_1:
0x0: {  	(tag) =	ssettag $0x1  }
0x1: {  	s0 =	srdreg.scid  }
0x2: {  	s5 =	rddreg [dreg:$0x0];
	s3 =	sand.u32 $0x1, s0  }
0x3: {  	s2 =	simm.s32 $0x0;
	s0 =	stileid.u32;
	s1 =	sshll.u32 s3, $0x4  }
0x4: {  	s8 =	simm.s32 $0x80;
	s9 =	simm.s32 $0x400;
	s4 =	sor.u32 s0, s1  }
0x5: {  	s10 =	simm.s32 $0x0;
	[smem:$0x7FF] =	sst s2;
	s1 =	sshrl.u32 s4, $0x3  }
0x6: {  	s7 =	sshll.u32 s0, $0x7;
	s3 =	ssub.s32 $0x2, s3;
	s6 =	smul.u32 $0x14000, s1  }
0x7: {  	s7 =	sand.u32 $0x380, s7;
	s31 =	sshrl.u32 s3, $0x1;
	s4 =	smul.u32 $0x500, s4  }
0x8: {  	s1 =	rddreg [dreg:$0x1];
	_ =	strace $0x80000047;
	s6 =	sor.u32 s7, s6  }
0x9: {  	s4 =	sadd.s32 s4, s5;
	s7 =	simm.s32 $0x2800;
	s6 =	sshrl.u32 s6, $0x3  }
0xa: {  	s5 =	sadd.s32 s6, s5;
	s6 =	ssub.s32 s3, s31;
	s3 =	sadd.s32 $0x4200, s4  }
0xb: {  	v0 =	vimm.f32 $0.0e+00;
	v1 =	vimm.f32 $1.000000000e+00;
	s4 =	sadd.s32 $0x18200, s5;
	s5 =	smax.u32 s6, $0x1;
	s6 =	simm.s32 $0x1  }
.LBB2_1:
0xc: {  	[tilespmem:s2], [sflag:$0x1] =	stream.linear.gather [hbm4b:s3+s2], $0x2800, $0x38;
	[tilespmem:$0x5000] =	vst v63  }
0xd: {  	_ =	swait.ge [sflag:s6], $0x2800  }
0xe: {  	[sflag:s6] =	ssyncset.done $0x0  }
0xf: {  	s11 =	simm.s32 $0x0;
	[sflag:s6] =	ssyncadd.s32 $0xFFFFD800  }
.LBB2_2:
0x10: {  	p0 =	sne.s32 s11, $0x9FC0  }
.Ltmp0:
0x11: {  	_ = 	snop;
	(pc) =	sbr.rel @p0 .LBB2_2-.Ltmp0, $3  }
0x12: {  	_ =	sdelay $0x1  }
0x13: {  	s12 =	sshra.s32 s11, $0x2  }
0x14: {  	s11 =	sadd.s32 $0x40, s11;
	[tilespmem:s12+$0x2800] =	vst v0  }
0x15: {  	s11 =	simm.s32 $0x0  }
0x16: {  	s12 =	sand.u32 $0xFE00, s11  }
0x17: {  	s11 =	sand.u32 $0x70, s11;
	s12 =	sshrl.u32 s12, $0x2  }
0x18: {  	s11 =	sor.u32 s11, s12  }
0x19: {  	v2 =	vld [tilespmem:s11+$0x0];
	_ =	sdelay $0x4  }
0x1a: {  	s13 =	simm.s32 $0x40  }
0x1b: {  	s13 =	sand.u32 $0xFE00, s13;
	s12 =	simm.s32 $0x80;
	s11 =	simm.s32 $0x10  }
.LBB2_4:
0x1c: {  	p0 =	sne.s32 s12, $0x9FC0;
	s14 =	sand.u32 $0x70, s11;
	s13 =	sshrl.u32 s13, $0x2  }
0x1d: {  	s13 =	sor.u32 s14, s13;
	[tilespmem:v2+s7+$0x0] =	vst.idx.add.f32.msk $0xffff, v1  }
0x1e: {  	v2 =	vld [tilespmem:s13+$0x0];
	_ =	sdelay $0x1  }
.Ltmp1:
0x1f: {  	(pc) =	sbr.rel @p0 .LBB2_4-.Ltmp1, $2  }
0x20: {  	_ =	sdelay $0x2  }
0x21: {  	s11 =	sadd.s32 $0x10, s11;
	s13 =	sand.u32 $0xFE00, s12;
	s12 =	sadd.s32 $0x40, s12  }
0x22: {  	_ =	sdelay $0x2  }
0x23: {  	s11 =	sand.u32 $0x70, s11;
	s12 =	sshrl.u32 s13, $0x2  }
0x24: {  	[tilespmem:v2+s7+$0x0] =	vst.idx.add.f32.msk $0xffff, v1;
	s11 =	sor.u32 s11, s12  }
0x25: {  	v2 =	vld [tilespmem:s11+$0x0];
	_ =	sdelay $0x5  }
0x26: {  	s10 =	sadd.s32 $0x1, s10  }
0x27: {  	p0 =	sne.s32 s10, s5  }
.Ltmp2:
0x28: {  	[tilespmem:v2+s7+$0x0] =	vst.idx.add.f32.msk $0xffff, v1;
	(pc) =	sbr.rel @p0 .LBB2_1-.Ltmp2, $4  }
0x29: {  	[hbm4b:s4+s8] =	stream.strided.scatter [tilespmem:s7], [sflag:$0x1], $0x2800, s9, s8, $0x38;
	[tilespmem:$0x5000] =	vst v63  }
0x2a: {  	_ =	swait.ge [sflag:s6], $0x2800  }
0x2b: {  	[sflag:s6] =	ssyncset.done $0x0  }
0x2c: {  	[sflag:s6] =	ssyncadd.s32 $0xFFFFD800  }
0x2d: {  	_ =	sfence.sel $0x180000  }
0x2e: {  	[bflag:$0x0] =	sbarrier.arrive $0xFFFF  }
0x2f: {  	p0 =	sne.s32 s0, $0x0;
	_ =	strace $0x90000047  }
0x30: {  	s0 =	sadd.s32 @!p0 $0x100000, s1;
	[bflag:$0x2] =	sbarrier.arrive $0xFFFF  }
0x31: {  	[sflag:s0] =	ssyncadd.tile.s32 @!p0 $0x1;
	_ =	shalt  }
.Lfunc_end2:
_tile_overlayer_lowered:
.L_overlay_start_2:
0x32: {  	(tag) =	ssettag $0x2  }
0x33: {  	s0 =	rddreg [dreg:$0x0];
	s2 =	stileid.u32  }
0x34: {  	s1 =	rddreg [dreg:$0x1];
	p0 =	sne.s32 s2, $0x0  }
0x35: {  	s3 =	rddreg [dreg:$0x2];
	[bflag:$0x3] =	sbarrier.arrive $0xFFFF;
	s2 =	simm.s32 @!p0 $0x1C01  }
0x36: {  	[timem:s3], [sflag:s2] =	dma.local @!p0 [hbm:s0], s1  }
0x37: {  	s0 =	simm.s32 @!p0 $0x1  }
0x38: {  	_ =	swait.ge @!p0 [sflag:s0], s1  }
0x39: {  	s1 =	ssub.s32 @!p0 $0x0, s1;
	[sflag:s0] =	ssyncset.done @!p0 $0x0  }
0x3a: {  	[sflag:s0] =	ssyncadd.s32 @!p0 s1  }
0x3b: {  	[bflag:$0x3] =	sbarrier.arrive $0xFFFF  }
0x3c: {  	_ =	shalt  }

// kernel: _run.15.cloned.1.call-start
scs
__scs_entry_jumppad:
0x0: {  	(pc) =	sbr.rel $0x88, $3  }
0x1: {  	(tag) =	ssettag $0x0;
	lr =	simm.s32 $0x1  }
0x2: {  	[smem:$0x3F9B] =	sst lr;
	_ =	strace $0xD0000000  }
0x3: {  	_ = 	snop  }
0x4: {  	_ = 	snop  }
0x5: {  	_ = 	snop  }
0x6: {  	_ = 	snop  }
0x7: {  	_ = 	snop  }
__scs_overlays_trampoline_lowered:
0x8: {  	[smem:$0x3FAA] =	sst s0  }
0x9: {  	[smem:$0x3FAB] =	sst s1  }
0xa: {  	[smem:$0x3FAC] =	sst s2  }
0xb: {  	[smem:$0x3FAD] =	sst s3  }
0xc: {  	[smem:$0x3FAE] =	sst s4  }
0xd: {  	[smem:$0x3FAF] =	sst s5  }
0xe: {  	[smem:$0x3FB0] =	sst s6  }
0xf: {  	[smem:$0x3FB1] =	sst s7  }
0x10: {  	[smem:$0x3FB2] =	sst s8  }
0x11: {  	[smem:$0x3FB3] =	sst s9;
	s0 =	simm.s32 @!p0 $0x0  }
0x12: {  	s1 =	sld [smem:$0x3F99];
	s0 =	simm.s32 @p0 $0x1  }
0x13: {  	[smem:$0x3FB4] =	sst s0;
	s0 =	simm.s32 @!p1 $0x0  }
0x14: {  	s2 =	sld [smem:$0x3F98];
	s0 =	simm.s32 @p1 $0x1  }
0x15: {  	[smem:$0x3FB5] =	sst s0;
	s0 =	simm.s32 @!p2 $0x0  }
0x16: {  	s3 =	sld [smem:$0x3FDB];
	s0 =	simm.s32 @p2 $0x1  }
0x17: {  	s4 =	simm.s32 $0x1BF5;
	[smem:$0x3FB7] =	sst s0  }
0x18: {  	s0 =	sld [smem:$0x3F9A];
	_ =	swait.ge [sflag:s4], $0x0  }
0x19: {  	s7 =	sld [smem:$0x3F9B]  }
0x1a: {  	s8 =	sadd.s32 $0xFFFFE003, lr  }
0x1b: {  	s9 =	sadd.s32 $0xFFFFFEF7, lr;
	s5 =	simm.s32 $0xFFFFFFFF;
	p2 =	slt.u32 s8, $0xFFFFF086  }
0x1c: {  	p1 =	slt.u32 s9, $0xF7A;
	s5 =	simm.s32 @!p2 $0x0  }
0x1d: {  	s5 =	simm.s32 @p1 $0x1;
	p0 =	seq.s32 s7, s2  }
0x1e: {  	s7 =	smul.u32 @!p0 $0xF7A, s2;
	p2 =	seq.s32 @!p0 s5, $0x0  }
0x1f: {  	s9 =	smul.u32 $0xF7A, s1;
	s8 =	simm.s32 @!p0 $0x1BF5;
	p2 =	por !p2, p0  }
0x20: {  	[sflag:s8] =	ssyncset.s32 @!p0 $0xFFFFF086;
	s6 =	sadd.s32 @!p0 s3, s7;
	s7 =	simm.s32 @!p0 $0x108  }
0x21: {  	s3 =	sadd.s32 s3, s9;
	s6 =	sadd.s32 @!p0 $0x88, s6;
	s7 =	simm.s32 @p2 $0x1082  }
0x22: {  	[simem:s7], [sflag:s8] =	dma.local @!p0 [hbm:s6], $0xF7A  }
0x23: {  	s9 =	sor.u32 $0xD0000000, s2;
	s6 =	simm.s32 $0x108;
	_ =	swait.ge @!p0 [sflag:s8], $0x0  }
0x24: {  	s3 =	sadd.s32 $0x88, s3;
	s6 =	simm.s32 @!p1 $0x1082;
	[sflag:s4] =	ssyncset.s32 $0xFFFFF086  }
0x25: {  	[simem:s6], [sflag:s4] =	dma.local [hbm:s3], $0xF7A  }
0x26: {  	[smem:$0x3F9B] =	sst s1;
	(tag) =	ssettag s2;
	_ =	strace s9  }
0x27: {  	s1 =	sld [smem:$0x3FAB]  }
0x28: {  	s2 =	sld [smem:$0x3FAC]  }
0x29: {  	s4 =	sld [smem:$0x3FAE]  }
0x2a: {  	p0 =	seq.s32 s5, $0x0;
	s5 =	sld [smem:$0x3FAF]  }
0x2b: {  	s6 =	sld [smem:$0x3FB0]  }
0x2c: {  	s7 =	sld [smem:$0x3FB1]  }
0x2d: {  	s3 =	simm.s32 $0x108;
	s8 =	sld [smem:$0x3FB2]  }
0x2e: {  	s3 =	simm.s32 @!p0 $0x1082;
	s9 =	sld [smem:$0x3FB3]  }
0x2f: {  	lr =	sadd.s32 s0, s3;
	s0 =	sld [smem:$0x3FAA]  }
0x30: {  	s3 =	sld [smem:$0x3FAD]  }
0x31: {  	[smem:$0x3FB6] =	sst s10  }
0x32: {  	s10 =	sld [smem:$0x3FB4];
	_ =	sdelay $0x3  }
0x33: {  	p0 =	seq.s32 s10, $0x1;
	s10 =	sld [smem:$0x3FB6];
	_ =	sdelay $0x3  }
0x34: {  	[smem:$0x3FB6] =	sst s10  }
0x35: {  	s10 =	sld [smem:$0x3FB5];
	_ =	sdelay $0x3  }
0x36: {  	p1 =	seq.s32 s10, $0x1;
	s10 =	sld [smem:$0x3FB6];
	_ =	sdelay $0x3  }
0x37: {  	[smem:$0x3FB6] =	sst s10  }
0x38: {  	s10 =	sld [smem:$0x3FB7]  }
0x39: {  	_ = 	snop;
	(pc) =	sbr.ind lr, $3  }
0x3a: {  	_ = 	snop  }
0x3b: {  	_ = 	snop  }
0x3c: {  	p2 =	seq.s32 s10, $0x1;
	s10 =	sld [smem:$0x3FB6]  }
0x3d: {  	_ =	shalt  }
0x3e: {  	_ =	shalt  }
0x3f: {  	_ =	shalt  }
0x40: {  	_ =	shalt  }
0x41: {  	_ =	shalt  }
0x42: {  	_ =	shalt  }
0x43: {  	_ =	shalt  }
0x44: {  	_ =	shalt  }
0x45: {  	_ =	shalt  }
0x46: {  	_ =	shalt  }
0x47: {  	_ =	shalt  }
0x48: {  	_ =	shalt  }
0x49: {  	_ =	shalt  }
0x4a: {  	_ =	shalt  }
0x4b: {  	_ =	shalt  }
0x4c: {  	_ =	shalt  }
0x4d: {  	_ =	shalt  }
0x4e: {  	_ =	shalt  }
0x4f: {  	_ =	shalt  }
0x50: {  	_ =	shalt  }
0x51: {  	_ =	shalt  }
0x52: {  	_ =	shalt  }
0x53: {  	_ =	shalt  }
0x54: {  	_ =	shalt  }
0x55: {  	_ =	shalt  }
0x56: {  	_ =	shalt  }
0x57: {  	_ =	shalt  }
0x58: {  	_ =	shalt  }
0x59: {  	_ =	shalt  }
0x5a: {  	_ =	shalt  }
0x5b: {  	_ =	shalt  }
0x5c: {  	_ =	shalt  }
0x5d: {  	_ =	shalt  }
0x5e: {  	_ =	shalt  }
0x5f: {  	_ =	shalt  }
0x60: {  	_ =	shalt  }
0x61: {  	_ =	shalt  }
0x62: {  	_ =	shalt  }
0x63: {  	_ =	shalt  }
0x64: {  	_ =	shalt  }
0x65: {  	_ =	shalt  }
0x66: {  	_ =	shalt  }
0x67: {  	_ =	shalt  }
0x68: {  	_ =	shalt  }
0x69: {  	_ =	shalt  }
0x6a: {  	_ =	shalt  }
0x6b: {  	_ =	shalt  }
0x6c: {  	_ =	shalt  }
0x6d: {  	_ =	shalt  }
0x6e: {  	_ =	shalt  }
0x6f: {  	_ =	shalt  }
0x70: {  	_ =	shalt  }
0x71: {  	_ =	shalt  }
0x72: {  	_ =	shalt  }
0x73: {  	_ =	shalt  }
0x74: {  	_ =	shalt  }
0x75: {  	_ =	shalt  }
0x76: {  	_ =	shalt  }
0x77: {  	_ =	shalt  }
0x78: {  	_ =	shalt  }
0x79: {  	_ =	shalt  }
0x7a: {  	_ =	shalt  }
0x7b: {  	_ =	shalt  }
0x7c: {  	_ =	shalt  }
0x7d: {  	_ =	shalt  }
0x7e: {  	_ =	shalt  }
0x7f: {  	_ =	shalt  }
0x80: {  	_ =	shalt  }
0x81: {  	_ =	shalt  }
0x82: {  	_ =	shalt  }
0x83: {  	_ =	shalt  }
0x84: {  	_ =	shalt  }
0x85: {  	_ =	shalt  }
0x86: {  	_ =	shalt  }
0x87: {  	_ =	shalt  }
.Lfunc_end0:
.L_simem_size_0:
called_computation.2_lowered:
.L_overlay_start_0:
0x88: {  	s2 =	sld [smem:$0x3FD9]  }
0x89: {  	s3 =	sld [smem:$0x3FFE];
	_ =	sdelay $0x1  }
0x8a: {  	s1 =	srdreg.scid  }
0x8b: {  	s0 =	sand.u32 $0x1, s1  }
0x8c: {  	s16 =	sshll.u32 s0, $0xA;
	s2 =	sadd.s32 s3, s2  }
0x8d: {  	s2 =	sadd.s32 s2, s16  }
0x8e: {  	[smem:$0x3FC2] =	sst s2  }
0x8f: {  	_ = 	snop  }
0x90: {  	(tm) =	ssettm $0x1  }
0x91: {  	s17 =	sld [smem:$0x3FFB];
	_ =	sdelay $0x3  }
0x92: {  	_ =	strace s17  }
0x93: {  	s2 =	sld [smem:$0x3FFC];
	_ =	sdelay $0x3  }
0x94: {  	_ =	strace s2  }
0x95: {  	s2 =	sld [smem:$0x3FFD];
	_ =	sdelay $0x3  }
0x96: {  	_ =	strace s2  }
0x97: {  	_ =	strace $0x8FFFFFFF  }
0x98: {  	s18 =	sld [smem:$0x3FDB];
	_ =	sdelay $0x1  }
0x99: {  	s19 =	simm.s32 $_scs_section_size  }
0x9a: {  	s4 =	simm.s32 $_size__tile_overlayer_lowered;
	s5 =	simm.s32 $_tile_overlayer_lowered  }
0x9b: {  	s22 =	simm.s32 $0x1BFF;
	s21 =	sshll.u32 s5, $0x1;
	s2 =	sadd.s32 s19, s18  }
0x9c: {  	s6 =	simm.s32 $0x0;
	s20 =	sshll.u32 s4, $0x1;
	s4 =	sadd.s32 s21, s2  }
0x9d: {  	[timem:s6], [sflag:s22] =	dma.local [hbm:s4], s20  }
0x9e: {  	_ =	swait.ge [sflag:s22], s20  }
0x9f: {  	s3 =	ssub.s32 $0x0, s20;
	[sflag:s22] =	ssyncset.done $0x0  }
0xa0: {  	[sflag:s22] =	ssyncadd.s32 s3;
	_ =	sdelay $0x1  }
0xa1: {  	s23 =	simm.s32 $0x1B8B  }
0xa2: {  	_ =	swait.ge [sflag:s23], $0x1  }
0xa3: {  	[sflag:s23] =	ssyncset.done $0x0  }
0xa4: {  	s25 =	simm.s32 $0x1B8E;
	s24 =	sld [smem:$0x3FFE];
	[sflag:s23] =	ssyncadd.s32 $0xFFFFFFFF  }
0xa5: {  	s26 =	simm.s32 $execute0_lowered;
	[smem:$0x3FD2] =	sst s25  }
0xa6: {  	s4 =	sshll.u32 s26, $0x1;
	_ =	strace $0x8000004C;
	[dreg:$0x1] =	wrdreg $0xFFFFFFFF  }
0xa7: {  	s28 =	simm.s32 $_size_execute0_lowered;
	s2 =	sadd.s32 s2, s4;
	[dreg:$0x0] =	wrdreg $0x0  }
0xa8: {  	s4 =	sshll.u32 s28, $0x1;
	[dreg:$0x2] =	wrdreg s2  }
0xa9: {  	[dreg:$0x3] =	wrdreg s4  }
0xaa: {  	[dreg:$0x4] =	wrdreg $0xC0  }
0xab: {  	_ =	task [dreg:s6], $0x5FFFF  }
0xac: {  	[dreg:$0x1] =	wrdreg $0xFFFFFFFF  }
0xad: {  	[dreg:$0x0] =	wrdreg $0x60  }
0xae: {  	[dreg:$0x2] =	wrdreg s24  }
0xaf: {  	[dreg:$0x3] =	wrdreg $0xA0000  }
0xb0: {  	[dreg:$0x4] =	wrdreg $0x9  }
0xb1: {  	_ =	task.clear_ibuf [dreg:s6], $0x5FFFF;
	_ =	strace $0x9000004C  }
0xb2: {  	s29 =	simm.s32 $0x9;
	_ =	strace $0x8000004E  }
0xb3: {  	_ =	swait.ge [sflag:s29], $0x1  }
0xb4: {  	[sflag:s29] =	ssyncadd.s32 $0xFFFFFFFF  }
0xb5: {  	_ =	strace $0x9000004E  }
0xb6: {  	_ =	sfence  }
0xb7: {  	s30 =	sld [smem:$0x0];
	_ =	sdelay $0x2  }
0xb8: {  	s31 =	sshll.u32 s1, $0xD;
	s1 =	sshrl.u32 s1, $0x2  }
0xb9: {  	s3 =	sand.u32 $0x4000, s31;
	s1 =	sadd.s32 s1, s30  }
0xba: {  	s0 =	sor.u32 s3, s0;
	s1 =	sshll.u32 s1, $0x11  }
0xbb: {  	s0 =	sor.u32 s1, s0  }
0xbc: {  	s0 =	sadd.s32 $0x8F2B, s0  }
0xbd: {  	[sflag:s0] =	ssyncadd.remote.s32 $0x1  }
0xbe: {  	_ =	sfence.sel $0xFFFF  }
0xbf: {  	[dreg:$0x0] =	wrdreg $0xFFFFFFFF;
	(pc) =	sbr.abs _section_cstart, $3  }
0xc0: {  	[dreg:$0x1] =	wrdreg $0xFFFFFFFF  }
0xc1: {  	_ =	task.clear_ibuf [dreg:s6], $0x2FFFF;
	_ =	strace $0x9FFFFFFF  }
0xc2: {  	(tm) =	ssettm $0x7FFFFFFF  }
0xc3: {  	_ =	shalt  }
tec
execute0_lowered:
.L_overlay_start_1:
0x0: {  	(tag) =	ssettag $0x1  }
0x1: {  	s0 =	rddreg [dreg:$0x0]  }
0x2: {  	s1 =	rddreg [dreg:$0x1];
	s2 =	simm.s32 $0x0  }
0x3: {  	s3 =	srdreg.scid;
	s11 =	stileid.u32;
	s18 =	simm.s32 $0x2000  }
0x4: {  	s19 =	simm.s32 $0x3;
	s20 =	simm.s32 $0x1000;
	s21 =	simm.s32 $0x40  }
0x5: {  	s22 =	simm.s32 $0x4000;
	s23 =	simm.s32 $0x80;
	s24 =	simm.s32 $0x6000  }
0x6: {  	s28 =	simm.s32 $0x1;
	s29 =	simm.s32 $0x2;
	s30 =	simm.s32 $0x1F00  }
0x7: {  	s31 =	simm.s32 $0x1F80;
	[smem:$0x7FF] =	sst s2;
	s4 =	sadd.s32 $0x22200, s0  }
0x8: {  	s5 =	sadd.s32 $0x2C200, s0;
	s3 =	sand.u32 $0x1, s3;
	s8 =	smul.u32 $0x50000, s11  }
0x9: {  	s6 =	sadd.s32 $0x36200, s0;
	s7 =	sadd.s32 $0x5E200, s0;
	s13 =	smul.u32 $0x5000, s11  }
0xa: {  	s10 =	sadd.s32 $0x86200, s0;
	s0 =	sadd.s32 $0xAE200, s0;
	s16 =	smul.u32 $0x2800, s11  }
0xb: {  	_ =	strace $0x8000004D;
	s9 =	ssub.s32 $0x2, s3;
	[dreg:$0x3] =	wrdreg s10  }
.Ltmp0:
0xc: {  	[dreg:$0x4] =	wrdreg s0;
	s8 =	sshrl.u32 s8, $0x2;
	(pc) =	sbr.rel .LBB2_1-.Ltmp0, $4  }
0xd: {  	p0 =	sne.s32 s3, $0x0;
	s25 =	sshrl.u32 s9, $0x1;
	s10 =	sadd.s32 s8, s1  }
0xe: {  	s26 =	ssub.s32 s9, s25;
	s25 =	simm.s32 $0xC0;
	s8 =	sadd.s32 $0x4000, s10  }
0xf: {  	s12 =	sadd.s32 $0x8000, s10;
	s14 =	sadd.s32 $0xC000, s10;
	s15 =	sadd.s32 $0x10000, s10  }
0x10: {  	v0 =	vimm.f32 $0.0e+00;
	s17 =	smax.u32 s26, $0x1;
	s26 =	simm.s32 $0x8000;
	[dreg:$0x5] =	wrdreg s8  }
.LBB2_12:
0x11: {  	s0 =	sadd.s32 s0, s16;
	s3 =	stileid.u32;
	s2 =	sadd.s32 $0x1, s2  }
0x12: {  	[bflag:$0x0] =	sbarrier.arrive $0xFFFF;
	s3 =	sshll.u32 s3, $0x6;
	p1 =	sne.s32 s2, s17  }
.Ltmp1:
0x13: {  	s8 =	sshrl.u32 s10, $0x3;
	s3 =	sor.u32 $0x1C03, s3;
	(pc) =	sbr.rel @!p1 .LBB2_13-.Ltmp1, $4  }
0x14: {  	[hbm:s0], [sflag:s3] =	dma.local [spmem:s8], $0x2800  }
0x15: {  	_ =	swait.ge [sflag:s19], $0x2800  }
0x16: {  	[sflag:s19] =	ssyncset.done $0x0  }
0x17: {  	[sflag:s19] =	ssyncadd.s32 $0xFFFFD800  }
.LBB2_1:
0x18: {  	s0 =	simm.s32 $0x0;
	s8 =	simm.s32 $0x200  }
.LBB2_2:
0x19: {  	p1 =	sne.s32 s8, $0xFE00;
	[tilespmem:s0+$0x2070] =	vst v0  }
0x1a: {  	[tilespmem:s0+$0x2000] =	vst v0  }
0x1b: {  	[tilespmem:s0+$0x2010] =	vst v0  }
.Ltmp2:
0x1c: {  	[tilespmem:s0+$0x2020] =	vst v0;
	(pc) =	sbr.rel @p1 .LBB2_2-.Ltmp2, $4  }
0x1d: {  	[tilespmem:s0+$0x2030] =	vst v0  }
0x1e: {  	[tilespmem:s0+$0x2040] =	vst v0  }
0x1f: {  	[tilespmem:s0+$0x2050] =	vst v0  }
0x20: {  	[tilespmem:s0+$0x2060] =	vst v0;
	s0 =	sshra.s32 s8, $0x2;
	s8 =	sadd.s32 $0x200, s8  }
0x21: {  	[tilespmem:s0+$0x2070] =	vst v0  }
0x22: {  	[tilespmem:s0+$0x2000] =	vst v0  }
0x23: {  	[tilespmem:s0+$0x2010] =	vst v0  }
0x24: {  	[tilespmem:s0+$0x2020] =	vst v0  }
0x25: {  	[tilespmem:s0+$0x2030] =	vst v0  }
0x26: {  	[tilespmem:s0+$0x2040] =	vst v0  }
0x27: {  	[tilespmem:s0+$0x2050] =	vst v0  }
0x28: {  	[tilespmem:s0+$0x2060] =	vst v0  }
0x29: {  	[spmem:s10] =	stream.linear.scatter [tilespmem:s18], [sflag:$0x3], $0x4000, $0x38;
	[tilespmem:$0x1E000] =	vst v63  }
0x2a: {  	_ =	swait.ge [sflag:s19], $0x4000  }
0x2b: {  	[sflag:s19] =	ssyncset.done $0x0  }
0x2c: {  	s11 =	rddreg [dreg:$0x5];
	[sflag:s19] =	ssyncadd.s32 $0xFFFFC000  }
0x2d: {  	[spmem:s11] =	stream.linear.scatter [tilespmem:s18], [sflag:$0x3], $0x4000, $0x38;
	[tilespmem:$0x1E000] =	vst v63  }
0x2e: {  	_ =	swait.ge [sflag:s19], $0x4000  }
0x2f: {  	[sflag:s19] =	ssyncset.done $0x0  }
0x30: {  	[sflag:s19] =	ssyncadd.s32 $0xFFFFC000  }
0x31: {  	[spmem:s12] =	stream.linear.scatter [tilespmem:s18], [sflag:$0x3], $0x4000, $0x38;
	[tilespmem:$0x1E000] =	vst v63  }
0x32: {  	_ =	swait.ge [sflag:s19], $0x4000  }
0x33: {  	[sflag:s19] =	ssyncset.done $0x0  }
0x34: {  	[sflag:s19] =	ssyncadd.s32 $0xFFFFC000  }
0x35: {  	[spmem:s14] =	stream.linear.scatter [tilespmem:s18], [sflag:$0x3], $0x4000, $0x38;
	[tilespmem:$0x1E000] =	vst v63  }
0x36: {  	_ =	swait.ge [sflag:s19], $0x4000  }
0x37: {  	[sflag:s19] =	ssyncset.done $0x0  }
0x38: {  	[sflag:s19] =	ssyncadd.s32 $0xFFFFC000  }
0x39: {  	[spmem:s15] =	stream.linear.scatter [tilespmem:s18], [sflag:$0x3], $0x4000, $0x38;
	[tilespmem:$0x1E000] =	vst v63  }
.Ltmp3:
0x3a: {  	_ =	swait.ge [sflag:s19], $0x4000;
	(pc) =	sbr.rel @p0 .LBB2_8-.Ltmp3, $4  }
0x3b: {  	[sflag:s19] =	ssyncset.done $0x0  }
0x3c: {  	[sflag:s19] =	ssyncadd.s32 $0xFFFFC000  }
0x3d: {  	[bflag:$0x0] =	sbarrier.arrive $0xFFFF  }
0x3e: {  	s0 =	simm.s32 $0x0;
	s8 =	simm.s32 $0x0;
	s9 =	simm.s32 $0x0  }
.LBB2_4:
0x3f: {  	s3 =	sshll.u32 s8, $0xC  }
0x40: {  	s3 =	sadd.s32 s13, s3  }
0x41: {  	s3 =	sshrl.u32 s3, $0x3  }
0x42: {  	s9 =	sadd.s32 s4, s3  }
0x43: {  	[tilespmem:s0], [sflag:$0x3] =	stream.linear.gather [hbm4b:s9+s0], $0x1000, $0x38;
	[tilespmem:$0x1E000] =	vst v63  }
0x44: {  	_ =	swait.ge [sflag:s19], $0x1000  }
0x45: {  	[sflag:s19] =	ssyncset.done $0x0  }
0x46: {  	s3 =	sadd.s32 s5, s3;
	[sflag:s19] =	ssyncadd.s32 $0xFFFFF000  }
0x47: {  	[tilespmem:s20], [sflag:$0x3] =	stream.linear.gather [hbm4b:s3+s0], $0x1000, $0x38;
	[tilespmem:$0x1E000] =	vst v63  }
0x48: {  	_ =	swait.ge [sflag:s19], $0x1000  }
0x49: {  	[sflag:s19] =	ssyncset.done $0x0  }
0x4a: {  	[sflag:s19] =	ssyncadd.s32 $0xFFFFF000  }
0x4b: {  	[tilespmem:s18], [sflag:$0x1] =	stream.indirect.gather [hbm4b:s6+s21], $0x80, s0, s21, $0xb8;
	[tilespmem:$0x1E000] =	vst v63  }
0x4c: {  	_ = 	snop  }
0x4d: {  	[tilespmem:s22], [sflag:$0x1] =	stream.indirect.gather [hbm4b:s6+s21], $0x80, s21, s21, $0xb8;
	[tilespmem:$0x1E000] =	vst v63  }
0x4e: {  	_ = 	snop  }
0x4f: {  	[tilespmem:s24], [sflag:$0x2] =	stream.indirect.gather [hbm4b:s6+s21], $0x80, s23, s21, $0xb8;
	[tilespmem:$0x1E000] =	vst v63  }
0x50: {  	_ = 	snop  }
0x51: {  	[tilespmem:s26], [sflag:$0x2] =	stream.indirect.gather [hbm4b:s6+s21], $0x80, s25, s21, $0xb8;
	[tilespmem:$0x1E000] =	vst v63  }
0x52: {  	_ =	swait.ge [sflag:s28], $0x4000  }
0x53: {  	[sflag:s28] =	ssyncset.done $0x0  }
0x54: {  	s11 =	simm.s32 $0x1000;
	[sflag:s28] =	ssyncadd.s32 $0xFFFFC000  }
0x55: {  	[spmem:s1] =	stream.indirect.scatter.add.f32 [tilespmem:s18], [sflag:$0x3], $0x80, s11, s23, $0xb8;
	[tilespmem:$0x1E000] =	vst v63  }
0x56: {  	_ =	swait.ge [sflag:s19], $0x4000  }
0x57: {  	[sflag:s19] =	ssyncset.done $0x0  }
0x58: {  	s9 =	simm.s32 $0x100;
	[sflag:s19] =	ssyncadd.s32 $0xFFFFC000  }
0x59: {  	[tilespmem:s18], [sflag:$0x1] =	stream.indirect.gather [hbm4b:s6+s21], $0x80, s9, s21, $0xb8;
	[tilespmem:$0x1E000] =	vst v63  }
0x5a: {  	s11 =	simm.s32 $0x140  }
0x5b: {  	[tilespmem:s22], [sflag:$0x1] =	stream.indirect.gather [hbm4b:s6+s21], $0x80, s11, s21, $0xb8;
	[tilespmem:$0x1E000] =	vst v63  }
0x5c: {  	_ =	swait.ge [sflag:s29], $0x4000  }
0x5d: {  	[sflag:s29] =	ssyncset.done $0x0  }
0x5e: {  	s9 =	simm.s32 $0x1080;
	[sflag:s29] =	ssyncadd.s32 $0xFFFFC000  }
0x5f: {  	[spmem:s1] =	stream.indirect.scatter.add.f32 [tilespmem:s24], [sflag:$0x3], $0x80, s9, s23, $0xb8;
	[tilespmem:$0x1E000] =	vst v63  }
0x60: {  	_ =	swait.ge [sflag:s19], $0x4000  }
0x61: {  	s3 =	simm.s32 $0x1C0;
	[sflag:s19] =	ssyncset.done $0x0  }
0x62: {  	s11 =	simm.s32 $0x180;
	s9 =	simm.s32 $0x400;
	[sflag:s19] =	ssyncadd.s32 $0xFFFFC000  }
0x63: {  	[tilespmem:s24], [sflag:$0x2] =	stream.indirect.gather [hbm4b:s6+s21], $0x80, s11, s21, $0xb8;
	[tilespmem:$0x1E000] =	vst v63  }
.LBB2_5:
0x64: {  	[tilespmem:s26], [sflag:$0x2] =	stream.indirect.gather [hbm4b:s6+s21], $0x80, s3, s21, $0xb8;
	[tilespmem:$0x1E000] =	vst v63  }
0x65: {  	s3 =	smov.u32 s9  }
0x66: {  	p1 =	sne.s32 s9, $0x3800;
	s9 =	sadd.s32 $0x400, s9;
	_ =	swait.ge [sflag:s28], $0x4000  }
0x67: {  	s3 =	sshra.s32 s3, $0x2;
	[sflag:s28] =	ssyncset.done $0x0  }
0x68: {  	s11 =	sadd.s32 $0x1000, s3;
	[sflag:s28] =	ssyncadd.s32 $0xFFFFC000  }
0x69: {  	[spmem:s1] =	stream.indirect.scatter.add.f32 [tilespmem:s18], [sflag:$0x3], $0x80, s11, s23, $0xb8;
	[tilespmem:$0x1E000] =	vst v63  }
0x6a: {  	_ =	swait.ge [sflag:s19], $0x4000  }
0x6b: {  	[sflag:s19] =	ssyncset.done $0x0  }
0x6c: {  	s11 =	sadd.s32 $0x100, s3;
	[sflag:s19] =	ssyncadd.s32 $0xFFFFC000  }
0x6d: {  	[tilespmem:s18], [sflag:$0x1] =	stream.indirect.gather [hbm4b:s6+s21], $0x80, s11, s21, $0xb8;
	[tilespmem:$0x1E000] =	vst v63  }
0x6e: {  	s11 =	sadd.s32 $0x140, s3  }
0x6f: {  	[tilespmem:s22], [sflag:$0x1] =	stream.indirect.gather [hbm4b:s6+s21], $0x80, s11, s21, $0xb8;
	[tilespmem:$0x1E000] =	vst v63  }
0x70: {  	_ =	swait.ge [sflag:s29], $0x4000  }
0x71: {  	[sflag:s29] =	ssyncset.done $0x0  }
0x72: {  	s11 =	sadd.s32 $0x1080, s3;
	[sflag:s29] =	ssyncadd.s32 $0xFFFFC000  }
0x73: {  	[spmem:s1] =	stream.indirect.scatter.add.f32 [tilespmem:s24], [sflag:$0x3], $0x80, s11, s23, $0xb8;
	[tilespmem:$0x1E000] =	vst v63  }
.Ltmp4:
0x74: {  	_ =	swait.ge [sflag:s19], $0x4000;
	(pc) =	sbr.rel @p1 .LBB2_5-.Ltmp4, $4  }
0x75: {  	[sflag:s19] =	ssyncset.done $0x0  }
0x76: {  	s11 =	sadd.s32 $0x180, s3;
	[sflag:s19] =	ssyncadd.s32 $0xFFFFC000  }
0x77: {  	[tilespmem:s24], [sflag:$0x2] =	stream.indirect.gather [hbm4b:s6+s21], $0x80, s11, s21, $0xb8;
	[tilespmem:$0x1E000] =	vst v63  }
0x78: {  	s3 =	sadd.s32 $0x1C0, s3  }
0x79: {  	[tilespmem:s26], [sflag:$0x2] =	stream.indirect.gather [hbm4b:s6+s21], $0x80, s3, s21, $0xb8;
	[tilespmem:$0x1E000] =	vst v63  }
0x7a: {  	_ =	swait.ge [sflag:s28], $0x4000  }
0x7b: {  	[sflag:s28] =	ssyncset.done $0x0  }
0x7c: {  	[sflag:s28] =	ssyncadd.s32 $0xFFFFC000  }
0x7d: {  	[spmem:s1] =	stream.indirect.scatter.add.f32 [tilespmem:s18], [sflag:$0x3], $0x80, s30, s23, $0xb8;
	[tilespmem:$0x1E000] =	vst v63  }
0x7e: {  	_ =	swait.ge [sflag:s19], $0x4000  }
0x7f: {  	[sflag:s19] =	ssyncset.done $0x0  }
0x80: {  	[sflag:s19] =	ssyncadd.s32 $0xFFFFC000  }
0x81: {  	s8 =	sadd.s32 $0x1, s8;
	_ =	swait.ge [sflag:s29], $0x4000  }
0x82: {  	p1 =	seq.s32 s8, $0x5;
	[sflag:s29] =	ssyncset.done $0x0  }
.Ltmp5:
0x83: {  	[sflag:s29] =	ssyncadd.s32 $0xFFFFC000;
	(pc) =	sbr.rel @!p1 .LBB2_4-.Ltmp5, $4  }
0x84: {  	[spmem:s1] =	stream.indirect.scatter.add.f32 [tilespmem:s24], [sflag:$0x3], $0x80, s31, s23, $0xb8;
	[tilespmem:$0x1E000] =	vst v63  }
0x85: {  	_ =	swait.ge [sflag:s19], $0x4000  }
0x86: {  	[sflag:s19] =	ssyncset.done $0x0  }
0x87: {  	[sflag:s19] =	ssyncadd.s32 $0xFFFFC000  }
.Ltmp6:
0x88: {  	(pc) =	sbr.rel .LBB2_12-.Ltmp6, $2  }
0x89: {  	_ =	sdelay $0x2  }
0x8a: {  	s0 =	rddreg [dreg:$0x3]  }
.LBB2_8:
0x8b: {  	s3 =	sshll.u32 s9, $0xC  }
0x8c: {  	s3 =	sadd.s32 s13, s3  }
0x8d: {  	s3 =	sshrl.u32 s3, $0x3  }
0x8e: {  	s8 =	sadd.s32 s4, s3  }
0x8f: {  	[tilespmem:s0], [sflag:$0x3] =	stream.linear.gather [hbm4b:s8+s0], $0x1000, $0x38;
	[tilespmem:$0x1E000] =	vst v63  }
0x90: {  	_ =	swait.ge [sflag:s19], $0x1000  }
0x91: {  	[sflag:s19] =	ssyncset.done $0x0  }
0x92: {  	s3 =	sadd.s32 s5, s3;
	[sflag:s19] =	ssyncadd.s32 $0xFFFFF000  }
0x93: {  	[tilespmem:s20], [sflag:$0x3] =	stream.linear.gather [hbm4b:s3+s0], $0x1000, $0x38;
	[tilespmem:$0x1E000] =	vst v63  }
0x94: {  	_ =	swait.ge [sflag:s19], $0x1000  }
0x95: {  	[sflag:s19] =	ssyncset.done $0x0  }
0x96: {  	[sflag:s19] =	ssyncadd.s32 $0xFFFFF000  }
0x97: {  	[tilespmem:s18], [sflag:$0x1] =	stream.indirect.gather [hbm4b:s7+s21], $0x80, s0, s21, $0xb8;
	[tilespmem:$0x1E000] =	vst v63  }
0x98: {  	_ = 	snop  }
0x99: {  	[tilespmem:s22], [sflag:$0x1] =	stream.indirect.gather [hbm4b:s7+s21], $0x80, s21, s21, $0xb8;
	[tilespmem:$0x1E000] =	vst v63  }
0x9a: {  	_ = 	snop  }
0x9b: {  	[tilespmem:s24], [sflag:$0x2] =	stream.indirect.gather [hbm4b:s7+s21], $0x80, s23, s21, $0xb8;
	[tilespmem:$0x1E000] =	vst v63  }
0x9c: {  	_ = 	snop  }
0x9d: {  	[tilespmem:s26], [sflag:$0x2] =	stream.indirect.gather [hbm4b:s7+s21], $0x80, s25, s21, $0xb8;
	[tilespmem:$0x1E000] =	vst v63  }
0x9e: {  	_ =	swait.ge [sflag:s28], $0x4000  }
0x9f: {  	[sflag:s28] =	ssyncset.done $0x0  }
0xa0: {  	s11 =	simm.s32 $0x1000;
	[sflag:s28] =	ssyncadd.s32 $0xFFFFC000  }
0xa1: {  	[spmem:s1] =	stream.indirect.scatter.add.f32 [tilespmem:s18], [sflag:$0x3], $0x80, s11, s23, $0xb8;
	[tilespmem:$0x1E000] =	vst v63  }
0xa2: {  	_ =	swait.ge [sflag:s19], $0x4000  }
0xa3: {  	[sflag:s19] =	ssyncset.done $0x0  }
0xa4: {  	s8 =	simm.s32 $0x100;
	[sflag:s19] =	ssyncadd.s32 $0xFFFFC000  }
0xa5: {  	[tilespmem:s18], [sflag:$0x1] =	stream.indirect.gather [hbm4b:s7+s21], $0x80, s8, s21, $0xb8;
	[tilespmem:$0x1E000] =	vst v63  }
0xa6: {  	s11 =	simm.s32 $0x140  }
0xa7: {  	[tilespmem:s22], [sflag:$0x1] =	stream.indirect.gather [hbm4b:s7+s21], $0x80, s11, s21, $0xb8;
	[tilespmem:$0x1E000] =	vst v63  }
0xa8: {  	_ =	swait.ge [sflag:s29], $0x4000  }
0xa9: {  	[sflag:s29] =	ssyncset.done $0x0  }
0xaa: {  	s8 =	simm.s32 $0x1080;
	[sflag:s29] =	ssyncadd.s32 $0xFFFFC000  }
0xab: {  	[spmem:s1] =	stream.indirect.scatter.add.f32 [tilespmem:s24], [sflag:$0x3], $0x80, s8, s23, $0xb8;
	[tilespmem:$0x1E000] =	vst v63  }
0xac: {  	_ =	swait.ge [sflag:s19], $0x4000  }
0xad: {  	s3 =	simm.s32 $0x1C0;
	[sflag:s19] =	ssyncset.done $0x0  }
0xae: {  	s11 =	simm.s32 $0x180;
	s8 =	simm.s32 $0x400;
	[sflag:s19] =	ssyncadd.s32 $0xFFFFC000  }
0xaf: {  	[tilespmem:s24], [sflag:$0x2] =	stream.indirect.gather [hbm4b:s7+s21], $0x80, s11, s21, $0xb8;
	[tilespmem:$0x1E000] =	vst v63  }
.LBB2_9:
0xb0: {  	[tilespmem:s26], [sflag:$0x2] =	stream.indirect.gather [hbm4b:s7+s21], $0x80, s3, s21, $0xb8;
	[tilespmem:$0x1E000] =	vst v63  }
0xb1: {  	s3 =	smov.u32 s8  }
0xb2: {  	p1 =	sne.s32 s8, $0x3800;
	s8 =	sadd.s32 $0x400, s8;
	_ =	swait.ge [sflag:s28], $0x4000  }
0xb3: {  	s3 =	sshra.s32 s3, $0x2;
	[sflag:s28] =	ssyncset.done $0x0  }
0xb4: {  	s11 =	sadd.s32 $0x1000, s3;
	[sflag:s28] =	ssyncadd.s32 $0xFFFFC000  }
0xb5: {  	[spmem:s1] =	stream.indirect.scatter.add.f32 [tilespmem:s18], [sflag:$0x3], $0x80, s11, s23, $0xb8;
	[tilespmem:$0x1E000] =	vst v63  }
0xb6: {  	_ =	swait.ge [sflag:s19], $0x4000  }
0xb7: {  	[sflag:s19] =	ssyncset.done $0x0  }
0xb8: {  	s11 =	sadd.s32 $0x100, s3;
	[sflag:s19] =	ssyncadd.s32 $0xFFFFC000  }
0xb9: {  	[tilespmem:s18], [sflag:$0x1] =	stream.indirect.gather [hbm4b:s7+s21], $0x80, s11, s21, $0xb8;
	[tilespmem:$0x1E000] =	vst v63  }
0xba: {  	s11 =	sadd.s32 $0x140, s3  }
0xbb: {  	[tilespmem:s22], [sflag:$0x1] =	stream.indirect.gather [hbm4b:s7+s21], $0x80, s11, s21, $0xb8;
	[tilespmem:$0x1E000] =	vst v63  }
0xbc: {  	_ =	swait.ge [sflag:s29], $0x4000  }
0xbd: {  	[sflag:s29] =	ssyncset.done $0x0  }
0xbe: {  	s11 =	sadd.s32 $0x1080, s3;
	[sflag:s29] =	ssyncadd.s32 $0xFFFFC000  }
0xbf: {  	[spmem:s1] =	stream.indirect.scatter.add.f32 [tilespmem:s24], [sflag:$0x3], $0x80, s11, s23, $0xb8;
	[tilespmem:$0x1E000] =	vst v63  }
.Ltmp7:
0xc0: {  	_ =	swait.ge [sflag:s19], $0x4000;
	(pc) =	sbr.rel @p1 .LBB2_9-.Ltmp7, $4  }
0xc1: {  	[sflag:s19] =	ssyncset.done $0x0  }
0xc2: {  	s11 =	sadd.s32 $0x180, s3;
	[sflag:s19] =	ssyncadd.s32 $0xFFFFC000  }
0xc3: {  	[tilespmem:s24], [sflag:$0x2] =	stream.indirect.gather [hbm4b:s7+s21], $0x80, s11, s21, $0xb8;
	[tilespmem:$0x1E000] =	vst v63  }
0xc4: {  	s3 =	sadd.s32 $0x1C0, s3  }
0xc5: {  	[tilespmem:s26], [sflag:$0x2] =	stream.indirect.gather [hbm4b:s7+s21], $0x80, s3, s21, $0xb8;
	[tilespmem:$0x1E000] =	vst v63  }
0xc6: {  	_ =	swait.ge [sflag:s28], $0x4000  }
0xc7: {  	[sflag:s28] =	ssyncset.done $0x0  }
0xc8: {  	[sflag:s28] =	ssyncadd.s32 $0xFFFFC000  }
0xc9: {  	[spmem:s1] =	stream.indirect.scatter.add.f32 [tilespmem:s18], [sflag:$0x3], $0x80, s30, s23, $0xb8;
	[tilespmem:$0x1E000] =	vst v63  }
0xca: {  	_ =	swait.ge [sflag:s19], $0x4000  }
0xcb: {  	[sflag:s19] =	ssyncset.done $0x0  }
0xcc: {  	[sflag:s19] =	ssyncadd.s32 $0xFFFFC000  }
0xcd: {  	s9 =	sadd.s32 $0x1, s9;
	_ =	swait.ge [sflag:s29], $0x4000  }
0xce: {  	p1 =	sne.s32 s9, $0x5;
	[sflag:s29] =	ssyncset.done $0x0  }
.Ltmp8:
0xcf: {  	[sflag:s29] =	ssyncadd.s32 $0xFFFFC000;
	(pc) =	sbr.rel @p1 .LBB2_8-.Ltmp8, $4  }
0xd0: {  	[spmem:s1] =	stream.indirect.scatter.add.f32 [tilespmem:s24], [sflag:$0x3], $0x80, s31, s23, $0xb8;
	[tilespmem:$0x1E000] =	vst v63  }
0xd1: {  	_ =	swait.ge [sflag:s19], $0x4000  }
0xd2: {  	[sflag:s19] =	ssyncset.done $0x0  }
0xd3: {  	[sflag:s19] =	ssyncadd.s32 $0xFFFFC000  }
.Ltmp9:
0xd4: {  	(pc) =	sbr.rel .LBB2_12-.Ltmp9, $2  }
0xd5: {  	_ =	sdelay $0x2  }
0xd6: {  	s0 =	rddreg [dreg:$0x4]  }
.LBB2_13:
0xd7: {  	_ =	sfence.sel $0x180000  }
0xd8: {  	[bflag:$0x0] =	sbarrier.arrive $0xFFFF  }
0xd9: {  	_ =	strace $0x9000004D  }
0xda: {  	s0 =	stileid.u32;
	[bflag:$0x2] =	sbarrier.arrive $0xFFFF  }
0xdb: {  	p0 =	sne.s32 s0, $0x0;
	s0 =	rddreg [dreg:$0x2]  }
0xdc: {  	s0 =	sadd.s32 @!p0 $0x100000, s0  }
0xdd: {  	[sflag:s0] =	ssyncadd.tile.s32 @!p0 $0x1;
	_ =	shalt  }
.Lfunc_end2:
_tile_overlayer_lowered:
.L_overlay_start_2:
0xde: {  	(tag) =	ssettag $0x2  }
0xdf: {  	s0 =	rddreg [dreg:$0x0];
	s2 =	stileid.u32  }
0xe0: {  	s1 =	rddreg [dreg:$0x1];
	p0 =	sne.s32 s2, $0x0  }
0xe1: {  	s3 =	rddreg [dreg:$0x2];
	[bflag:$0x3] =	sbarrier.arrive $0xFFFF;
	s2 =	simm.s32 @!p0 $0x1C03  }
0xe2: {  	[timem:s3], [sflag:s2] =	dma.local @!p0 [hbm:s0], s1  }
0xe3: {  	s0 =	simm.s32 @!p0 $0x3  }
0xe4: {  	_ =	swait.ge @!p0 [sflag:s0], s1  }
0xe5: {  	s1 =	ssub.s32 @!p0 $0x0, s1;
	[sflag:s0] =	ssyncset.done @!p0 $0x0  }
0xe6: {  	[sflag:s0] =	ssyncadd.s32 @!p0 s1  }
0xe7: {  	[bflag:$0x3] =	sbarrier.arrive $0xFFFF  }
0xe8: {  	_ =	shalt  }

// kernel: _run.18.cloned.1.call-start
scs
__scs_entry_jumppad:
0x0: {  	(pc) =	sbr.rel $0x88, $3  }
0x1: {  	(tag) =	ssettag $0x0;
	lr =	simm.s32 $0x1  }
0x2: {  	[smem:$0x3F9B] =	sst lr;
	_ =	strace $0xD0000000  }
0x3: {  	_ = 	snop  }
0x4: {  	_ = 	snop  }
0x5: {  	_ = 	snop  }
0x6: {  	_ = 	snop  }
0x7: {  	_ = 	snop  }
__scs_overlays_trampoline_lowered:
0x8: {  	[smem:$0x3FAA] =	sst s0  }
0x9: {  	[smem:$0x3FAB] =	sst s1  }
0xa: {  	[smem:$0x3FAC] =	sst s2  }
0xb: {  	[smem:$0x3FAD] =	sst s3  }
0xc: {  	[smem:$0x3FAE] =	sst s4  }
0xd: {  	[smem:$0x3FAF] =	sst s5  }
0xe: {  	[smem:$0x3FB0] =	sst s6  }
0xf: {  	[smem:$0x3FB1] =	sst s7  }
0x10: {  	[smem:$0x3FB2] =	sst s8  }
0x11: {  	[smem:$0x3FB3] =	sst s9;
	s0 =	simm.s32 @!p0 $0x0  }
0x12: {  	s1 =	sld [smem:$0x3F99];
	s0 =	simm.s32 @p0 $0x1  }
0x13: {  	[smem:$0x3FB4] =	sst s0;
	s0 =	simm.s32 @!p1 $0x0  }
0x14: {  	s2 =	sld [smem:$0x3F98];
	s0 =	simm.s32 @p1 $0x1  }
0x15: {  	[smem:$0x3FB5] =	sst s0;
	s0 =	simm.s32 @!p2 $0x0  }
0x16: {  	s3 =	sld [smem:$0x3FDB];
	s0 =	simm.s32 @p2 $0x1  }
0x17: {  	s4 =	simm.s32 $0x1BF5;
	[smem:$0x3FB7] =	sst s0  }
0x18: {  	s0 =	sld [smem:$0x3F9A];
	_ =	swait.ge [sflag:s4], $0x0  }
0x19: {  	s7 =	sld [smem:$0x3F9B]  }
0x1a: {  	s8 =	sadd.s32 $0xFFFFE003, lr  }
0x1b: {  	s9 =	sadd.s32 $0xFFFFFEF7, lr;
	s5 =	simm.s32 $0xFFFFFFFF;
	p2 =	slt.u32 s8, $0xFFFFF086  }
0x1c: {  	p1 =	slt.u32 s9, $0xF7A;
	s5 =	simm.s32 @!p2 $0x0  }
0x1d: {  	s5 =	simm.s32 @p1 $0x1;
	p0 =	seq.s32 s7, s2  }
0x1e: {  	s7 =	smul.u32 @!p0 $0xF7A, s2;
	p2 =	seq.s32 @!p0 s5, $0x0  }
0x1f: {  	s9 =	smul.u32 $0xF7A, s1;
	s8 =	simm.s32 @!p0 $0x1BF5;
	p2 =	por !p2, p0  }
0x20: {  	[sflag:s8] =	ssyncset.s32 @!p0 $0xFFFFF086;
	s6 =	sadd.s32 @!p0 s3, s7;
	s7 =	simm.s32 @!p0 $0x108  }
0x21: {  	s3 =	sadd.s32 s3, s9;
	s6 =	sadd.s32 @!p0 $0x88, s6;
	s7 =	simm.s32 @p2 $0x1082  }
0x22: {  	[simem:s7], [sflag:s8] =	dma.local @!p0 [hbm:s6], $0xF7A  }
0x23: {  	s9 =	sor.u32 $0xD0000000, s2;
	s6 =	simm.s32 $0x108;
	_ =	swait.ge @!p0 [sflag:s8], $0x0  }
0x24: {  	s3 =	sadd.s32 $0x88, s3;
	s6 =	simm.s32 @!p1 $0x1082;
	[sflag:s4] =	ssyncset.s32 $0xFFFFF086  }
0x25: {  	[simem:s6], [sflag:s4] =	dma.local [hbm:s3], $0xF7A  }
0x26: {  	[smem:$0x3F9B] =	sst s1;
	(tag) =	ssettag s2;
	_ =	strace s9  }
0x27: {  	s1 =	sld [smem:$0x3FAB]  }
0x28: {  	s2 =	sld [smem:$0x3FAC]  }
0x29: {  	s4 =	sld [smem:$0x3FAE]  }
0x2a: {  	p0 =	seq.s32 s5, $0x0;
	s5 =	sld [smem:$0x3FAF]  }
0x2b: {  	s6 =	sld [smem:$0x3FB0]  }
0x2c: {  	s7 =	sld [smem:$0x3FB1]  }
0x2d: {  	s3 =	simm.s32 $0x108;
	s8 =	sld [smem:$0x3FB2]  }
0x2e: {  	s3 =	simm.s32 @!p0 $0x1082;
	s9 =	sld [smem:$0x3FB3]  }
0x2f: {  	lr =	sadd.s32 s0, s3;
	s0 =	sld [smem:$0x3FAA]  }
0x30: {  	s3 =	sld [smem:$0x3FAD]  }
0x31: {  	[smem:$0x3FB6] =	sst s10  }
0x32: {  	s10 =	sld [smem:$0x3FB4];
	_ =	sdelay $0x3  }
0x33: {  	p0 =	seq.s32 s10, $0x1;
	s10 =	sld [smem:$0x3FB6];
	_ =	sdelay $0x3  }
0x34: {  	[smem:$0x3FB6] =	sst s10  }
0x35: {  	s10 =	sld [smem:$0x3FB5];
	_ =	sdelay $0x3  }
0x36: {  	p1 =	seq.s32 s10, $0x1;
	s10 =	sld [smem:$0x3FB6];
	_ =	sdelay $0x3  }
0x37: {  	[smem:$0x3FB6] =	sst s10  }
0x38: {  	s10 =	sld [smem:$0x3FB7]  }
0x39: {  	_ = 	snop;
	(pc) =	sbr.ind lr, $3  }
0x3a: {  	_ = 	snop  }
0x3b: {  	_ = 	snop  }
0x3c: {  	p2 =	seq.s32 s10, $0x1;
	s10 =	sld [smem:$0x3FB6]  }
0x3d: {  	_ =	shalt  }
0x3e: {  	_ =	shalt  }
0x3f: {  	_ =	shalt  }
0x40: {  	_ =	shalt  }
0x41: {  	_ =	shalt  }
0x42: {  	_ =	shalt  }
0x43: {  	_ =	shalt  }
0x44: {  	_ =	shalt  }
0x45: {  	_ =	shalt  }
0x46: {  	_ =	shalt  }
0x47: {  	_ =	shalt  }
0x48: {  	_ =	shalt  }
0x49: {  	_ =	shalt  }
0x4a: {  	_ =	shalt  }
0x4b: {  	_ =	shalt  }
0x4c: {  	_ =	shalt  }
0x4d: {  	_ =	shalt  }
0x4e: {  	_ =	shalt  }
0x4f: {  	_ =	shalt  }
0x50: {  	_ =	shalt  }
0x51: {  	_ =	shalt  }
0x52: {  	_ =	shalt  }
0x53: {  	_ =	shalt  }
0x54: {  	_ =	shalt  }
0x55: {  	_ =	shalt  }
0x56: {  	_ =	shalt  }
0x57: {  	_ =	shalt  }
0x58: {  	_ =	shalt  }
0x59: {  	_ =	shalt  }
0x5a: {  	_ =	shalt  }
0x5b: {  	_ =	shalt  }
0x5c: {  	_ =	shalt  }
0x5d: {  	_ =	shalt  }
0x5e: {  	_ =	shalt  }
0x5f: {  	_ =	shalt  }
0x60: {  	_ =	shalt  }
0x61: {  	_ =	shalt  }
0x62: {  	_ =	shalt  }
0x63: {  	_ =	shalt  }
0x64: {  	_ =	shalt  }
0x65: {  	_ =	shalt  }
0x66: {  	_ =	shalt  }
0x67: {  	_ =	shalt  }
0x68: {  	_ =	shalt  }
0x69: {  	_ =	shalt  }
0x6a: {  	_ =	shalt  }
0x6b: {  	_ =	shalt  }
0x6c: {  	_ =	shalt  }
0x6d: {  	_ =	shalt  }
0x6e: {  	_ =	shalt  }
0x6f: {  	_ =	shalt  }
0x70: {  	_ =	shalt  }
0x71: {  	_ =	shalt  }
0x72: {  	_ =	shalt  }
0x73: {  	_ =	shalt  }
0x74: {  	_ =	shalt  }
0x75: {  	_ =	shalt  }
0x76: {  	_ =	shalt  }
0x77: {  	_ =	shalt  }
0x78: {  	_ =	shalt  }
0x79: {  	_ =	shalt  }
0x7a: {  	_ =	shalt  }
0x7b: {  	_ =	shalt  }
0x7c: {  	_ =	shalt  }
0x7d: {  	_ =	shalt  }
0x7e: {  	_ =	shalt  }
0x7f: {  	_ =	shalt  }
0x80: {  	_ =	shalt  }
0x81: {  	_ =	shalt  }
0x82: {  	_ =	shalt  }
0x83: {  	_ =	shalt  }
0x84: {  	_ =	shalt  }
0x85: {  	_ =	shalt  }
0x86: {  	_ =	shalt  }
0x87: {  	_ =	shalt  }
.Lfunc_end0:
.L_simem_size_0:
called_computation.3_lowered:
.L_overlay_start_0:
0x88: {  	s2 =	sld [smem:$0x3FD9]  }
0x89: {  	s3 =	sld [smem:$0x3FFE];
	_ =	sdelay $0x1  }
0x8a: {  	s1 =	srdreg.scid  }
0x8b: {  	s0 =	sand.u32 $0x1, s1  }
0x8c: {  	s16 =	sshll.u32 s0, $0xA;
	s2 =	sadd.s32 s3, s2  }
0x8d: {  	s2 =	sadd.s32 s2, s16  }
0x8e: {  	[smem:$0x3FC2] =	sst s2  }
0x8f: {  	_ = 	snop  }
0x90: {  	(tm) =	ssettm $0x1  }
0x91: {  	s17 =	sld [smem:$0x3FFB];
	_ =	sdelay $0x3  }
0x92: {  	_ =	strace s17  }
0x93: {  	s2 =	sld [smem:$0x3FFC];
	_ =	sdelay $0x3  }
0x94: {  	_ =	strace s2  }
0x95: {  	s2 =	sld [smem:$0x3FFD];
	_ =	sdelay $0x3  }
0x96: {  	_ =	strace s2  }
0x97: {  	_ =	strace $0x8FFFFFFF  }
0x98: {  	s18 =	sld [smem:$0x3FDB];
	_ =	sdelay $0x1  }
0x99: {  	s19 =	simm.s32 $_scs_section_size  }
0x9a: {  	s4 =	simm.s32 $_size__tile_overlayer_lowered;
	s5 =	simm.s32 $_tile_overlayer_lowered  }
0x9b: {  	s22 =	simm.s32 $0x1BFF;
	s21 =	sshll.u32 s5, $0x1;
	s2 =	sadd.s32 s19, s18  }
0x9c: {  	s6 =	simm.s32 $0x0;
	s20 =	sshll.u32 s4, $0x1;
	s4 =	sadd.s32 s21, s2  }
0x9d: {  	[timem:s6], [sflag:s22] =	dma.local [hbm:s4], s20  }
0x9e: {  	_ =	swait.ge [sflag:s22], s20  }
0x9f: {  	s3 =	ssub.s32 $0x0, s20;
	[sflag:s22] =	ssyncset.done $0x0  }
0xa0: {  	[sflag:s22] =	ssyncadd.s32 s3;
	_ =	sdelay $0x1  }
0xa1: {  	s23 =	simm.s32 $0x1B8B  }
0xa2: {  	_ =	swait.ge [sflag:s23], $0x1  }
0xa3: {  	[sflag:s23] =	ssyncset.done $0x0  }
0xa4: {  	s25 =	simm.s32 $0x1B8E;
	s24 =	sld [smem:$0x3FFE];
	[sflag:s23] =	ssyncadd.s32 $0xFFFFFFFF  }
0xa5: {  	s26 =	simm.s32 $execute0_lowered;
	[smem:$0x3FD2] =	sst s25  }
0xa6: {  	s4 =	sshll.u32 s26, $0x1;
	_ =	strace $0x8000004F;
	[dreg:$0x1] =	wrdreg $0xFFFFFFFF  }
0xa7: {  	s28 =	simm.s32 $_size_execute0_lowered;
	s2 =	sadd.s32 s2, s4;
	[dreg:$0x0] =	wrdreg $0x0  }
0xa8: {  	s4 =	sshll.u32 s28, $0x1;
	[dreg:$0x2] =	wrdreg s2  }
0xa9: {  	[dreg:$0x3] =	wrdreg s4  }
0xaa: {  	[dreg:$0x4] =	wrdreg $0xC0  }
0xab: {  	_ =	task [dreg:s6], $0x5FFFF  }
0xac: {  	[dreg:$0x1] =	wrdreg $0xFFFFFFFF  }
0xad: {  	[dreg:$0x0] =	wrdreg $0x60  }
0xae: {  	[dreg:$0x2] =	wrdreg s24  }
0xaf: {  	[dreg:$0x3] =	wrdreg $0x90000  }
0xb0: {  	[dreg:$0x4] =	wrdreg $0x9  }
0xb1: {  	_ =	task.clear_ibuf [dreg:s6], $0x5FFFF;
	_ =	strace $0x9000004F  }
0xb2: {  	s29 =	simm.s32 $0x9;
	_ =	strace $0x80000051  }
0xb3: {  	_ =	swait.ge [sflag:s29], $0x1  }
0xb4: {  	[sflag:s29] =	ssyncadd.s32 $0xFFFFFFFF  }
0xb5: {  	_ =	strace $0x90000051  }
0xb6: {  	_ =	sfence  }
0xb7: {  	s30 =	sld [smem:$0x0];
	_ =	sdelay $0x2  }
0xb8: {  	s31 =	sshll.u32 s1, $0xD;
	s1 =	sshrl.u32 s1, $0x2  }
0xb9: {  	s3 =	sand.u32 $0x4000, s31;
	s1 =	sadd.s32 s1, s30  }
0xba: {  	s0 =	sor.u32 s3, s0;
	s1 =	sshll.u32 s1, $0x11  }
0xbb: {  	s0 =	sor.u32 s1, s0  }
0xbc: {  	s0 =	sadd.s32 $0x8F2B, s0  }
0xbd: {  	[sflag:s0] =	ssyncadd.remote.s32 $0x1  }
0xbe: {  	_ =	sfence.sel $0xFFFF  }
0xbf: {  	[dreg:$0x0] =	wrdreg $0xFFFFFFFF;
	(pc) =	sbr.abs _section_cstart, $3  }
0xc0: {  	[dreg:$0x1] =	wrdreg $0xFFFFFFFF  }
0xc1: {  	_ =	task.clear_ibuf [dreg:s6], $0x2FFFF;
	_ =	strace $0x9FFFFFFF  }
0xc2: {  	(tm) =	ssettm $0x7FFFFFFF  }
0xc3: {  	_ =	shalt  }
tec
execute0_lowered:
.L_overlay_start_1:
0x0: {  	(tag) =	ssettag $0x1  }
0x1: {  	s0 =	srdreg.scid  }
0x2: {  	s6 =	stileid.u32;
	s1 =	rddreg [dreg:$0x0]  }
0x3: {  	s2 =	rddreg [dreg:$0x1];
	s3 =	simm.s32 $0x0;
	s14 =	simm.s32 $0x100  }
0x4: {  	s15 =	simm.s32 $0x880;
	s17 =	simm.s32 $0x180;
	[smem:$0x7FF] =	sst s3  }
0x5: {  	s18 =	simm.s32 $0x900;
	_ =	strace $0x80000050;
	[dreg:$0x5] =	wrdreg s14  }
0x6: {  	s19 =	simm.s32 $0x200;
	s20 =	simm.s32 $0x980;
	[dreg:$0x6] =	wrdreg s15  }
0x7: {  	s21 =	simm.s32 $0x280;
	s22 =	simm.s32 $0xA00;
	[dreg:$0x7] =	wrdreg s17  }
0x8: {  	s23 =	simm.s32 $0x300;
	s24 =	simm.s32 $0xA80;
	[dreg:$0x8] =	wrdreg s18  }
0x9: {  	s25 =	simm.s32 $0x380;
	s28 =	simm.s32 $0x600;
	[dreg:$0x9] =	wrdreg s19  }
0xa: {  	s29 =	simm.s32 $0xD80;
	s30 =	simm.s32 $0x680;
	[dreg:$0xa] =	wrdreg s20  }
0xb: {  	s31 =	simm.s32 $0xE00;
	s5 =	smul.u32 $0x2800, s6;
	[dreg:$0xb] =	wrdreg s21  }
0xc: {  	s0 =	sand.u32 $0x1, s0;
	s6 =	smul.u32 $0x50000, s6;
	[dreg:$0xc] =	wrdreg s22  }
0xd: {  	s4 =	smul.u32 $0x28000, s0;
	s7 =	ssub.s32 $0x2, s0;
	[dreg:$0xd] =	wrdreg s23  }
0xe: {  	p0 =	seq.s32 s0, $0x1;
	s14 =	simm.s32 $0x800;
	[dreg:$0xe] =	wrdreg s24  }
0xf: {  	s15 =	simm.s32 $0x80;
	[dreg:$0xf] =	wrdreg s25;
	s17 =	simm.s32 $0x1  }
0x10: {  	s18 =	simm.s32 $0x2;
	s19 =	simm.s32 $0x400;
	s20 =	simm.s32 $0xB80  }
0x11: {  	s21 =	simm.s32 $0x480;
	s22 =	simm.s32 $0xC00;
	s23 =	simm.s32 $0x500  }
0x12: {  	s24 =	simm.s32 $0xC80;
	s25 =	simm.s32 $0x580;
	s0 =	simm.s32 $0xE80  }
0x13: {  	s9 =	sshrl.u32 s7, $0x1;
	s6 =	sshrl.u32 s6, $0x2;
	s4 =	sadd.s32 s5, s4  }
0x14: {  	s7 =	ssub.s32 s7, s9;
	s26 =	sadd.s32 s6, s2;
	s9 =	simm.s32 $0x0  }
0x15: {  	s4 =	sshrl.u32 s4, $0x3;
	s6 =	sadd.s32 $0x4000, s26;
	[dreg:$0x11] =	wrdreg s26  }
0x16: {  	s10 =	sadd.s32 $0x8000, s26;
	s13 =	sadd.s32 $0x10000, s26;
	[dreg:$0x12] =	wrdreg s6  }
0x17: {  	s16 =	smax.u32 s7, $0x1;
	s7 =	simm.s32 $0xF00;
	[dreg:$0x13] =	wrdreg s10  }
0x18: {  	s8 =	sadd.s32 s4, s1;
	s4 =	sadd.s32 $0x36200, s1;
	[dreg:$0x15] =	wrdreg s13  }
0x19: {  	s10 =	sadd.s32 $0xC000, s26;
	[dreg:$0x16] =	wrdreg s16;
	s6 =	simm.s32 $0x86200  }
0x1a: {  	s13 =	simm.s32 $0x3;
	s16 =	simm.s32 $0x5000;
	s26 =	simm.s32 $0xB00  }
0x1b: {  	s11 =	sadd.s32 $0x2C200, s8;
	[dreg:$0x14] =	wrdreg s10;
	s12 =	sadd.s32 $0x22200, s8  }
0x1c: {  	s6 =	simm.s32 @!p0 $0x5E200;
	[dreg:$0x10] =	wrdreg s26;
	s26 =	simm.s32 $0xD00  }
0x1d: {  	s8 =	simm.s32 $0xF80;
	[dreg:$0x3] =	wrdreg s11;
	s1 =	sadd.s32 s6, s1  }
0x1e: {  	[dreg:$0x4] =	wrdreg s12;
	s12 =	simm.s32 $0x1000;
	s1 =	sadd.s32 s1, s5  }
0x1f: {  	v0 =	vimm.f32 $0.0e+00;
	s6 =	simm.s32 $0x780;
	[dreg:$0x17] =	wrdreg s1;
	s1 =	simm.s32 $0x700  }
.LBB2_1:
0x20: {  	s10 =	simm.s32 $0x0;
	s11 =	simm.s32 $0x200  }
.LBB2_2:
0x21: {  	p0 =	sne.s32 s11, $0xFE00;
	[tilespmem:s10+$0x1070] =	vst v0  }
0x22: {  	[tilespmem:s10+$0x1000] =	vst v0  }
0x23: {  	[tilespmem:s10+$0x1010] =	vst v0  }
.Ltmp0:
0x24: {  	[tilespmem:s10+$0x1020] =	vst v0;
	(pc) =	sbr.rel @p0 .LBB2_2-.Ltmp0, $4  }
0x25: {  	[tilespmem:s10+$0x1030] =	vst v0  }
0x26: {  	[tilespmem:s10+$0x1040] =	vst v0  }
0x27: {  	[tilespmem:s10+$0x1050] =	vst v0  }
0x28: {  	[tilespmem:s10+$0x1060] =	vst v0;
	s10 =	sshra.s32 s11, $0x2;
	s11 =	sadd.s32 $0x200, s11  }
0x29: {  	[tilespmem:s10+$0x1070] =	vst v0  }
0x2a: {  	[tilespmem:s10+$0x1000] =	vst v0  }
0x2b: {  	[tilespmem:s10+$0x1010] =	vst v0  }
0x2c: {  	[tilespmem:s10+$0x1020] =	vst v0  }
0x2d: {  	[tilespmem:s10+$0x1030] =	vst v0  }
0x2e: {  	[tilespmem:s10+$0x1040] =	vst v0  }
0x2f: {  	[dreg:$0x18] =	wrdreg s9;
	[tilespmem:s10+$0x1050] =	vst v0  }
0x30: {  	[tilespmem:s10+$0x1060] =	vst v0;
	s5 =	rddreg [dreg:$0x11]  }
0x31: {  	[spmem:s5] =	stream.linear.scatter [tilespmem:s12], [sflag:$0x3], $0x4000, $0x38;
	[tilespmem:$0x1D000] =	vst v63  }
0x32: {  	_ =	swait.ge [sflag:s13], $0x4000  }
0x33: {  	[sflag:s13] =	ssyncset.done $0x0  }
0x34: {  	s9 =	rddreg [dreg:$0x12];
	[sflag:s13] =	ssyncadd.s32 $0xFFFFC000  }
0x35: {  	[spmem:s9] =	stream.linear.scatter [tilespmem:s12], [sflag:$0x3], $0x4000, $0x38;
	[tilespmem:$0x1D000] =	vst v63  }
0x36: {  	_ =	swait.ge [sflag:s13], $0x4000  }
0x37: {  	[sflag:s13] =	ssyncset.done $0x0  }
0x38: {  	s10 =	rddreg [dreg:$0x13];
	[sflag:s13] =	ssyncadd.s32 $0xFFFFC000  }
0x39: {  	[spmem:s10] =	stream.linear.scatter [tilespmem:s12], [sflag:$0x3], $0x4000, $0x38;
	[tilespmem:$0x1D000] =	vst v63  }
0x3a: {  	_ =	swait.ge [sflag:s13], $0x4000  }
0x3b: {  	[sflag:s13] =	ssyncset.done $0x0  }
0x3c: {  	s11 =	rddreg [dreg:$0x14];
	[sflag:s13] =	ssyncadd.s32 $0xFFFFC000  }
0x3d: {  	[spmem:s11] =	stream.linear.scatter [tilespmem:s12], [sflag:$0x3], $0x4000, $0x38;
	[tilespmem:$0x1D000] =	vst v63  }
0x3e: {  	_ =	swait.ge [sflag:s13], $0x4000  }
0x3f: {  	[sflag:s13] =	ssyncset.done $0x0  }
0x40: {  	s9 =	rddreg [dreg:$0x15];
	[sflag:s13] =	ssyncadd.s32 $0xFFFFC000  }
0x41: {  	[spmem:s9] =	stream.linear.scatter [tilespmem:s12], [sflag:$0x3], $0x4000, $0x38;
	[tilespmem:$0x1D000] =	vst v63  }
0x42: {  	_ =	swait.ge [sflag:s13], $0x4000  }
0x43: {  	[sflag:s13] =	ssyncset.done $0x0  }
0x44: {  	[sflag:s13] =	ssyncadd.s32 $0xFFFFC000  }
0x45: {  	[bflag:$0x0] =	sbarrier.arrive $0xFFFF  }
0x46: {  	s10 =	rddreg [dreg:$0x4]  }
0x47: {  	s5 =	sadd.s32 $0x0, s10  }
0x48: {  	[tilespmem:s3], [sflag:$0x3] =	stream.linear.gather [hbm4b:s5+s3], $0x800, $0x38;
	[tilespmem:$0x1D000] =	vst v63  }
0x49: {  	_ =	swait.ge [sflag:s13], $0x800  }
0x4a: {  	s11 =	rddreg [dreg:$0x3];
	[sflag:s13] =	ssyncset.done $0x0  }
0x4b: {  	[sflag:s13] =	ssyncadd.s32 $0xFFFFF800;
	s5 =	sadd.s32 $0x0, s11  }
0x4c: {  	[tilespmem:s14], [sflag:$0x3] =	stream.linear.gather [hbm4b:s5+s3], $0x800, $0x38;
	[tilespmem:$0x1D000] =	vst v63  }
0x4d: {  	_ =	swait.ge [sflag:s13], $0x800  }
0x4e: {  	[sflag:s13] =	ssyncset.done $0x0  }
0x4f: {  	[sflag:s13] =	ssyncadd.s32 $0xFFFFF800  }
0x50: {  	[tilespmem:s12], [sflag:$0x1] =	stream.indirect.gather [hbm4b:s4+s15], $0x80, s3, s15, $0xb8;
	[tilespmem:$0x1D000] =	vst v63  }
0x51: {  	_ = 	snop  }
0x52: {  	[tilespmem:s16], [sflag:$0x2] =	stream.indirect.gather [hbm4b:s4+s15], $0x80, s15, s15, $0xb8;
	[tilespmem:$0x1D000] =	vst v63  }
0x53: {  	_ =	swait.ge [sflag:s17], $0x4000  }
0x54: {  	[sflag:s17] =	ssyncset.done $0x0  }
0x55: {  	[sflag:s17] =	ssyncadd.s32 $0xFFFFC000  }
0x56: {  	[spmem:s2] =	stream.indirect.scatter.add.f32 [tilespmem:s12], [sflag:$0x3], $0x80, s14, s15, $0xb8;
	[tilespmem:$0x1D000] =	vst v63  }
0x57: {  	_ =	swait.ge [sflag:s13], $0x4000  }
0x58: {  	[sflag:s13] =	ssyncset.done $0x0  }
0x59: {  	s9 =	rddreg [dreg:$0x5];
	[sflag:s13] =	ssyncadd.s32 $0xFFFFC000  }
0x5a: {  	[tilespmem:s12], [sflag:$0x1] =	stream.indirect.gather [hbm4b:s4+s15], $0x80, s9, s15, $0xb8;
	[tilespmem:$0x1D000] =	vst v63  }
0x5b: {  	_ =	swait.ge [sflag:s18], $0x4000  }
0x5c: {  	[sflag:s18] =	ssyncset.done $0x0  }
0x5d: {  	s10 =	rddreg [dreg:$0x6];
	[sflag:s18] =	ssyncadd.s32 $0xFFFFC000  }
0x5e: {  	[spmem:s2] =	stream.indirect.scatter.add.f32 [tilespmem:s16], [sflag:$0x3], $0x80, s10, s15, $0xb8;
	[tilespmem:$0x1D000] =	vst v63  }
0x5f: {  	_ =	swait.ge [sflag:s13], $0x4000  }
0x60: {  	[sflag:s13] =	ssyncset.done $0x0  }
0x61: {  	s11 =	rddreg [dreg:$0x7];
	[sflag:s13] =	ssyncadd.s32 $0xFFFFC000  }
0x62: {  	[tilespmem:s16], [sflag:$0x2] =	stream.indirect.gather [hbm4b:s4+s15], $0x80, s11, s15, $0xb8;
	[tilespmem:$0x1D000] =	vst v63  }
0x63: {  	_ =	swait.ge [sflag:s17], $0x4000  }
0x64: {  	[sflag:s17] =	ssyncset.done $0x0  }
0x65: {  	s9 =	rddreg [dreg:$0x8];
	[sflag:s17] =	ssyncadd.s32 $0xFFFFC000  }
0x66: {  	[spmem:s2] =	stream.indirect.scatter.add.f32 [tilespmem:s12], [sflag:$0x3], $0x80, s9, s15, $0xb8;
	[tilespmem:$0x1D000] =	vst v63  }
0x67: {  	_ =	swait.ge [sflag:s13], $0x4000  }
0x68: {  	[sflag:s13] =	ssyncset.done $0x0  }
0x69: {  	s10 =	rddreg [dreg:$0x9];
	[sflag:s13] =	ssyncadd.s32 $0xFFFFC000  }
0x6a: {  	[tilespmem:s12], [sflag:$0x1] =	stream.indirect.gather [hbm4b:s4+s15], $0x80, s10, s15, $0xb8;
	[tilespmem:$0x1D000] =	vst v63  }
0x6b: {  	_ =	swait.ge [sflag:s18], $0x4000  }
0x6c: {  	[sflag:s18] =	ssyncset.done $0x0  }
0x6d: {  	s11 =	rddreg [dreg:$0xa];
	[sflag:s18] =	ssyncadd.s32 $0xFFFFC000  }
0x6e: {  	[spmem:s2] =	stream.indirect.scatter.add.f32 [tilespmem:s16], [sflag:$0x3], $0x80, s11, s15, $0xb8;
	[tilespmem:$0x1D000] =	vst v63  }
0x6f: {  	_ =	swait.ge [sflag:s13], $0x4000  }
0x70: {  	[sflag:s13] =	ssyncset.done $0x0  }
0x71: {  	s9 =	rddreg [dreg:$0xb];
	[sflag:s13] =	ssyncadd.s32 $0xFFFFC000  }
0x72: {  	[tilespmem:s16], [sflag:$0x2] =	stream.indirect.gather [hbm4b:s4+s15], $0x80, s9, s15, $0xb8;
	[tilespmem:$0x1D000] =	vst v63  }
0x73: {  	_ =	swait.ge [sflag:s17], $0x4000  }
0x74: {  	[sflag:s17] =	ssyncset.done $0x0  }
0x75: {  	s10 =	rddreg [dreg:$0xc];
	[sflag:s17] =	ssyncadd.s32 $0xFFFFC000  }
0x76: {  	[spmem:s2] =	stream.indirect.scatter.add.f32 [tilespmem:s12], [sflag:$0x3], $0x80, s10, s15, $0xb8;
	[tilespmem:$0x1D000] =	vst v63  }
0x77: {  	_ =	swait.ge [sflag:s13], $0x4000  }
0x78: {  	[sflag:s13] =	ssyncset.done $0x0  }
0x79: {  	s11 =	rddreg [dreg:$0xd];
	[sflag:s13] =	ssyncadd.s32 $0xFFFFC000  }
0x7a: {  	[tilespmem:s12], [sflag:$0x1] =	stream.indirect.gather [hbm4b:s4+s15], $0x80, s11, s15, $0xb8;
	[tilespmem:$0x1D000] =	vst v63  }
0x7b: {  	_ =	swait.ge [sflag:s18], $0x4000  }
0x7c: {  	[sflag:s18] =	ssyncset.done $0x0  }
0x7d: {  	s9 =	rddreg [dreg:$0xe];
	[sflag:s18] =	ssyncadd.s32 $0xFFFFC000  }
0x7e: {  	[spmem:s2] =	stream.indirect.scatter.add.f32 [tilespmem:s16], [sflag:$0x3], $0x80, s9, s15, $0xb8;
	[tilespmem:$0x1D000] =	vst v63  }
0x7f: {  	_ =	swait.ge [sflag:s13], $0x4000  }
0x80: {  	[sflag:s13] =	ssyncset.done $0x0  }
0x81: {  	s10 =	rddreg [dreg:$0xf];
	[sflag:s13] =	ssyncadd.s32 $0xFFFFC000  }
0x82: {  	[tilespmem:s16], [sflag:$0x2] =	stream.indirect.gather [hbm4b:s4+s15], $0x80, s10, s15, $0xb8;
	[tilespmem:$0x1D000] =	vst v63  }
0x83: {  	_ =	swait.ge [sflag:s17], $0x4000  }
0x84: {  	[sflag:s17] =	ssyncset.done $0x0  }
0x85: {  	s11 =	rddreg [dreg:$0x10];
	[sflag:s17] =	ssyncadd.s32 $0xFFFFC000  }
0x86: {  	[spmem:s2] =	stream.indirect.scatter.add.f32 [tilespmem:s12], [sflag:$0x3], $0x80, s11, s15, $0xb8;
	[tilespmem:$0x1D000] =	vst v63  }
0x87: {  	_ =	swait.ge [sflag:s13], $0x4000  }
0x88: {  	[sflag:s13] =	ssyncset.done $0x0  }
0x89: {  	[sflag:s13] =	ssyncadd.s32 $0xFFFFC000  }
0x8a: {  	[tilespmem:s12], [sflag:$0x1] =	stream.indirect.gather [hbm4b:s4+s15], $0x80, s19, s15, $0xb8;
	[tilespmem:$0x1D000] =	vst v63  }
0x8b: {  	_ =	swait.ge [sflag:s18], $0x4000  }
0x8c: {  	[sflag:s18] =	ssyncset.done $0x0  }
0x8d: {  	[sflag:s18] =	ssyncadd.s32 $0xFFFFC000  }
0x8e: {  	[spmem:s2] =	stream.indirect.scatter.add.f32 [tilespmem:s16], [sflag:$0x3], $0x80, s20, s15, $0xb8;
	[tilespmem:$0x1D000] =	vst v63  }
0x8f: {  	_ =	swait.ge [sflag:s13], $0x4000  }
0x90: {  	[sflag:s13] =	ssyncset.done $0x0  }
0x91: {  	[sflag:s13] =	ssyncadd.s32 $0xFFFFC000  }
0x92: {  	[tilespmem:s16], [sflag:$0x2] =	stream.indirect.gather [hbm4b:s4+s15], $0x80, s21, s15, $0xb8;
	[tilespmem:$0x1D000] =	vst v63  }
0x93: {  	_ =	swait.ge [sflag:s17], $0x4000  }
0x94: {  	[sflag:s17] =	ssyncset.done $0x0  }
0x95: {  	[sflag:s17] =	ssyncadd.s32 $0xFFFFC000  }
0x96: {  	[spmem:s2] =	stream.indirect.scatter.add.f32 [tilespmem:s12], [sflag:$0x3], $0x80, s22, s15, $0xb8;
	[tilespmem:$0x1D000] =	vst v63  }
0x97: {  	_ =	swait.ge [sflag:s13], $0x4000  }
0x98: {  	[sflag:s13] =	ssyncset.done $0x0  }
0x99: {  	[sflag:s13] =	ssyncadd.s32 $0xFFFFC000  }
0x9a: {  	[tilespmem:s12], [sflag:$0x1] =	stream.indirect.gather [hbm4b:s4+s15], $0x80, s23, s15, $0xb8;
	[tilespmem:$0x1D000] =	vst v63  }
0x9b: {  	_ =	swait.ge [sflag:s18], $0x4000  }
0x9c: {  	[sflag:s18] =	ssyncset.done $0x0  }
0x9d: {  	[sflag:s18] =	ssyncadd.s32 $0xFFFFC000  }
0x9e: {  	[spmem:s2] =	stream.indirect.scatter.add.f32 [tilespmem:s16], [sflag:$0x3], $0x80, s24, s15, $0xb8;
	[tilespmem:$0x1D000] =	vst v63  }
0x9f: {  	_ =	swait.ge [sflag:s13], $0x4000  }
0xa0: {  	[sflag:s13] =	ssyncset.done $0x0  }
0xa1: {  	[sflag:s13] =	ssyncadd.s32 $0xFFFFC000  }
0xa2: {  	[tilespmem:s16], [sflag:$0x2] =	stream.indirect.gather [hbm4b:s4+s15], $0x80, s25, s15, $0xb8;
	[tilespmem:$0x1D000] =	vst v63  }
0xa3: {  	_ =	swait.ge [sflag:s17], $0x4000  }
0xa4: {  	[sflag:s17] =	ssyncset.done $0x0  }
0xa5: {  	[sflag:s17] =	ssyncadd.s32 $0xFFFFC000  }
0xa6: {  	[spmem:s2] =	stream.indirect.scatter.add.f32 [tilespmem:s12], [sflag:$0x3], $0x80, s26, s15, $0xb8;
	[tilespmem:$0x1D000] =	vst v63  }
0xa7: {  	_ =	swait.ge [sflag:s13], $0x4000  }
0xa8: {  	[sflag:s13] =	ssyncset.done $0x0  }
0xa9: {  	[sflag:s13] =	ssyncadd.s32 $0xFFFFC000  }
0xaa: {  	[tilespmem:s12], [sflag:$0x1] =	stream.indirect.gather [hbm4b:s4+s15], $0x80, s28, s15, $0xb8;
	[tilespmem:$0x1D000] =	vst v63  }
0xab: {  	_ =	swait.ge [sflag:s18], $0x4000  }
0xac: {  	[sflag:s18] =	ssyncset.done $0x0  }
0xad: {  	[sflag:s18] =	ssyncadd.s32 $0xFFFFC000  }
0xae: {  	[spmem:s2] =	stream.indirect.scatter.add.f32 [tilespmem:s16], [sflag:$0x3], $0x80, s29, s15, $0xb8;
	[tilespmem:$0x1D000] =	vst v63  }
0xaf: {  	_ =	swait.ge [sflag:s13], $0x4000  }
0xb0: {  	[sflag:s13] =	ssyncset.done $0x0  }
0xb1: {  	[sflag:s13] =	ssyncadd.s32 $0xFFFFC000  }
0xb2: {  	[tilespmem:s16], [sflag:$0x2] =	stream.indirect.gather [hbm4b:s4+s15], $0x80, s30, s15, $0xb8;
	[tilespmem:$0x1D000] =	vst v63  }
0xb3: {  	_ =	swait.ge [sflag:s17], $0x4000  }
0xb4: {  	[sflag:s17] =	ssyncset.done $0x0  }
0xb5: {  	[sflag:s17] =	ssyncadd.s32 $0xFFFFC000  }
0xb6: {  	[spmem:s2] =	stream.indirect.scatter.add.f32 [tilespmem:s12], [sflag:$0x3], $0x80, s31, s15, $0xb8;
	[tilespmem:$0x1D000] =	vst v63  }
0xb7: {  	_ =	swait.ge [sflag:s13], $0x4000  }
0xb8: {  	[sflag:s13] =	ssyncset.done $0x0  }
0xb9: {  	[sflag:s13] =	ssyncadd.s32 $0xFFFFC000  }
0xba: {  	[tilespmem:s12], [sflag:$0x1] =	stream.indirect.gather [hbm4b:s4+s15], $0x80, s1, s15, $0xb8;
	[tilespmem:$0x1D000] =	vst v63  }
0xbb: {  	_ =	swait.ge [sflag:s18], $0x4000  }
0xbc: {  	[sflag:s18] =	ssyncset.done $0x0  }
0xbd: {  	[sflag:s18] =	ssyncadd.s32 $0xFFFFC000  }
0xbe: {  	[spmem:s2] =	stream.indirect.scatter.add.f32 [tilespmem:s16], [sflag:$0x3], $0x80, s0, s15, $0xb8;
	[tilespmem:$0x1D000] =	vst v63  }
0xbf: {  	_ =	swait.ge [sflag:s13], $0x4000  }
0xc0: {  	[sflag:s13] =	ssyncset.done $0x0  }
0xc1: {  	[sflag:s13] =	ssyncadd.s32 $0xFFFFC000  }
0xc2: {  	[tilespmem:s16], [sflag:$0x2] =	stream.indirect.gather [hbm4b:s4+s15], $0x80, s6, s15, $0xb8;
	[tilespmem:$0x1D000] =	vst v63  }
0xc3: {  	_ =	swait.ge [sflag:s17], $0x4000  }
0xc4: {  	[sflag:s17] =	ssyncset.done $0x0  }
0xc5: {  	[sflag:s17] =	ssyncadd.s32 $0xFFFFC000  }
0xc6: {  	[spmem:s2] =	stream.indirect.scatter.add.f32 [tilespmem:s12], [sflag:$0x3], $0x80, s7, s15, $0xb8;
	[tilespmem:$0x1D000] =	vst v63  }
0xc7: {  	_ =	swait.ge [sflag:s13], $0x4000  }
0xc8: {  	[sflag:s13] =	ssyncset.done $0x0  }
0xc9: {  	[sflag:s13] =	ssyncadd.s32 $0xFFFFC000  }
0xca: {  	_ =	swait.ge [sflag:s18], $0x4000  }
0xcb: {  	[sflag:s18] =	ssyncset.done $0x0  }
0xcc: {  	[sflag:s18] =	ssyncadd.s32 $0xFFFFC000  }
0xcd: {  	[spmem:s2] =	stream.indirect.scatter.add.f32 [tilespmem:s16], [sflag:$0x3], $0x80, s8, s15, $0xb8;
	[tilespmem:$0x1D000] =	vst v63  }
0xce: {  	s10 =	simm.s32 $0x100;
	_ =	swait.ge [sflag:s13], $0x4000  }
0xcf: {  	s11 =	simm.s32 $0x200;
	s5 =	rddreg [dreg:$0x4];
	[sflag:s13] =	ssyncset.done $0x0  }
.LBB2_4:
0xd0: {  	[sflag:s13] =	ssyncadd.s32 $0xFFFFC000;
	s5 =	sadd.s32 s10, s5  }
0xd1: {  	[tilespmem:s3], [sflag:$0x3] =	stream.linear.gather [hbm4b:s5+s3], $0x800, $0x38;
	[tilespmem:$0x1D000] =	vst v63  }
0xd2: {  	_ =	swait.ge [sflag:s13], $0x800  }
0xd3: {  	s5 =	rddreg [dreg:$0x3];
	[sflag:s13] =	ssyncset.done $0x0  }
0xd4: {  	[sflag:s13] =	ssyncadd.s32 $0xFFFFF800;
	s5 =	sadd.s32 s10, s5  }
0xd5: {  	[tilespmem:s14], [sflag:$0x3] =	stream.linear.gather [hbm4b:s5+s3], $0x800, $0x38;
	[tilespmem:$0x1D000] =	vst v63  }
0xd6: {  	_ =	swait.ge [sflag:s13], $0x800  }
0xd7: {  	[sflag:s13] =	ssyncset.done $0x0  }
0xd8: {  	[sflag:s13] =	ssyncadd.s32 $0xFFFFF800  }
0xd9: {  	[tilespmem:s12], [sflag:$0x1] =	stream.indirect.gather [hbm4b:s4+s15], $0x80, s3, s15, $0xb8;
	[tilespmem:$0x1D000] =	vst v63  }
0xda: {  	_ = 	snop  }
0xdb: {  	[tilespmem:s16], [sflag:$0x2] =	stream.indirect.gather [hbm4b:s4+s15], $0x80, s15, s15, $0xb8;
	[tilespmem:$0x1D000] =	vst v63  }
0xdc: {  	_ =	swait.ge [sflag:s17], $0x4000  }
0xdd: {  	[sflag:s17] =	ssyncset.done $0x0  }
0xde: {  	[sflag:s17] =	ssyncadd.s32 $0xFFFFC000  }
0xdf: {  	[spmem:s2] =	stream.indirect.scatter.add.f32 [tilespmem:s12], [sflag:$0x3], $0x80, s14, s15, $0xb8;
	[tilespmem:$0x1D000] =	vst v63  }
0xe0: {  	_ =	swait.ge [sflag:s13], $0x4000  }
0xe1: {  	s9 =	smov.u32 s11;
	[sflag:s13] =	ssyncset.done $0x0  }
0xe2: {  	s10 =	smov.u32 s9;
	s9 =	rddreg [dreg:$0x5];
	[sflag:s13] =	ssyncadd.s32 $0xFFFFC000  }
0xe3: {  	[tilespmem:s12], [sflag:$0x1] =	stream.indirect.gather [hbm4b:s4+s15], $0x80, s9, s15, $0xb8;
	[tilespmem:$0x1D000] =	vst v63  }
0xe4: {  	_ =	swait.ge [sflag:s18], $0x4000  }
0xe5: {  	[sflag:s18] =	ssyncset.done $0x0  }
0xe6: {  	s9 =	rddreg [dreg:$0x6];
	[sflag:s18] =	ssyncadd.s32 $0xFFFFC000  }
0xe7: {  	[spmem:s2] =	stream.indirect.scatter.add.f32 [tilespmem:s16], [sflag:$0x3], $0x80, s9, s15, $0xb8;
	[tilespmem:$0x1D000] =	vst v63  }
0xe8: {  	_ =	swait.ge [sflag:s13], $0x4000  }
0xe9: {  	[sflag:s13] =	ssyncset.done $0x0  }
0xea: {  	s9 =	rddreg [dreg:$0x7];
	[sflag:s13] =	ssyncadd.s32 $0xFFFFC000  }
0xeb: {  	[tilespmem:s16], [sflag:$0x2] =	stream.indirect.gather [hbm4b:s4+s15], $0x80, s9, s15, $0xb8;
	[tilespmem:$0x1D000] =	vst v63  }
0xec: {  	_ =	swait.ge [sflag:s17], $0x4000  }
0xed: {  	[sflag:s17] =	ssyncset.done $0x0  }
0xee: {  	s9 =	rddreg [dreg:$0x8];
	[sflag:s17] =	ssyncadd.s32 $0xFFFFC000  }
0xef: {  	[spmem:s2] =	stream.indirect.scatter.add.f32 [tilespmem:s12], [sflag:$0x3], $0x80, s9, s15, $0xb8;
	[tilespmem:$0x1D000] =	vst v63  }
0xf0: {  	_ =	swait.ge [sflag:s13], $0x4000  }
0xf1: {  	[sflag:s13] =	ssyncset.done $0x0  }
0xf2: {  	s9 =	rddreg [dreg:$0x9];
	[sflag:s13] =	ssyncadd.s32 $0xFFFFC000  }
0xf3: {  	[tilespmem:s12], [sflag:$0x1] =	stream.indirect.gather [hbm4b:s4+s15], $0x80, s9, s15, $0xb8;
	[tilespmem:$0x1D000] =	vst v63  }
0xf4: {  	_ =	swait.ge [sflag:s18], $0x4000  }
0xf5: {  	[sflag:s18] =	ssyncset.done $0x0  }
0xf6: {  	s9 =	rddreg [dreg:$0xa];
	[sflag:s18] =	ssyncadd.s32 $0xFFFFC000  }
0xf7: {  	[spmem:s2] =	stream.indirect.scatter.add.f32 [tilespmem:s16], [sflag:$0x3], $0x80, s9, s15, $0xb8;
	[tilespmem:$0x1D000] =	vst v63  }
0xf8: {  	_ =	swait.ge [sflag:s13], $0x4000  }
0xf9: {  	[sflag:s13] =	ssyncset.done $0x0  }
0xfa: {  	s9 =	rddreg [dreg:$0xb];
	[sflag:s13] =	ssyncadd.s32 $0xFFFFC000  }
0xfb: {  	[tilespmem:s16], [sflag:$0x2] =	stream.indirect.gather [hbm4b:s4+s15], $0x80, s9, s15, $0xb8;
	[tilespmem:$0x1D000] =	vst v63  }
0xfc: {  	_ =	swait.ge [sflag:s17], $0x4000  }
0xfd: {  	[sflag:s17] =	ssyncset.done $0x0  }
0xfe: {  	s9 =	rddreg [dreg:$0xc];
	[sflag:s17] =	ssyncadd.s32 $0xFFFFC000  }
0xff: {  	[spmem:s2] =	stream.indirect.scatter.add.f32 [tilespmem:s12], [sflag:$0x3], $0x80, s9, s15, $0xb8;
	[tilespmem:$0x1D000] =	vst v63  }
0x100: {  	_ =	swait.ge [sflag:s13], $0x4000  }
0x101: {  	[sflag:s13] =	ssyncset.done $0x0  }
0x102: {  	s9 =	rddreg [dreg:$0xd];
	[sflag:s13] =	ssyncadd.s32 $0xFFFFC000  }
0x103: {  	[tilespmem:s12], [sflag:$0x1] =	stream.indirect.gather [hbm4b:s4+s15], $0x80, s9, s15, $0xb8;
	[tilespmem:$0x1D000] =	vst v63  }
0x104: {  	_ =	swait.ge [sflag:s18], $0x4000  }
0x105: {  	[sflag:s18] =	ssyncset.done $0x0  }
0x106: {  	s9 =	rddreg [dreg:$0xe];
	[sflag:s18] =	ssyncadd.s32 $0xFFFFC000  }
0x107: {  	[spmem:s2] =	stream.indirect.scatter.add.f32 [tilespmem:s16], [sflag:$0x3], $0x80, s9, s15, $0xb8;
	[tilespmem:$0x1D000] =	vst v63  }
0x108: {  	_ =	swait.ge [sflag:s13], $0x4000  }
0x109: {  	[sflag:s13] =	ssyncset.done $0x0  }
0x10a: {  	s9 =	rddreg [dreg:$0xf];
	[sflag:s13] =	ssyncadd.s32 $0xFFFFC000  }
0x10b: {  	[tilespmem:s16], [sflag:$0x2] =	stream.indirect.gather [hbm4b:s4+s15], $0x80, s9, s15, $0xb8;
	[tilespmem:$0x1D000] =	vst v63  }
0x10c: {  	_ =	swait.ge [sflag:s17], $0x4000  }
0x10d: {  	[sflag:s17] =	ssyncset.done $0x0  }
0x10e: {  	s9 =	rddreg [dreg:$0x10];
	[sflag:s17] =	ssyncadd.s32 $0xFFFFC000  }
0x10f: {  	[spmem:s2] =	stream.indirect.scatter.add.f32 [tilespmem:s12], [sflag:$0x3], $0x80, s9, s15, $0xb8;
	[tilespmem:$0x1D000] =	vst v63  }
0x110: {  	_ =	swait.ge [sflag:s13], $0x4000  }
0x111: {  	[sflag:s13] =	ssyncset.done $0x0  }
0x112: {  	[sflag:s13] =	ssyncadd.s32 $0xFFFFC000  }
0x113: {  	[tilespmem:s12], [sflag:$0x1] =	stream.indirect.gather [hbm4b:s4+s15], $0x80, s19, s15, $0xb8;
	[tilespmem:$0x1D000] =	vst v63  }
0x114: {  	_ =	swait.ge [sflag:s18], $0x4000  }
0x115: {  	[sflag:s18] =	ssyncset.done $0x0  }
0x116: {  	[sflag:s18] =	ssyncadd.s32 $0xFFFFC000  }
0x117: {  	[spmem:s2] =	stream.indirect.scatter.add.f32 [tilespmem:s16], [sflag:$0x3], $0x80, s20, s15, $0xb8;
	[tilespmem:$0x1D000] =	vst v63  }
0x118: {  	_ =	swait.ge [sflag:s13], $0x4000  }
0x119: {  	[sflag:s13] =	ssyncset.done $0x0  }
0x11a: {  	[sflag:s13] =	ssyncadd.s32 $0xFFFFC000  }
0x11b: {  	[tilespmem:s16], [sflag:$0x2] =	stream.indirect.gather [hbm4b:s4+s15], $0x80, s21, s15, $0xb8;
	[tilespmem:$0x1D000] =	vst v63  }
0x11c: {  	_ =	swait.ge [sflag:s17], $0x4000  }
0x11d: {  	[sflag:s17] =	ssyncset.done $0x0  }
0x11e: {  	[sflag:s17] =	ssyncadd.s32 $0xFFFFC000  }
0x11f: {  	[spmem:s2] =	stream.indirect.scatter.add.f32 [tilespmem:s12], [sflag:$0x3], $0x80, s22, s15, $0xb8;
	[tilespmem:$0x1D000] =	vst v63  }
0x120: {  	_ =	swait.ge [sflag:s13], $0x4000  }
0x121: {  	[sflag:s13] =	ssyncset.done $0x0  }
0x122: {  	[sflag:s13] =	ssyncadd.s32 $0xFFFFC000  }
0x123: {  	[tilespmem:s12], [sflag:$0x1] =	stream.indirect.gather [hbm4b:s4+s15], $0x80, s23, s15, $0xb8;
	[tilespmem:$0x1D000] =	vst v63  }
0x124: {  	_ =	swait.ge [sflag:s18], $0x4000  }
0x125: {  	[sflag:s18] =	ssyncset.done $0x0  }
0x126: {  	[sflag:s18] =	ssyncadd.s32 $0xFFFFC000  }
0x127: {  	[spmem:s2] =	stream.indirect.scatter.add.f32 [tilespmem:s16], [sflag:$0x3], $0x80, s24, s15, $0xb8;
	[tilespmem:$0x1D000] =	vst v63  }
0x128: {  	_ =	swait.ge [sflag:s13], $0x4000  }
0x129: {  	[sflag:s13] =	ssyncset.done $0x0  }
0x12a: {  	[sflag:s13] =	ssyncadd.s32 $0xFFFFC000  }
0x12b: {  	[tilespmem:s16], [sflag:$0x2] =	stream.indirect.gather [hbm4b:s4+s15], $0x80, s25, s15, $0xb8;
	[tilespmem:$0x1D000] =	vst v63  }
0x12c: {  	_ =	swait.ge [sflag:s17], $0x4000  }
0x12d: {  	[sflag:s17] =	ssyncset.done $0x0  }
0x12e: {  	[sflag:s17] =	ssyncadd.s32 $0xFFFFC000  }
0x12f: {  	[spmem:s2] =	stream.indirect.scatter.add.f32 [tilespmem:s12], [sflag:$0x3], $0x80, s26, s15, $0xb8;
	[tilespmem:$0x1D000] =	vst v63  }
0x130: {  	_ =	swait.ge [sflag:s13], $0x4000  }
0x131: {  	[sflag:s13] =	ssyncset.done $0x0  }
0x132: {  	[sflag:s13] =	ssyncadd.s32 $0xFFFFC000  }
0x133: {  	[tilespmem:s12], [sflag:$0x1] =	stream.indirect.gather [hbm4b:s4+s15], $0x80, s28, s15, $0xb8;
	[tilespmem:$0x1D000] =	vst v63  }
0x134: {  	_ =	swait.ge [sflag:s18], $0x4000  }
0x135: {  	[sflag:s18] =	ssyncset.done $0x0  }
0x136: {  	[sflag:s18] =	ssyncadd.s32 $0xFFFFC000  }
0x137: {  	[spmem:s2] =	stream.indirect.scatter.add.f32 [tilespmem:s16], [sflag:$0x3], $0x80, s29, s15, $0xb8;
	[tilespmem:$0x1D000] =	vst v63  }
0x138: {  	_ =	swait.ge [sflag:s13], $0x4000  }
0x139: {  	[sflag:s13] =	ssyncset.done $0x0  }
0x13a: {  	[sflag:s13] =	ssyncadd.s32 $0xFFFFC000  }
0x13b: {  	[tilespmem:s16], [sflag:$0x2] =	stream.indirect.gather [hbm4b:s4+s15], $0x80, s30, s15, $0xb8;
	[tilespmem:$0x1D000] =	vst v63  }
0x13c: {  	_ =	swait.ge [sflag:s17], $0x4000  }
0x13d: {  	[sflag:s17] =	ssyncset.done $0x0  }
0x13e: {  	[sflag:s17] =	ssyncadd.s32 $0xFFFFC000  }
0x13f: {  	[spmem:s2] =	stream.indirect.scatter.add.f32 [tilespmem:s12], [sflag:$0x3], $0x80, s31, s15, $0xb8;
	[tilespmem:$0x1D000] =	vst v63  }
0x140: {  	_ =	swait.ge [sflag:s13], $0x4000  }
0x141: {  	[sflag:s13] =	ssyncset.done $0x0  }
0x142: {  	[sflag:s13] =	ssyncadd.s32 $0xFFFFC000  }
0x143: {  	[tilespmem:s12], [sflag:$0x1] =	stream.indirect.gather [hbm4b:s4+s15], $0x80, s1, s15, $0xb8;
	[tilespmem:$0x1D000] =	vst v63  }
0x144: {  	_ =	swait.ge [sflag:s18], $0x4000  }
0x145: {  	[sflag:s18] =	ssyncset.done $0x0  }
0x146: {  	[sflag:s18] =	ssyncadd.s32 $0xFFFFC000  }
0x147: {  	[spmem:s2] =	stream.indirect.scatter.add.f32 [tilespmem:s16], [sflag:$0x3], $0x80, s0, s15, $0xb8;
	[tilespmem:$0x1D000] =	vst v63  }
0x148: {  	_ =	swait.ge [sflag:s13], $0x4000  }
0x149: {  	[sflag:s13] =	ssyncset.done $0x0  }
0x14a: {  	[sflag:s13] =	ssyncadd.s32 $0xFFFFC000  }
0x14b: {  	[tilespmem:s16], [sflag:$0x2] =	stream.indirect.gather [hbm4b:s4+s15], $0x80, s6, s15, $0xb8;
	[tilespmem:$0x1D000] =	vst v63  }
0x14c: {  	_ =	swait.ge [sflag:s17], $0x4000  }
0x14d: {  	[sflag:s17] =	ssyncset.done $0x0  }
0x14e: {  	[sflag:s17] =	ssyncadd.s32 $0xFFFFC000  }
0x14f: {  	[spmem:s2] =	stream.indirect.scatter.add.f32 [tilespmem:s12], [sflag:$0x3], $0x80, s7, s15, $0xb8;
	[tilespmem:$0x1D000] =	vst v63  }
0x150: {  	_ =	swait.ge [sflag:s13], $0x4000  }
0x151: {  	[sflag:s13] =	ssyncset.done $0x0  }
0x152: {  	[sflag:s13] =	ssyncadd.s32 $0xFFFFC000  }
0x153: {  	p0 =	sne.s32 s11, $0x400;
	_ =	swait.ge [sflag:s18], $0x4000  }
.Ltmp1:
0x154: {  	[sflag:s18] =	ssyncset.done $0x0;
	(pc) =	sbr.rel @p0 .LBB2_4-.Ltmp1, $4  }
0x155: {  	[sflag:s18] =	ssyncadd.s32 $0xFFFFC000  }
0x156: {  	[spmem:s2] =	stream.indirect.scatter.add.f32 [tilespmem:s16], [sflag:$0x3], $0x80, s8, s15, $0xb8;
	[tilespmem:$0x1D000] =	vst v63  }
0x157: {  	_ =	swait.ge [sflag:s13], $0x4000  }
0x158: {  	s11 =	sadd.s32 $0x100, s11;
	s5 =	rddreg [dreg:$0x4];
	[sflag:s13] =	ssyncset.done $0x0  }
0x159: {  	[sflag:s13] =	ssyncadd.s32 $0xFFFFC000;
	s5 =	sadd.s32 s10, s5  }
0x15a: {  	[tilespmem:s3], [sflag:$0x3] =	stream.linear.gather [hbm4b:s5+s3], $0x800, $0x38;
	[tilespmem:$0x1D000] =	vst v63  }
0x15b: {  	_ =	swait.ge [sflag:s13], $0x800  }
0x15c: {  	s9 =	rddreg [dreg:$0x3];
	[sflag:s13] =	ssyncset.done $0x0  }
0x15d: {  	[sflag:s13] =	ssyncadd.s32 $0xFFFFF800;
	s5 =	sadd.s32 s10, s9  }
0x15e: {  	[tilespmem:s14], [sflag:$0x3] =	stream.linear.gather [hbm4b:s5+s3], $0x800, $0x38;
	[tilespmem:$0x1D000] =	vst v63  }
0x15f: {  	_ =	swait.ge [sflag:s13], $0x800  }
0x160: {  	[sflag:s13] =	ssyncset.done $0x0  }
0x161: {  	[sflag:s13] =	ssyncadd.s32 $0xFFFFF800  }
0x162: {  	[tilespmem:s12], [sflag:$0x1] =	stream.indirect.gather [hbm4b:s4+s15], $0x80, s3, s15, $0xb8;
	[tilespmem:$0x1D000] =	vst v63  }
0x163: {  	_ = 	snop  }
0x164: {  	[tilespmem:s16], [sflag:$0x2] =	stream.indirect.gather [hbm4b:s4+s15], $0x80, s15, s15, $0xb8;
	[tilespmem:$0x1D000] =	vst v63  }
0x165: {  	_ =	swait.ge [sflag:s17], $0x4000  }
0x166: {  	[sflag:s17] =	ssyncset.done $0x0  }
0x167: {  	[sflag:s17] =	ssyncadd.s32 $0xFFFFC000  }
0x168: {  	[spmem:s2] =	stream.indirect.scatter.add.f32 [tilespmem:s12], [sflag:$0x3], $0x80, s14, s15, $0xb8;
	[tilespmem:$0x1D000] =	vst v63  }
0x169: {  	_ =	swait.ge [sflag:s13], $0x4000  }
0x16a: {  	[sflag:s13] =	ssyncset.done $0x0  }
0x16b: {  	s10 =	rddreg [dreg:$0x5];
	[sflag:s13] =	ssyncadd.s32 $0xFFFFC000  }
0x16c: {  	[tilespmem:s12], [sflag:$0x1] =	stream.indirect.gather [hbm4b:s4+s15], $0x80, s10, s15, $0xb8;
	[tilespmem:$0x1D000] =	vst v63  }
0x16d: {  	_ =	swait.ge [sflag:s18], $0x4000  }
0x16e: {  	[sflag:s18] =	ssyncset.done $0x0  }
0x16f: {  	s11 =	rddreg [dreg:$0x6];
	[sflag:s18] =	ssyncadd.s32 $0xFFFFC000  }
0x170: {  	[spmem:s2] =	stream.indirect.scatter.add.f32 [tilespmem:s16], [sflag:$0x3], $0x80, s11, s15, $0xb8;
	[tilespmem:$0x1D000] =	vst v63  }
0x171: {  	_ =	swait.ge [sflag:s13], $0x4000  }
0x172: {  	[sflag:s13] =	ssyncset.done $0x0  }
0x173: {  	s9 =	rddreg [dreg:$0x7];
	[sflag:s13] =	ssyncadd.s32 $0xFFFFC000  }
0x174: {  	[tilespmem:s16], [sflag:$0x2] =	stream.indirect.gather [hbm4b:s4+s15], $0x80, s9, s15, $0xb8;
	[tilespmem:$0x1D000] =	vst v63  }
0x175: {  	_ =	swait.ge [sflag:s17], $0x4000  }
0x176: {  	[sflag:s17] =	ssyncset.done $0x0  }
0x177: {  	s10 =	rddreg [dreg:$0x8];
	[sflag:s17] =	ssyncadd.s32 $0xFFFFC000  }
0x178: {  	[spmem:s2] =	stream.indirect.scatter.add.f32 [tilespmem:s12], [sflag:$0x3], $0x80, s10, s15, $0xb8;
	[tilespmem:$0x1D000] =	vst v63  }
0x179: {  	_ =	swait.ge [sflag:s13], $0x4000  }
0x17a: {  	[sflag:s13] =	ssyncset.done $0x0  }
0x17b: {  	s11 =	rddreg [dreg:$0x9];
	[sflag:s13] =	ssyncadd.s32 $0xFFFFC000  }
0x17c: {  	[tilespmem:s12], [sflag:$0x1] =	stream.indirect.gather [hbm4b:s4+s15], $0x80, s11, s15, $0xb8;
	[tilespmem:$0x1D000] =	vst v63  }
0x17d: {  	_ =	swait.ge [sflag:s18], $0x4000  }
0x17e: {  	[sflag:s18] =	ssyncset.done $0x0  }
0x17f: {  	s9 =	rddreg [dreg:$0xa];
	[sflag:s18] =	ssyncadd.s32 $0xFFFFC000  }
0x180: {  	[spmem:s2] =	stream.indirect.scatter.add.f32 [tilespmem:s16], [sflag:$0x3], $0x80, s9, s15, $0xb8;
	[tilespmem:$0x1D000] =	vst v63  }
0x181: {  	_ =	swait.ge [sflag:s13], $0x4000  }
0x182: {  	[sflag:s13] =	ssyncset.done $0x0  }
0x183: {  	s10 =	rddreg [dreg:$0xb];
	[sflag:s13] =	ssyncadd.s32 $0xFFFFC000  }
0x184: {  	[tilespmem:s16], [sflag:$0x2] =	stream.indirect.gather [hbm4b:s4+s15], $0x80, s10, s15, $0xb8;
	[tilespmem:$0x1D000] =	vst v63  }
0x185: {  	_ =	swait.ge [sflag:s17], $0x4000  }
0x186: {  	[sflag:s17] =	ssyncset.done $0x0  }
0x187: {  	s11 =	rddreg [dreg:$0xc];
	[sflag:s17] =	ssyncadd.s32 $0xFFFFC000  }
0x188: {  	[spmem:s2] =	stream.indirect.scatter.add.f32 [tilespmem:s12], [sflag:$0x3], $0x80, s11, s15, $0xb8;
	[tilespmem:$0x1D000] =	vst v63  }
0x189: {  	_ =	swait.ge [sflag:s13], $0x4000  }
0x18a: {  	[sflag:s13] =	ssyncset.done $0x0  }
0x18b: {  	s9 =	rddreg [dreg:$0xd];
	[sflag:s13] =	ssyncadd.s32 $0xFFFFC000  }
0x18c: {  	[tilespmem:s12], [sflag:$0x1] =	stream.indirect.gather [hbm4b:s4+s15], $0x80, s9, s15, $0xb8;
	[tilespmem:$0x1D000] =	vst v63  }
0x18d: {  	_ =	swait.ge [sflag:s18], $0x4000  }
0x18e: {  	[sflag:s18] =	ssyncset.done $0x0  }
0x18f: {  	s10 =	rddreg [dreg:$0xe];
	[sflag:s18] =	ssyncadd.s32 $0xFFFFC000  }
0x190: {  	[spmem:s2] =	stream.indirect.scatter.add.f32 [tilespmem:s16], [sflag:$0x3], $0x80, s10, s15, $0xb8;
	[tilespmem:$0x1D000] =	vst v63  }
0x191: {  	_ =	swait.ge [sflag:s13], $0x4000  }
0x192: {  	[sflag:s13] =	ssyncset.done $0x0  }
0x193: {  	s11 =	rddreg [dreg:$0xf];
	[sflag:s13] =	ssyncadd.s32 $0xFFFFC000  }
0x194: {  	[tilespmem:s16], [sflag:$0x2] =	stream.indirect.gather [hbm4b:s4+s15], $0x80, s11, s15, $0xb8;
	[tilespmem:$0x1D000] =	vst v63  }
0x195: {  	_ =	swait.ge [sflag:s17], $0x4000  }
0x196: {  	[sflag:s17] =	ssyncset.done $0x0  }
0x197: {  	s9 =	rddreg [dreg:$0x10];
	[sflag:s17] =	ssyncadd.s32 $0xFFFFC000  }
0x198: {  	[spmem:s2] =	stream.indirect.scatter.add.f32 [tilespmem:s12], [sflag:$0x3], $0x80, s9, s15, $0xb8;
	[tilespmem:$0x1D000] =	vst v63  }
0x199: {  	_ =	swait.ge [sflag:s13], $0x4000  }
0x19a: {  	[sflag:s13] =	ssyncset.done $0x0  }
0x19b: {  	[sflag:s13] =	ssyncadd.s32 $0xFFFFC000  }
0x19c: {  	[tilespmem:s12], [sflag:$0x1] =	stream.indirect.gather [hbm4b:s4+s15], $0x80, s19, s15, $0xb8;
	[tilespmem:$0x1D000] =	vst v63  }
0x19d: {  	_ =	swait.ge [sflag:s18], $0x4000  }
0x19e: {  	[sflag:s18] =	ssyncset.done $0x0  }
0x19f: {  	[sflag:s18] =	ssyncadd.s32 $0xFFFFC000  }
0x1a0: {  	[spmem:s2] =	stream.indirect.scatter.add.f32 [tilespmem:s16], [sflag:$0x3], $0x80, s20, s15, $0xb8;
	[tilespmem:$0x1D000] =	vst v63  }
0x1a1: {  	_ =	swait.ge [sflag:s13], $0x4000  }
0x1a2: {  	[sflag:s13] =	ssyncset.done $0x0  }
0x1a3: {  	[sflag:s13] =	ssyncadd.s32 $0xFFFFC000  }
0x1a4: {  	[tilespmem:s16], [sflag:$0x2] =	stream.indirect.gather [hbm4b:s4+s15], $0x80, s21, s15, $0xb8;
	[tilespmem:$0x1D000] =	vst v63  }
0x1a5: {  	_ =	swait.ge [sflag:s17], $0x4000  }
0x1a6: {  	[sflag:s17] =	ssyncset.done $0x0  }
0x1a7: {  	[sflag:s17] =	ssyncadd.s32 $0xFFFFC000  }
0x1a8: {  	[spmem:s2] =	stream.indirect.scatter.add.f32 [tilespmem:s12], [sflag:$0x3], $0x80, s22, s15, $0xb8;
	[tilespmem:$0x1D000] =	vst v63  }
0x1a9: {  	_ =	swait.ge [sflag:s13], $0x4000  }
0x1aa: {  	[sflag:s13] =	ssyncset.done $0x0  }
0x1ab: {  	[sflag:s13] =	ssyncadd.s32 $0xFFFFC000  }
0x1ac: {  	[tilespmem:s12], [sflag:$0x1] =	stream.indirect.gather [hbm4b:s4+s15], $0x80, s23, s15, $0xb8;
	[tilespmem:$0x1D000] =	vst v63  }
0x1ad: {  	_ =	swait.ge [sflag:s18], $0x4000  }
0x1ae: {  	[sflag:s18] =	ssyncset.done $0x0  }
0x1af: {  	[sflag:s18] =	ssyncadd.s32 $0xFFFFC000  }
0x1b0: {  	[spmem:s2] =	stream.indirect.scatter.add.f32 [tilespmem:s16], [sflag:$0x3], $0x80, s24, s15, $0xb8;
	[tilespmem:$0x1D000] =	vst v63  }
0x1b1: {  	_ =	swait.ge [sflag:s13], $0x4000  }
0x1b2: {  	[sflag:s13] =	ssyncset.done $0x0  }
0x1b3: {  	[sflag:s13] =	ssyncadd.s32 $0xFFFFC000  }
0x1b4: {  	[tilespmem:s16], [sflag:$0x2] =	stream.indirect.gather [hbm4b:s4+s15], $0x80, s25, s15, $0xb8;
	[tilespmem:$0x1D000] =	vst v63  }
0x1b5: {  	_ =	swait.ge [sflag:s17], $0x4000  }
0x1b6: {  	[sflag:s17] =	ssyncset.done $0x0  }
0x1b7: {  	[sflag:s17] =	ssyncadd.s32 $0xFFFFC000  }
0x1b8: {  	[spmem:s2] =	stream.indirect.scatter.add.f32 [tilespmem:s12], [sflag:$0x3], $0x80, s26, s15, $0xb8;
	[tilespmem:$0x1D000] =	vst v63  }
0x1b9: {  	_ =	swait.ge [sflag:s13], $0x4000  }
0x1ba: {  	[sflag:s13] =	ssyncset.done $0x0  }
0x1bb: {  	[sflag:s13] =	ssyncadd.s32 $0xFFFFC000  }
0x1bc: {  	[tilespmem:s12], [sflag:$0x1] =	stream.indirect.gather [hbm4b:s4+s15], $0x80, s28, s15, $0xb8;
	[tilespmem:$0x1D000] =	vst v63  }
0x1bd: {  	_ =	swait.ge [sflag:s18], $0x4000  }
0x1be: {  	[sflag:s18] =	ssyncset.done $0x0  }
0x1bf: {  	[sflag:s18] =	ssyncadd.s32 $0xFFFFC000  }
0x1c0: {  	[spmem:s2] =	stream.indirect.scatter.add.f32 [tilespmem:s16], [sflag:$0x3], $0x80, s29, s15, $0xb8;
	[tilespmem:$0x1D000] =	vst v63  }
0x1c1: {  	_ =	swait.ge [sflag:s13], $0x4000  }
0x1c2: {  	[sflag:s13] =	ssyncset.done $0x0  }
0x1c3: {  	[sflag:s13] =	ssyncadd.s32 $0xFFFFC000  }
0x1c4: {  	[tilespmem:s16], [sflag:$0x2] =	stream.indirect.gather [hbm4b:s4+s15], $0x80, s30, s15, $0xb8;
	[tilespmem:$0x1D000] =	vst v63  }
0x1c5: {  	_ =	swait.ge [sflag:s17], $0x4000  }
0x1c6: {  	[sflag:s17] =	ssyncset.done $0x0  }
0x1c7: {  	[sflag:s17] =	ssyncadd.s32 $0xFFFFC000  }
0x1c8: {  	[spmem:s2] =	stream.indirect.scatter.add.f32 [tilespmem:s12], [sflag:$0x3], $0x80, s31, s15, $0xb8;
	[tilespmem:$0x1D000] =	vst v63  }
0x1c9: {  	_ =	swait.ge [sflag:s13], $0x4000  }
0x1ca: {  	[sflag:s13] =	ssyncset.done $0x0  }
0x1cb: {  	[sflag:s13] =	ssyncadd.s32 $0xFFFFC000  }
0x1cc: {  	[tilespmem:s12], [sflag:$0x1] =	stream.indirect.gather [hbm4b:s4+s15], $0x80, s1, s15, $0xb8;
	[tilespmem:$0x1D000] =	vst v63  }
0x1cd: {  	_ =	swait.ge [sflag:s18], $0x4000  }
0x1ce: {  	[sflag:s18] =	ssyncset.done $0x0  }
0x1cf: {  	[sflag:s18] =	ssyncadd.s32 $0xFFFFC000  }
0x1d0: {  	[spmem:s2] =	stream.indirect.scatter.add.f32 [tilespmem:s16], [sflag:$0x3], $0x80, s0, s15, $0xb8;
	[tilespmem:$0x1D000] =	vst v63  }
0x1d1: {  	_ =	swait.ge [sflag:s13], $0x4000  }
0x1d2: {  	[sflag:s13] =	ssyncset.done $0x0  }
0x1d3: {  	[sflag:s13] =	ssyncadd.s32 $0xFFFFC000  }
0x1d4: {  	[tilespmem:s16], [sflag:$0x2] =	stream.indirect.gather [hbm4b:s4+s15], $0x80, s6, s15, $0xb8;
	[tilespmem:$0x1D000] =	vst v63  }
0x1d5: {  	_ =	swait.ge [sflag:s17], $0x4000  }
0x1d6: {  	[sflag:s17] =	ssyncset.done $0x0  }
0x1d7: {  	[sflag:s17] =	ssyncadd.s32 $0xFFFFC000  }
0x1d8: {  	[spmem:s2] =	stream.indirect.scatter.add.f32 [tilespmem:s12], [sflag:$0x3], $0x80, s7, s15, $0xb8;
	[tilespmem:$0x1D000] =	vst v63  }
0x1d9: {  	_ =	swait.ge [sflag:s13], $0x4000  }
0x1da: {  	[sflag:s13] =	ssyncset.done $0x0  }
0x1db: {  	[sflag:s13] =	ssyncadd.s32 $0xFFFFC000  }
0x1dc: {  	_ =	swait.ge [sflag:s18], $0x4000  }
0x1dd: {  	[sflag:s18] =	ssyncset.done $0x0  }
0x1de: {  	[sflag:s18] =	ssyncadd.s32 $0xFFFFC000  }
0x1df: {  	[spmem:s2] =	stream.indirect.scatter.add.f32 [tilespmem:s16], [sflag:$0x3], $0x80, s8, s15, $0xb8;
	[tilespmem:$0x1D000] =	vst v63  }
0x1e0: {  	_ =	swait.ge [sflag:s13], $0x4000  }
0x1e1: {  	[sflag:s13] =	ssyncset.done $0x0  }
0x1e2: {  	[sflag:s13] =	ssyncadd.s32 $0xFFFFC000  }
0x1e3: {  	s10 =	stileid.u32;
	[bflag:$0x0] =	sbarrier.arrive $0xFFFF  }
0x1e4: {  	s5 =	sshll.u32 s10, $0x6;
	s9 =	rddreg [dreg:$0x11]  }
0x1e5: {  	s5 =	sor.u32 $0x1C03, s5;
	s11 =	rddreg [dreg:$0x17];
	s9 =	sshrl.u32 s9, $0x3  }
0x1e6: {  	[hbm:s11], [sflag:s5] =	dma.local [spmem:s9], $0x2800  }
0x1e7: {  	_ =	swait.ge [sflag:s13], $0x2800  }
0x1e8: {  	s10 =	rddreg [dreg:$0x18]  }
0x1e9: {  	s11 =	rddreg [dreg:$0x16];
	s9 =	sadd.s32 $0x1, s10  }
0x1ea: {  	p0 =	sne.s32 s9, s11  }
.Ltmp2:
0x1eb: {  	_ = 	snop;
	(pc) =	sbr.rel @p0 .LBB2_1-.Ltmp2, $3  }
0x1ec: {  	_ =	sdelay $0x1  }
0x1ed: {  	[sflag:s13] =	ssyncset.done $0x0  }
0x1ee: {  	[sflag:s13] =	ssyncadd.s32 $0xFFFFD800  }
0x1ef: {  	_ =	sfence.sel $0x180000  }
0x1f0: {  	[bflag:$0x0] =	sbarrier.arrive $0xFFFF  }
0x1f1: {  	_ =	strace $0x90000050  }
0x1f2: {  	s0 =	stileid.u32;
	[bflag:$0x2] =	sbarrier.arrive $0xFFFF  }
0x1f3: {  	p0 =	sne.s32 s0, $0x0;
	s0 =	rddreg [dreg:$0x2]  }
0x1f4: {  	s0 =	sadd.s32 @!p0 $0x100000, s0  }
0x1f5: {  	[sflag:s0] =	ssyncadd.tile.s32 @!p0 $0x1;
	_ =	shalt  }
.Lfunc_end2:
_tile_overlayer_lowered:
.L_overlay_start_2:
0x1f6: {  	(tag) =	ssettag $0x2  }
0x1f7: {  	s0 =	rddreg [dreg:$0x0];
	s2 =	stileid.u32  }
0x1f8: {  	s1 =	rddreg [dreg:$0x1];
	p0 =	sne.s32 s2, $0x0  }
0x1f9: {  	s3 =	rddreg [dreg:$0x2];
	[bflag:$0x3] =	sbarrier.arrive $0xFFFF;
	s2 =	simm.s32 @!p0 $0x1C03  }
0x1fa: {  	[timem:s3], [sflag:s2] =	dma.local @!p0 [hbm:s0], s1  }
0x1fb: {  	s0 =	simm.s32 @!p0 $0x3  }
0x1fc: {  	_ =	swait.ge @!p0 [sflag:s0], s1  }
0x1fd: {  	s1 =	ssub.s32 @!p0 $0x0, s1;
	[sflag:s0] =	ssyncset.done @!p0 $0x0  }
0x1fe: {  	[sflag:s0] =	ssyncadd.s32 @!p0 s1  }
0x1ff: {  	[bflag:$0x3] =	sbarrier.arrive $0xFFFF  }
0x200: {  	_ =	shalt  }

// kernel: _run.9.cloned.1.call-start
scs
__scs_entry_jumppad:
0x0: {  	(pc) =	sbr.rel $0x88, $3  }
0x1: {  	(tag) =	ssettag $0x0;
	lr =	simm.s32 $0x1  }
0x2: {  	[smem:$0x3F9B] =	sst lr;
	_ =	strace $0xD0000000  }
0x3: {  	_ = 	snop  }
0x4: {  	_ = 	snop  }
0x5: {  	_ = 	snop  }
0x6: {  	_ = 	snop  }
0x7: {  	_ = 	snop  }
__scs_overlays_trampoline_lowered:
0x8: {  	[smem:$0x3FAA] =	sst s0  }
0x9: {  	[smem:$0x3FAB] =	sst s1  }
0xa: {  	[smem:$0x3FAC] =	sst s2  }
0xb: {  	[smem:$0x3FAD] =	sst s3  }
0xc: {  	[smem:$0x3FAE] =	sst s4  }
0xd: {  	[smem:$0x3FAF] =	sst s5  }
0xe: {  	[smem:$0x3FB0] =	sst s6  }
0xf: {  	[smem:$0x3FB1] =	sst s7  }
0x10: {  	[smem:$0x3FB2] =	sst s8  }
0x11: {  	[smem:$0x3FB3] =	sst s9;
	s0 =	simm.s32 @!p0 $0x0  }
0x12: {  	s1 =	sld [smem:$0x3F99];
	s0 =	simm.s32 @p0 $0x1  }
0x13: {  	[smem:$0x3FB4] =	sst s0;
	s0 =	simm.s32 @!p1 $0x0  }
0x14: {  	s2 =	sld [smem:$0x3F98];
	s0 =	simm.s32 @p1 $0x1  }
0x15: {  	[smem:$0x3FB5] =	sst s0;
	s0 =	simm.s32 @!p2 $0x0  }
0x16: {  	s3 =	sld [smem:$0x3FDB];
	s0 =	simm.s32 @p2 $0x1  }
0x17: {  	s4 =	simm.s32 $0x1BF5;
	[smem:$0x3FB7] =	sst s0  }
0x18: {  	s0 =	sld [smem:$0x3F9A];
	_ =	swait.ge [sflag:s4], $0x0  }
0x19: {  	s7 =	sld [smem:$0x3F9B]  }
0x1a: {  	s8 =	sadd.s32 $0xFFFFE003, lr  }
0x1b: {  	s9 =	sadd.s32 $0xFFFFFEF7, lr;
	s5 =	simm.s32 $0xFFFFFFFF;
	p2 =	slt.u32 s8, $0xFFFFF086  }
0x1c: {  	p1 =	slt.u32 s9, $0xF7A;
	s5 =	simm.s32 @!p2 $0x0  }
0x1d: {  	s5 =	simm.s32 @p1 $0x1;
	p0 =	seq.s32 s7, s2  }
0x1e: {  	s7 =	smul.u32 @!p0 $0xF7A, s2;
	p2 =	seq.s32 @!p0 s5, $0x0  }
0x1f: {  	s9 =	smul.u32 $0xF7A, s1;
	s8 =	simm.s32 @!p0 $0x1BF5;
	p2 =	por !p2, p0  }
0x20: {  	[sflag:s8] =	ssyncset.s32 @!p0 $0xFFFFF086;
	s6 =	sadd.s32 @!p0 s3, s7;
	s7 =	simm.s32 @!p0 $0x108  }
0x21: {  	s3 =	sadd.s32 s3, s9;
	s6 =	sadd.s32 @!p0 $0x88, s6;
	s7 =	simm.s32 @p2 $0x1082  }
0x22: {  	[simem:s7], [sflag:s8] =	dma.local @!p0 [hbm:s6], $0xF7A  }
0x23: {  	s9 =	sor.u32 $0xD0000000, s2;
	s6 =	simm.s32 $0x108;
	_ =	swait.ge @!p0 [sflag:s8], $0x0  }
0x24: {  	s3 =	sadd.s32 $0x88, s3;
	s6 =	simm.s32 @!p1 $0x1082;
	[sflag:s4] =	ssyncset.s32 $0xFFFFF086  }
0x25: {  	[simem:s6], [sflag:s4] =	dma.local [hbm:s3], $0xF7A  }
0x26: {  	[smem:$0x3F9B] =	sst s1;
	(tag) =	ssettag s2;
	_ =	strace s9  }
0x27: {  	s1 =	sld [smem:$0x3FAB]  }
0x28: {  	s2 =	sld [smem:$0x3FAC]  }
0x29: {  	s4 =	sld [smem:$0x3FAE]  }
0x2a: {  	p0 =	seq.s32 s5, $0x0;
	s5 =	sld [smem:$0x3FAF]  }
0x2b: {  	s6 =	sld [smem:$0x3FB0]  }
0x2c: {  	s7 =	sld [smem:$0x3FB1]  }
0x2d: {  	s3 =	simm.s32 $0x108;
	s8 =	sld [smem:$0x3FB2]  }
0x2e: {  	s3 =	simm.s32 @!p0 $0x1082;
	s9 =	sld [smem:$0x3FB3]  }
0x2f: {  	lr =	sadd.s32 s0, s3;
	s0 =	sld [smem:$0x3FAA]  }
0x30: {  	s3 =	sld [smem:$0x3FAD]  }
0x31: {  	[smem:$0x3FB6] =	sst s10  }
0x32: {  	s10 =	sld [smem:$0x3FB4];
	_ =	sdelay $0x3  }
0x33: {  	p0 =	seq.s32 s10, $0x1;
	s10 =	sld [smem:$0x3FB6];
	_ =	sdelay $0x3  }
0x34: {  	[smem:$0x3FB6] =	sst s10  }
0x35: {  	s10 =	sld [smem:$0x3FB5];
	_ =	sdelay $0x3  }
0x36: {  	p1 =	seq.s32 s10, $0x1;
	s10 =	sld [smem:$0x3FB6];
	_ =	sdelay $0x3  }
0x37: {  	[smem:$0x3FB6] =	sst s10  }
0x38: {  	s10 =	sld [smem:$0x3FB7]  }
0x39: {  	_ = 	snop;
	(pc) =	sbr.ind lr, $3  }
0x3a: {  	_ = 	snop  }
0x3b: {  	_ = 	snop  }
0x3c: {  	p2 =	seq.s32 s10, $0x1;
	s10 =	sld [smem:$0x3FB6]  }
0x3d: {  	_ =	shalt  }
0x3e: {  	_ =	shalt  }
0x3f: {  	_ =	shalt  }
0x40: {  	_ =	shalt  }
0x41: {  	_ =	shalt  }
0x42: {  	_ =	shalt  }
0x43: {  	_ =	shalt  }
0x44: {  	_ =	shalt  }
0x45: {  	_ =	shalt  }
0x46: {  	_ =	shalt  }
0x47: {  	_ =	shalt  }
0x48: {  	_ =	shalt  }
0x49: {  	_ =	shalt  }
0x4a: {  	_ =	shalt  }
0x4b: {  	_ =	shalt  }
0x4c: {  	_ =	shalt  }
0x4d: {  	_ =	shalt  }
0x4e: {  	_ =	shalt  }
0x4f: {  	_ =	shalt  }
0x50: {  	_ =	shalt  }
0x51: {  	_ =	shalt  }
0x52: {  	_ =	shalt  }
0x53: {  	_ =	shalt  }
0x54: {  	_ =	shalt  }
0x55: {  	_ =	shalt  }
0x56: {  	_ =	shalt  }
0x57: {  	_ =	shalt  }
0x58: {  	_ =	shalt  }
0x59: {  	_ =	shalt  }
0x5a: {  	_ =	shalt  }
0x5b: {  	_ =	shalt  }
0x5c: {  	_ =	shalt  }
0x5d: {  	_ =	shalt  }
0x5e: {  	_ =	shalt  }
0x5f: {  	_ =	shalt  }
0x60: {  	_ =	shalt  }
0x61: {  	_ =	shalt  }
0x62: {  	_ =	shalt  }
0x63: {  	_ =	shalt  }
0x64: {  	_ =	shalt  }
0x65: {  	_ =	shalt  }
0x66: {  	_ =	shalt  }
0x67: {  	_ =	shalt  }
0x68: {  	_ =	shalt  }
0x69: {  	_ =	shalt  }
0x6a: {  	_ =	shalt  }
0x6b: {  	_ =	shalt  }
0x6c: {  	_ =	shalt  }
0x6d: {  	_ =	shalt  }
0x6e: {  	_ =	shalt  }
0x6f: {  	_ =	shalt  }
0x70: {  	_ =	shalt  }
0x71: {  	_ =	shalt  }
0x72: {  	_ =	shalt  }
0x73: {  	_ =	shalt  }
0x74: {  	_ =	shalt  }
0x75: {  	_ =	shalt  }
0x76: {  	_ =	shalt  }
0x77: {  	_ =	shalt  }
0x78: {  	_ =	shalt  }
0x79: {  	_ =	shalt  }
0x7a: {  	_ =	shalt  }
0x7b: {  	_ =	shalt  }
0x7c: {  	_ =	shalt  }
0x7d: {  	_ =	shalt  }
0x7e: {  	_ =	shalt  }
0x7f: {  	_ =	shalt  }
0x80: {  	_ =	shalt  }
0x81: {  	_ =	shalt  }
0x82: {  	_ =	shalt  }
0x83: {  	_ =	shalt  }
0x84: {  	_ =	shalt  }
0x85: {  	_ =	shalt  }
0x86: {  	_ =	shalt  }
0x87: {  	_ =	shalt  }
.Lfunc_end0:
.L_simem_size_0:
called_computation_lowered:
.L_overlay_start_0:
0x88: {  	s2 =	sld [smem:$0x3FD9]  }
0x89: {  	s3 =	sld [smem:$0x3FFE];
	_ =	sdelay $0x1  }
0x8a: {  	s1 =	srdreg.scid  }
0x8b: {  	s0 =	sand.u32 $0x1, s1  }
0x8c: {  	s17 =	sshll.u32 s0, $0xA;
	s2 =	sadd.s32 s3, s2  }
0x8d: {  	s2 =	sadd.s32 s2, s17  }
0x8e: {  	[smem:$0x3FC2] =	sst s2  }
0x8f: {  	_ = 	snop  }
0x90: {  	s18 =	sld [smem:$0x3FD0];
	(tm) =	ssettm $0x1  }
0x91: {  	s19 =	sld [smem:$0x3FFB];
	_ =	sdelay $0x3  }
0x92: {  	_ =	strace s19  }
0x93: {  	s2 =	sld [smem:$0x3FFC];
	_ =	sdelay $0x3  }
0x94: {  	_ =	strace s2  }
0x95: {  	s2 =	sld [smem:$0x3FFD];
	_ =	sdelay $0x3  }
0x96: {  	_ =	strace s2  }
0x97: {  	_ =	strace $0x8FFFFFFF  }
0x98: {  	s20 =	sld [smem:$0x3FDB];
	_ =	sdelay $0x1  }
0x99: {  	s4 =	simm.s32 $_scs_section_size  }
0x9a: {  	s5 =	simm.s32 $_size__tile_overlayer_lowered;
	s6 =	simm.s32 $_tile_overlayer_lowered  }
0x9b: {  	s7 =	simm.s32 $0x1BFF;
	s21 =	sshll.u32 s6, $0x1;
	s4 =	sadd.s32 s4, s20  }
0x9c: {  	s22 =	simm.s32 $0x0;
	s5 =	sshll.u32 s5, $0x1;
	s6 =	sadd.s32 s21, s4  }
0x9d: {  	[timem:s22], [sflag:s7] =	dma.local [hbm:s6], s5  }
0x9e: {  	_ =	swait.ge [sflag:s7], s5  }
0x9f: {  	s5 =	ssub.s32 $0x0, s5;
	[sflag:s7] =	ssyncset.done $0x0  }
0xa0: {  	[sflag:s7] =	ssyncadd.s32 s5;
	_ =	sdelay $0x1  }
0xa1: {  	s23 =	simm.s32 $0x1B8B  }
0xa2: {  	_ =	swait.ge [sflag:s23], $0x1  }
0xa3: {  	[sflag:s23] =	ssyncset.done $0x0  }
0xa4: {  	[sflag:s23] =	ssyncadd.s32 $0xFFFFFFFF  }
0xa5: {  	s5 =	sld [smem:$0x0]  }
0xa6: {  	s6 =	sand.u32 $0xFFFFFFFE, s1  }
0xa7: {  	p0 =	sne.s32 s1, s6  }
0xa8: {  	s6 =	sshll.u32 @p0 s6, $0xE  }
0xa9: {  	s6 =	sadd.s32 @p0 $0x11B8D, s6;
	s7 =	sshll.u32 @p0 s5, $0x11  }
0xaa: {  	s6 =	sor.u32 @p0 s7, s6  }
0xab: {  	[sflag:s6] =	ssyncadd.remote.s32 @p0 $0x1;
	_ =	sdelay $0x1  }
0xac: {  	s6 =	simm.s32 @p0 $0x1B8D  }
0xad: {  	_ =	swait.eq @p0 [sflag:s6], $0x1  }
0xae: {  	[sflag:s6] =	ssyncadd.s32 @p0 $0xFFFFFFFF  }
0xaf: {  	s7 =	sshll.u32 @!p0 s1, $0xE  }
0xb0: {  	s7 =	sor.u32 @!p0 $0x4000, s7;
	s6 =	simm.s32 @!p0 $0x1B8D  }
0xb1: {  	s5 =	sshll.u32 @!p0 s5, $0x11;
	s7 =	sadd.s32 @!p0 $0x11B8D, s7;
	_ =	swait.eq @!p0 [sflag:s6], $0x1  }
0xb2: {  	s5 =	sor.u32 @!p0 s5, s7;
	[sflag:s6] =	ssyncadd.s32 @!p0 $0xFFFFFFFF  }
0xb3: {  	s25 =	simm.s32 $0x1B8E;
	s24 =	sld [smem:$0x3FFE];
	[sflag:s5] =	ssyncadd.remote.s32 @!p0 $0x1  }
0xb4: {  	s26 =	simm.s32 $execute0_lowered;
	[smem:$0x3FD2] =	sst s25  }
0xb5: {  	s6 =	sshll.u32 s26, $0x1;
	_ =	strace $0x80000049;
	[dreg:$0x1] =	wrdreg $0xFFFFFFFF  }
0xb6: {  	s28 =	simm.s32 $_size_execute0_lowered;
	s4 =	sadd.s32 s4, s6;
	[dreg:$0x0] =	wrdreg $0x0  }
0xb7: {  	s6 =	sshll.u32 s28, $0x1;
	[dreg:$0x2] =	wrdreg s4  }
0xb8: {  	[dreg:$0x3] =	wrdreg s6  }
0xb9: {  	[dreg:$0x4] =	wrdreg $0xC0  }
0xba: {  	_ =	task [dreg:s22], $0x5FFFF  }
0xbb: {  	[dreg:$0x1] =	wrdreg $0xFFFFFFFF  }
0xbc: {  	[dreg:$0x0] =	wrdreg $0x60  }
0xbd: {  	[dreg:$0x2] =	wrdreg s18  }
0xbe: {  	[dreg:$0x3] =	wrdreg s24  }
0xbf: {  	[dreg:$0x4] =	wrdreg $0x9  }
0xc0: {  	_ =	task.clear_ibuf [dreg:s22], $0x5FFFF;
	_ =	strace $0x90000049  }
0xc1: {  	s29 =	simm.s32 $0x9;
	_ =	strace $0x8000004B  }
0xc2: {  	_ =	swait.ge [sflag:s29], $0x1  }
0xc3: {  	[sflag:s29] =	ssyncadd.s32 $0xFFFFFFFF  }
0xc4: {  	_ =	strace $0x9000004B  }
0xc5: {  	_ =	sfence  }
0xc6: {  	s30 =	sld [smem:$0x0];
	_ =	sdelay $0x2  }
0xc7: {  	s31 =	sshll.u32 s1, $0xD;
	s1 =	sshrl.u32 s1, $0x2  }
0xc8: {  	s4 =	sand.u32 $0x4000, s31;
	s1 =	sadd.s32 s1, s30  }
0xc9: {  	s0 =	sor.u32 s4, s0;
	s1 =	sshll.u32 s1, $0x11  }
0xca: {  	s0 =	sor.u32 s1, s0  }
0xcb: {  	s0 =	sadd.s32 $0x8F2B, s0  }
0xcc: {  	[sflag:s0] =	ssyncadd.remote.s32 $0x1  }
0xcd: {  	_ =	sfence.sel $0xFFFF  }
0xce: {  	[dreg:$0x0] =	wrdreg $0xFFFFFFFF;
	(pc) =	sbr.abs _section_cstart, $3  }
0xcf: {  	[dreg:$0x1] =	wrdreg $0xFFFFFFFF  }
0xd0: {  	_ =	task.clear_ibuf [dreg:s22], $0x2FFFF;
	_ =	strace $0x9FFFFFFF  }
0xd1: {  	(tm) =	ssettm $0x7FFFFFFF  }
tec
execute0_lowered:
.L_overlay_start_1:
0x0: {  	(tag) =	ssettag $0x1  }
0x1: {  	s4 =	rddreg [dreg:$0x0]  }
0x2: {  	s0 =	srdreg.scid;
	s5 =	rddreg [dreg:$0x1]  }
0x3: {  	s2 =	simm.s32 $0x0;
	s9 =	simm.s32 $0x2800;
	s3 =	sand.u32 $0x1, s0  }
0x4: {  	s10 =	simm.s32 $0xA000;
	s0 =	stileid.u32;
	s1 =	sshll.u32 s3, $0x4  }
0x5: {  	s11 =	simm.s32 $0x5000;
	s12 =	simm.s32 $0x7800;
	s6 =	sor.u32 s0, s1  }
0x6: {  	[smem:$0x7FF] =	sst s2;
	s3 =	ssub.s32 $0x2, s3;
	s6 =	smul.u32 $0x500, s6  }
0x7: {  	s13 =	simm.s32 $0x0;
	s1 =	rddreg [dreg:$0x2];
	s31 =	sshrl.u32 s3, $0x1  }
0x8: {  	_ =	strace $0x8000004A;
	s8 =	ssub.s32 s3, s31;
	s7 =	sadd.s32 s6, s5  }
0x9: {  	v1 =	vlaneseq.u32;
	s3 =	sadd.s32 s4, s6;
	s4 =	sadd.s32 $0xE200, s7;
	s5 =	sadd.s32 $0x22200, s7  }
0xa: {  	v0 =	vimm.s32 $0x0;
	v2 =	vimm.s32 $0x1;
	v1 =	vmul.u32 $0x140, v1;
	s6 =	sadd.s32 $0x2C200, s7;
	s7 =	smax.u32 s8, $0x1;
	s8 =	simm.s32 $0x1  }
.LBB2_1:
0xb: {  	[tilespmem:s2], [sflag:$0x1] =	stream.linear.gather [hbm4b:s3+s2], $0x2800, $0x38;
	[tilespmem:$0xB400] =	vst v63  }
0xc: {  	_ =	swait.ge [sflag:s8], $0x2800  }
0xd: {  	[sflag:s8] =	ssyncset.done $0x0  }
0xe: {  	[sflag:s8] =	ssyncadd.s32 $0xFFFFD800  }
0xf: {  	[tilespmem:s9], [sflag:$0x1] =	stream.linear.gather [hbm4b:s4+s2], $0x2800, $0x38;
	[tilespmem:$0xB400] =	vst v63  }
0x10: {  	_ =	swait.ge [sflag:s8], $0x2800  }
0x11: {  	[sflag:s8] =	ssyncset.done $0x0  }
0x12: {  	s14 =	simm.s32 $0x40;
	s15 =	simm.s32 $0x0;
	[sflag:s8] =	ssyncadd.s32 $0xFFFFD800  }
.LBB2_2:
0x13: {  	p0 =	sne.s32 s14, $0x4FC0;
	[tilespmem:s15+$0xA000] =	vst v0;
	s15 =	smov.u32 s14;
	s14 =	sadd.s32 $0x40, s14  }
.Ltmp0:
0x14: {  	(pc) =	sbr.rel @p0 .LBB2_2-.Ltmp0, $2  }
0x15: {  	_ =	sdelay $0x2  }
0x16: {  	s15 =	sshra.s32 s15, $0x2  }
0x17: {  	[tilespmem:s15+$0xA000] =	vst v0;
	s14 =	simm.s32 $0x0;
	s16 =	simm.s32 $0x0;
	s15 =	simm.s32 $0x40  }
.LBB2_4:
0x18: {  	p0 =	sne.s32 s15, $0x9FC0;
	v3 =	vld [tilespmem:s16+$0x0];
	_ =	sdelay $0x4  }
0x19: {  	v3 =	vshrl.u32 v3, $0x5  }
0x1a: {  	v3 =	vadd.s32 v1, v3  }
.Ltmp1:
0x1b: {  	(pc) =	sbr.rel @p0 .LBB2_4-.Ltmp1, $2  }
0x1c: {  	_ =	sdelay $0x2  }
0x1d: {  	s16 =	sshra.s32 s15, $0x2;
	s15 =	sadd.s32 $0x40, s15;
	[tilespmem:v3+s10+$0x0] =	vst.idx.add.s32.msk $0xffff, v2  }
0x1e: {  	v3 =	vld [tilespmem:s16+$0x0];
	_ =	sdelay $0x4  }
0x1f: {  	v3 =	vshrl.u32 v3, $0x5  }
0x20: {  	v3 =	vadd.s32 v1, v3;
	_ =	sdelay $0x4  }
0x21: {  	s17 =	simm.s32 $0x0;
	[tilespmem:v3+s10+$0x0] =	vst.idx.add.s32.msk $0xffff, v2  }
0x22: {  	v3 =	vld [tilespmem:s17+$0xA000];
	_ =	sdelay $0x4  }
0x23: {  	(xrf0) =	vadd.scan.msk.s32 $0xffff, v3;
	_ =	sdelay $0x5  }
0x24: {  	v4, _, _ =	vpop (xrf0)  }
0x25: {  	(v2sf) =	vpush v4, $0xF  }
0x26: {  	v3 =	vsub.s32 s14, v3  }
0x27: {  	v3 =	vadd.s32 v4, v3  }
0x28: {  	s15 =	simm.s32 $0x10;
	s16 =	simm.s32 $0x80;
	[tilespmem:s17+$0xA000] =	vst v3  }
.LBB2_6:
0x29: {  	p0 =	sne.s32 s16, $0x4FC0;
	v3 =	vld [tilespmem:s15+$0xA000];
	_ =	sdelay $0x4  }
0x2a: {  	(xrf0) =	vadd.scan.msk.s32 $0xffff, v3;
	_ =	sdelay $0x5  }
.Ltmp2:
0x2b: {  	v4, _, _ =	vpop (xrf0);
	s17 =	spop (v2sf);
	(pc) =	sbr.rel @p0 .LBB2_6-.Ltmp2, $4  }
0x2c: {  	(v2sf) =	vpush v4, $0xF;
	s14 =	sadd.s32 s14, s17  }
0x2d: {  	v3 =	vsub.s32 s14, v3  }
0x2e: {  	v3 =	vadd.s32 v4, v3  }
0x2f: {  	[tilespmem:s15+$0xA000] =	vst v3;
	s15 =	sshra.s32 s16, $0x2;
	s16 =	sadd.s32 $0x40, s16  }
0x30: {  	_ =	sdelay $0x1  }
0x31: {  	v3 =	vld [tilespmem:s15+$0xA000];
	_ =	sdelay $0x4  }
0x32: {  	(xrf0) =	vadd.scan.msk.s32 $0xffff, v3;
	_ =	sdelay $0x3  }
0x33: {  	s16 =	spop (v2sf)  }
0x34: {  	s14 =	sadd.s32 s14, s16  }
0x35: {  	v4, _, _ =	vpop (xrf0);
	v3 =	vsub.s32 s14, v3  }
0x36: {  	v3 =	vadd.s32 v4, v3  }
0x37: {  	s30 =	simm.s32 $0x0;
	[tilespmem:s15+$0xA000] =	vst v3  }
0x38: {  	v5 =	vld [tilespmem:s30+$0x0];
	_ =	sdelay $0x4  }
0x39: {  	(v2sf) =	vpush v4, $0xF;
	v3 =	vshrl.u32 v5, $0x5  }
0x3a: {  	v3 =	vadd.s32 v1, v3;
	_ =	sdelay $0x4  }
0x3b: {  	v4 =	vld.idx.msk [tilespmem:v3+s10+$0x0], $0xffff;
	_ =	sdelay $0x3  }
0x3c: {  	v6 =	vld [tilespmem:s30+$0x2800];
	_ =	sdelay $0x3  }
0x3d: {  	[tilespmem:v4+s11+$0x0] =	vst.idx.msk $0xffff, v5  }
0x3e: {  	s14 =	simm.s32 $0x40;
	s15 =	simm.s32 $0x80;
	s31 =	spop (v2sf);
	[tilespmem:v4+s12+$0x0] =	vst.idx.msk $0xffff, v6;
	v4 =	vadd.s32 $0x1, v4  }
.LBB2_8:
0x3f: {  	p0 =	sne.s32 s15, $0x9FC0  }
0x40: {  	s16 =	sshra.s32 s14, $0x2;
	[tilespmem:v3+s10+$0x0] =	vst.idx.msk $0xffff, v4;
	s14 =	smov.u32 s15;
	s15 =	sadd.s32 $0x40, s15  }
0x41: {  	v4 =	vld [tilespmem:s16+$0x0];
	_ =	sdelay $0x4  }
0x42: {  	v3 =	vshrl.u32 v4, $0x5  }
0x43: {  	v3 =	vadd.s32 v1, v3;
	_ =	sdelay $0x4  }
0x44: {  	v5 =	vld.idx.msk [tilespmem:v3+s10+$0x0], $0xffff;
	_ =	sdelay $0x3  }
0x45: {  	v6 =	vld [tilespmem:s16+$0x2800]  }
.Ltmp3:
0x46: {  	(pc) =	sbr.rel @p0 .LBB2_8-.Ltmp3, $3  }
0x47: {  	_ =	sdelay $0x1  }
0x48: {  	[tilespmem:v5+s11+$0x0] =	vst.idx.msk $0xffff, v4  }
0x49: {  	v4 =	vadd.s32 $0x1, v5;
	[tilespmem:v5+s12+$0x0] =	vst.idx.msk $0xffff, v6  }
0x4a: {  	_ =	sdelay $0x3  }
0x4b: {  	s14 =	sshra.s32 s14, $0x2;
	[tilespmem:v3+s10+$0x0] =	vst.idx.msk $0xffff, v4  }
0x4c: {  	v3 =	vld [tilespmem:s14+$0x0];
	_ =	sdelay $0x4  }
0x4d: {  	v63 =	vshrl.u32 v3, $0x5  }
0x4e: {  	v4 =	vadd.s32 v1, v63;
	_ =	sdelay $0x4  }
0x4f: {  	v5 =	vld.idx.msk [tilespmem:v4+s10+$0x0], $0xffff;
	_ =	sdelay $0x3  }
0x50: {  	v6 =	vld [tilespmem:s14+$0x2800];
	_ =	sdelay $0x3  }
0x51: {  	[tilespmem:v5+s11+$0x0] =	vst.idx.msk $0xffff, v3  }
0x52: {  	v3 =	vadd.s32 $0x1, v5;
	[tilespmem:v5+s12+$0x0] =	vst.idx.msk $0xffff, v6  }
0x53: {  	[tilespmem:v4+s10+$0x0] =	vst.idx.msk $0xffff, v3  }
0x54: {  	[hbm4b:s5+s2] =	stream.linear.scatter [tilespmem:s11], [sflag:$0x1], $0x2800, $0x38;
	[tilespmem:$0xB400] =	vst v63  }
0x55: {  	s13 =	sadd.s32 $0x1, s13;
	_ =	swait.ge [sflag:s8], $0x2800  }
0x56: {  	p0 =	sne.s32 s13, s7;
	[sflag:s8] =	ssyncset.done $0x0  }
.Ltmp4:
0x57: {  	[sflag:s8] =	ssyncadd.s32 $0xFFFFD800;
	(pc) =	sbr.rel @p0 .LBB2_1-.Ltmp4, $4  }
0x58: {  	[hbm4b:s6+s2] =	stream.linear.scatter [tilespmem:s12], [sflag:$0x1], $0x2800, $0x38;
	[tilespmem:$0xB400] =	vst v63  }
0x59: {  	_ =	swait.ge [sflag:s8], $0x2800  }
0x5a: {  	[sflag:s8] =	ssyncset.done $0x0  }
0x5b: {  	[sflag:s8] =	ssyncadd.s32 $0xFFFFD800  }
0x5c: {  	_ =	sfence.sel $0x180000  }
0x5d: {  	[bflag:$0x0] =	sbarrier.arrive $0xFFFF  }
0x5e: {  	p0 =	sne.s32 s0, $0x0;
	_ =	strace $0x9000004A  }
0x5f: {  	s0 =	sadd.s32 @!p0 $0x100000, s1;
	[bflag:$0x2] =	sbarrier.arrive $0xFFFF  }
0x60: {  	[sflag:s0] =	ssyncadd.tile.s32 @!p0 $0x1;
	_ =	shalt  }
.Lfunc_end2:
_tile_overlayer_lowered:
.L_overlay_start_2:
0x61: {  	(tag) =	ssettag $0x2  }
0x62: {  	s0 =	rddreg [dreg:$0x0];
	s2 =	stileid.u32  }
0x63: {  	s1 =	rddreg [dreg:$0x1];
	p0 =	sne.s32 s2, $0x0  }
0x64: {  	s3 =	rddreg [dreg:$0x2];
	[bflag:$0x3] =	sbarrier.arrive $0xFFFF;
	s2 =	simm.s32 @!p0 $0x1C01  }
0x65: {  	[timem:s3], [sflag:s2] =	dma.local @!p0 [hbm:s0], s1  }
0x66: {  	s0 =	simm.s32 @!p0 $0x1  }
0x67: {  	_ =	swait.ge @!p0 [sflag:s0], s1  }
0x68: {  	s1 =	ssub.s32 @!p0 $0x0, s1;
	[sflag:s0] =	ssyncset.done @!p0 $0x0  }
0x69: {  	[sflag:s0] =	ssyncadd.s32 @!p0 s1  }
0x6a: {  	[bflag:$0x3] =	sbarrier.arrive $0xFFFF  }
0x6b: {  	_ =	shalt  }

</sc_bundles>
